<compile_context>
chip_gen: v7x
topology: tpu7x:2x2x1
jax: 0.10.2.dev20260603
libtpu: 0.0.44.dev20260713+nightly
codegen_flags: <defaults>
</compile_context>

<pallas_src>
import jax
import jax.numpy as jnp
from jax import lax
from jax.experimental import pallas as pl
from jax.experimental.pallas import tpu as pltpu
from jax.experimental.pallas import tpu_sc as plsc

_N_NODES = 10000
_N_EDGES = 320000
_D = 128
_TOT = 2 * _N_EDGES

_NC = 2
_NS = 16
_NW = _NC * _NS
_PER_W = _TOT // _NW
_B = 80
_NBLK = _PER_W // _B
_NPAIR = _NBLK // 2
_GRP = _B // 16
_DW = _D // 2


def _neg_edges():
    key = jax.random.key(12345)
    ks, kt = jax.random.split(key)
    src = jax.random.randint(ks, (_N_EDGES,), 0, _N_NODES, dtype=jnp.int32)
    off = jax.random.randint(kt, (_N_EDGES,), 1, _N_NODES, dtype=jnp.int32)
    dst = (src + off) % _N_NODES
    return src, dst


def _softplus16(x):
    relu = jnp.maximum(x, jnp.float32(0.0))
    y = jnp.exp(-jnp.abs(x))
    u = y / (y + jnp.float32(2.0))
    u2 = u * u
    p = jnp.float32(1.0) + u2 * (
        jnp.float32(1.0 / 3.0) + u2 * (
            jnp.float32(1.0 / 5.0) + u2 * (
                jnp.float32(1.0 / 7.0) + u2 * jnp.float32(1.0 / 9.0))))
    return relu + jnp.float32(2.0) * u * p


def _sc_body(table, srcs, dsts, out, sidx, didx, sr0, dr0, sr1, dr1, scr,
             accv, stab, gs0, gd0, gs1, gd1):
    wid = lax.axis_index("s") * _NC + lax.axis_index("c")
    sid = lax.axis_index("s")
    sign = jnp.where(wid < _NW // 2, jnp.float32(-1.0), jnp.float32(1.0))
    sign_v = lax.broadcast_in_dim(sign, (16,), ())
    iota16 = lax.iota(jnp.int32, 16)

    rows_per_tile = _N_NODES // _NS
    pltpu.sync_copy(table.at[pl.ds(sid * rows_per_tile, rows_per_tile)],
                    stab.at[pl.ds(sid * rows_per_tile, rows_per_tile)])
    pltpu.sync_copy(srcs.at[wid], sidx)
    pltpu.sync_copy(dsts.at[wid], didx)
    plsc.subcore_barrier()

    def gather(blk, srow, drow, sem_s, sem_d):
        pltpu.async_copy(stab.at[sidx.at[blk]], srow, sem_s)
        pltpu.async_copy(stab.at[didx.at[blk]], drow, sem_d)

    def wait(srow, drow, sem_s, sem_d):
        pltpu.make_async_copy(stab.at[sidx.at[0]], srow, sem_s).wait()
        pltpu.make_async_copy(stab.at[didx.at[0]], drow, sem_d).wait()

    i16t = iota16 * 16

    def compute(srow, drow, scr, acc):
        def grp_body(g, acc_in):
            rowbase = g * 16
            pacc = [None] * 16
            for k in range(_DW // 16):
                for e in range(16):
                    r = rowbase + e
                    sb = plsc.bitcast(srow[r, pl.ds(k * 16, 16)], jnp.bfloat16)
                    tb = plsc.bitcast(drow[r, pl.ds(k * 16, 16)], jnp.bfloat16)
                    p = sb * tb
                    pacc[e] = p if pacc[e] is None else pacc[e] + p
            for e in range(16):
                p0, p1 = plsc.unpack(pacc[e],
                                     format=plsc.PackFormat.INTERLEAVED)
                rot = (iota16 + e) & 15
                plsc.store_scatter(scr, [e * 16 + rot], p0 + p1)
            cols = [plsc.load_gather(scr, [i16t + ((l + iota16) & 15)])
                    for l in range(16)]
            while len(cols) > 1:
                cols = [a + b for a, b in zip(cols[::2], cols[1::2])]
            return acc_in + _softplus16(sign_v * cols[0])

        return lax.fori_loop(0, _GRP, grp_body, acc)

    gather(0, sr0, dr0, gs0, gd0)

    def pair_body(m, acc):
        b0 = 2 * m
        gather(b0 + 1, sr1, dr1, gs1, gd1)
        wait(sr0, dr0, gs0, gd0)
        acc = compute(sr0, dr0, scr, acc)
        @pl.when(m < _NPAIR - 1)
        def _():
            gather(b0 + 2, sr0, dr0, gs0, gd0)
        wait(sr1, dr1, gs1, gd1)
        return compute(sr1, dr1, scr, acc)

    acc = lax.fori_loop(0, _NPAIR, pair_body, jnp.zeros((16,), jnp.float32))
    accv[...] = acc * jnp.float32(1.0 / _TOT)
    pltpu.sync_copy(accv, out.at[wid])


def _sc_loss(table, srcs, dsts):
    mesh = plsc.VectorSubcoreMesh(core_axis_name="c", subcore_axis_name="s",
                                  num_cores=_NC, num_subcores=_NS)
    f = pl.kernel(
        _sc_body,
        out_type=jax.ShapeDtypeStruct((_NW, 16), jnp.float32),
        mesh=mesh,
        compiler_params=pltpu.CompilerParams(needs_layout_passes=False,
                                             use_tc_tiling_on_sc=False),
        scratch_types=[
            pltpu.VMEM((_NBLK, _B), jnp.int32),
            pltpu.VMEM((_NBLK, _B), jnp.int32),
            pltpu.VMEM((_B, _DW), jnp.float32),
            pltpu.VMEM((_B, _DW), jnp.float32),
            pltpu.VMEM((_B, _DW), jnp.float32),
            pltpu.VMEM((_B, _DW), jnp.float32),
            pltpu.VMEM((256,), jnp.float32),
            pltpu.VMEM((16,), jnp.float32),
            pltpu.VMEM_SHARED((_N_NODES, _DW), jnp.float32),
            pltpu.SemaphoreType.DMA,
            pltpu.SemaphoreType.DMA,
            pltpu.SemaphoreType.DMA,
            pltpu.SemaphoreType.DMA,
        ],
    )
    return f(table, srcs, dsts)


def kernel(node_embeddings, edge_index, num_nodes):
    del num_nodes
    neg_src, neg_dst = _neg_edges()
    srcs = jnp.concatenate([edge_index[0], neg_src]).reshape(_NW, _NBLK, _B)
    dsts = jnp.concatenate([edge_index[1], neg_dst]).reshape(_NW, _NBLK, _B)
    packed = jax.lax.bitcast_convert_type(
        node_embeddings.astype(jnp.bfloat16).reshape(_N_NODES, _DW, 2),
        jnp.float32)
    partials = _sc_loss(packed, srcs, dsts)
    return jnp.sum(partials)

# --- scband reference (transcript-rebuilt; emitter-appended) ---
"""Pipeline reference for scband-graph-reconstruction-loss-48842368090167 (READ-ONLY COPY).

The authoritative reference and input builder live on the scoring server;
editing this copy changes nothing except your own understanding.
"""

import jax, jax.numpy as jnp
import numpy as np

N_NODES = 10000
N_EDGES = 320000
D_FEAT = 128


def setup_inputs(seed: int = 0) -> dict:
    key = jax.random.key(seed)
    k1, k2 = jax.random.split(key)
    node_embeddings = jax.random.normal(k1, (N_NODES, D_FEAT), dtype=jnp.float32)
    edge_index = jax.random.randint(k2, (2, N_EDGES), 0, N_NODES, dtype=jnp.int32)
    return {"node_embeddings": node_embeddings, "edge_index": edge_index, "num_nodes": N_NODES}


def _edge_scores(node_embeddings, src, dst):
    s = jnp.take(node_embeddings, src, axis=0)
    t = jnp.take(node_embeddings, dst, axis=0)
    return jnp.sum(s * t, axis=1)


def _sample_negative_edges(num_nodes, num_neg):
    # Uniform negative sampling; target offset construction guarantees no self-loops.
    # (Rejection against the positive edge set is statistically negligible at this
    # density and is replaced by uniform sampling for jax-compatibility.)
    key = jax.random.key(12345)
    ks, kt = jax.random.split(key)
    src = jax.random.randint(ks, (num_neg,), 0, num_nodes, dtype=jnp.int32)
    off = jax.random.randint(kt, (num_neg,), 1, num_nodes, dtype=jnp.int32)
    dst = (src + off) % num_nodes
    return src, dst


def _bce_with_logits_mean(scores, labels):
    # numerically stable binary_cross_entropy_with_logits, reduction='mean'
    return jnp.mean(jnp.maximum(scores, 0.0) - scores * labels + jnp.log1p(jnp.exp(-jnp.abs(scores))))


def reference(node_embeddings, edge_index, num_nodes):
    # edge_sampling_ratio == 1.0 -> use all positive edges
    pos_scores = _edge_scores(node_embeddings, edge_index[0], edge_index[1])
    num_neg = pos_scores.shape[0]
    neg_src, neg_dst = _sample_negative_edges(num_nodes, num_neg)
    neg_scores = _edge_scores(node_embeddings, neg_src, neg_dst)
    all_scores = jnp.concatenate([pos_scores, neg_scores])
    all_labels = jnp.concatenate([jnp.ones(num_neg, dtype=jnp.float32), jnp.zeros(num_neg, dtype=jnp.float32)])
    loss = _bce_with_logits_mean(all_scores, all_labels)
    return loss

if __name__ == "__main__":
    import jax
    _d = setup_inputs()
    print(jax.jit(kernel)(*tuple(_d.values())))

</pallas_src>

<mosaic_0001>
#map = affine_map<(d0, d1) -> (0, 0)>
#map1 = affine_map<(d0, d1) -> (0, 0, 0)>
module attributes {stable_mosaic.version = 14 : i64} {
  func.func @_sc_body(%arg0: i32, %arg1: i32, %arg2: memref<10000x64xf32, #tpu.memory_space<hbm>>, %arg3: memref<32x250x80xi32, #tpu.memory_space<hbm>>, %arg4: memref<32x250x80xi32, #tpu.memory_space<hbm>>, %arg5: memref<32x16xf32, #tpu.memory_space<hbm>>, %arg6: memref<250x80xi32, #tpu.memory_space<vmem>>, %arg7: memref<250x80xi32, #tpu.memory_space<vmem>>, %arg8: memref<80x64xf32, #tpu.memory_space<vmem>>, %arg9: memref<80x64xf32, #tpu.memory_space<vmem>>, %arg10: memref<80x64xf32, #tpu.memory_space<vmem>>, %arg11: memref<80x64xf32, #tpu.memory_space<vmem>>, %arg12: memref<256xf32, #tpu.memory_space<vmem>>, %arg13: memref<16xf32, #tpu.memory_space<vmem>>, %arg14: memref<10000x64xf32, #tpu.memory_space<vmem_shared>>, %arg15: memref<!tpu.dma_semaphore, #tpu.memory_space<semaphore_mem>>, %arg16: memref<!tpu.dma_semaphore, #tpu.memory_space<semaphore_mem>>, %arg17: memref<!tpu.dma_semaphore, #tpu.memory_space<semaphore_mem>>, %arg18: memref<!tpu.dma_semaphore, #tpu.memory_space<semaphore_mem>>) attributes {dimension_semantics = [#tpu.dimension_semantics<core_parallel>, #tpu.dimension_semantics<subcore_parallel>], iteration_bounds = array<i64: 2, 16>, scalar_prefetch = 0 : i64, scratch_operands = 13 : i64, tpu.core_type = #tpu.core_type<sc_vector_subcore>, window_params = [{transform_indices = #map}, {transform_indices = #map1}, {transform_indices = #map1}, {transform_indices = #map}]} {
    %mul3A = arith.constant 2 : i32
    %mul3A_0 = arith.muli %arg1, %mul3A : i32
    %add3A = arith.addi %mul3A_0, %arg0 : i32
    %lt3A = arith.constant 16 : i32
    %lt3A_1 = arith.cmpi slt, %add3A, %lt3A : i32
    %jit3A = arith.constant -1.000000e+00 : f32
    %jit3A_2 = arith.constant 1.000000e+00 : f32
    %select_n3A = arith.select %lt3A_1, %jit3A, %jit3A_2 : f32
    %broadcast_in_dim3A = vector.broadcast %select_n3A : f32 to vector<16xf32>
    %iota3A = tpu.iota {dimensions = array<i32: 0>} : vector<16xi32>
    %mul3A_3 = arith.constant 625 : i32
    %mul3A_4 = arith.muli %arg1, %mul3A_3 : i32
    %mul3A_5 = arith.constant 625 : i32
    %mul3A_6 = arith.muli %arg1, %mul3A_5 : i32
    "tpu.region"() ({
      %run_scoped3A = tpu.sem_alloc : memref<!tpu.dma_semaphore, #tpu.memory_space<semaphore_mem>>
      %dma_start3A_34 = arith.constant 0 : i32
      %dma_start3A_35 = tpu.memref_slice %arg14[%mul3A_6, %dma_start3A_34] : memref<10000x64xf32, #tpu.memory_space<vmem_shared>> -> memref<625x64xf32, #tpu.memory_space<vmem_shared>>
      %dma_start3A_36 = arith.constant 0 : i32
      %dma_start3A_37 = tpu.memref_slice %arg2[%mul3A_4, %dma_start3A_36] : memref<10000x64xf32, #tpu.memory_space<hbm>> -> memref<625x64xf32, #tpu.memory_space<hbm>>
      tpu.enqueue_dma source(%dma_start3A_37 : memref<625x64xf32, #tpu.memory_space<hbm>>) target(%dma_start3A_35 : memref<625x64xf32, #tpu.memory_space<vmem_shared>>) target_semaphore(%run_scoped3A : memref<!tpu.dma_semaphore, #tpu.memory_space<semaphore_mem>>)
      %dma_wait3A = arith.constant 0 : i32
      %dma_wait3A_38 = tpu.memref_slice %arg14[%mul3A_6, %dma_wait3A] : memref<10000x64xf32, #tpu.memory_space<vmem_shared>> -> memref<625x64xf32, #tpu.memory_space<vmem_shared>>
      %dma_wait3A_39 = arith.constant 0 : i32
      %dma_wait3A_40 = tpu.memref_slice %arg2[%mul3A_4, %dma_wait3A_39] : memref<10000x64xf32, #tpu.memory_space<hbm>> -> memref<625x64xf32, #tpu.memory_space<hbm>>
      tpu.wait_dma2 semaphore(%run_scoped3A : memref<!tpu.dma_semaphore, #tpu.memory_space<semaphore_mem>>) src(%dma_wait3A_40 : memref<625x64xf32, #tpu.memory_space<hbm>>) dst(%dma_wait3A_38 : memref<625x64xf32, #tpu.memory_space<vmem_shared>>)
      tpu.yield
    }) : () -> ()
    "tpu.region"() ({
      %run_scoped3A = tpu.sem_alloc : memref<!tpu.dma_semaphore, #tpu.memory_space<semaphore_mem>>
      %dma_start3A_34 = arith.constant 0 : i32
      %dma_start3A_35 = arith.constant 0 : i32
      %dma_start3A_36 = tpu.memref_slice %arg3[%add3A, %dma_start3A_34, %dma_start3A_35] : memref<32x250x80xi32, #tpu.memory_space<hbm>> -> memref<1x250x80xi32, #tpu.memory_space<hbm>>
      %dma_start3A_37 = tpu.memref_squeeze %dma_start3A_36 : memref<1x250x80xi32, #tpu.memory_space<hbm>> -> memref<250x80xi32, #tpu.memory_space<hbm>>
      %dma_start3A_38 = arith.constant 0 : i32
      %dma_start3A_39 = arith.constant 0 : i32
      %dma_start3A_40 = tpu.memref_slice %arg3[%add3A, %dma_start3A_38, %dma_start3A_39] : memref<32x250x80xi32, #tpu.memory_space<hbm>> -> memref<1x250x80xi32, #tpu.memory_space<hbm>>
      %dma_start3A_41 = tpu.memref_squeeze %dma_start3A_40 : memref<1x250x80xi32, #tpu.memory_space<hbm>> -> memref<250x80xi32, #tpu.memory_space<hbm>>
      tpu.enqueue_dma source(%dma_start3A_41 : memref<250x80xi32, #tpu.memory_space<hbm>>) target(%arg6 : memref<250x80xi32, #tpu.memory_space<vmem>>) target_semaphore(%run_scoped3A : memref<!tpu.dma_semaphore, #tpu.memory_space<semaphore_mem>>)
      %dma_wait3A = arith.constant 0 : i32
      %dma_wait3A_42 = arith.constant 0 : i32
      %dma_wait3A_43 = tpu.memref_slice %arg3[%add3A, %dma_wait3A, %dma_wait3A_42] : memref<32x250x80xi32, #tpu.memory_space<hbm>> -> memref<1x250x80xi32, #tpu.memory_space<hbm>>
      %dma_wait3A_44 = tpu.memref_squeeze %dma_wait3A_43 : memref<1x250x80xi32, #tpu.memory_space<hbm>> -> memref<250x80xi32, #tpu.memory_space<hbm>>
      %dma_wait3A_45 = arith.constant 0 : i32
      %dma_wait3A_46 = arith.constant 0 : i32
      %dma_wait3A_47 = tpu.memref_slice %arg3[%add3A, %dma_wait3A_45, %dma_wait3A_46] : memref<32x250x80xi32, #tpu.memory_space<hbm>> -> memref<1x250x80xi32, #tpu.memory_space<hbm>>
      %dma_wait3A_48 = tpu.memref_squeeze %dma_wait3A_47 : memref<1x250x80xi32, #tpu.memory_space<hbm>> -> memref<250x80xi32, #tpu.memory_space<hbm>>
      tpu.wait_dma2 semaphore(%run_scoped3A : memref<!tpu.dma_semaphore, #tpu.memory_space<semaphore_mem>>) src(%dma_wait3A_48 : memref<250x80xi32, #tpu.memory_space<hbm>>) dst(%arg6 : memref<250x80xi32, #tpu.memory_space<vmem>>)
      tpu.yield
    }) : () -> ()
    "tpu.region"() ({
      %run_scoped3A = tpu.sem_alloc : memref<!tpu.dma_semaphore, #tpu.memory_space<semaphore_mem>>
      %dma_start3A_34 = arith.constant 0 : i32
      %dma_start3A_35 = arith.constant 0 : i32
      %dma_start3A_36 = tpu.memref_slice %arg4[%add3A, %dma_start3A_34, %dma_start3A_35] : memref<32x250x80xi32, #tpu.memory_space<hbm>> -> memref<1x250x80xi32, #tpu.memory_space<hbm>>
      %dma_start3A_37 = tpu.memref_squeeze %dma_start3A_36 : memref<1x250x80xi32, #tpu.memory_space<hbm>> -> memref<250x80xi32, #tpu.memory_space<hbm>>
      %dma_start3A_38 = arith.constant 0 : i32
      %dma_start3A_39 = arith.constant 0 : i32
      %dma_start3A_40 = tpu.memref_slice %arg4[%add3A, %dma_start3A_38, %dma_start3A_39] : memref<32x250x80xi32, #tpu.memory_space<hbm>> -> memref<1x250x80xi32, #tpu.memory_space<hbm>>
      %dma_start3A_41 = tpu.memref_squeeze %dma_start3A_40 : memref<1x250x80xi32, #tpu.memory_space<hbm>> -> memref<250x80xi32, #tpu.memory_space<hbm>>
      tpu.enqueue_dma source(%dma_start3A_41 : memref<250x80xi32, #tpu.memory_space<hbm>>) target(%arg7 : memref<250x80xi32, #tpu.memory_space<vmem>>) target_semaphore(%run_scoped3A : memref<!tpu.dma_semaphore, #tpu.memory_space<semaphore_mem>>)
      %dma_wait3A = arith.constant 0 : i32
      %dma_wait3A_42 = arith.constant 0 : i32
      %dma_wait3A_43 = tpu.memref_slice %arg4[%add3A, %dma_wait3A, %dma_wait3A_42] : memref<32x250x80xi32, #tpu.memory_space<hbm>> -> memref<1x250x80xi32, #tpu.memory_space<hbm>>
      %dma_wait3A_44 = tpu.memref_squeeze %dma_wait3A_43 : memref<1x250x80xi32, #tpu.memory_space<hbm>> -> memref<250x80xi32, #tpu.memory_space<hbm>>
      %dma_wait3A_45 = arith.constant 0 : i32
      %dma_wait3A_46 = arith.constant 0 : i32
      %dma_wait3A_47 = tpu.memref_slice %arg4[%add3A, %dma_wait3A_45, %dma_wait3A_46] : memref<32x250x80xi32, #tpu.memory_space<hbm>> -> memref<1x250x80xi32, #tpu.memory_space<hbm>>
      %dma_wait3A_48 = tpu.memref_squeeze %dma_wait3A_47 : memref<1x250x80xi32, #tpu.memory_space<hbm>> -> memref<250x80xi32, #tpu.memory_space<hbm>>
      tpu.wait_dma2 semaphore(%run_scoped3A : memref<!tpu.dma_semaphore, #tpu.memory_space<semaphore_mem>>) src(%dma_wait3A_48 : memref<250x80xi32, #tpu.memory_space<hbm>>) dst(%arg7 : memref<250x80xi32, #tpu.memory_space<vmem>>)
      tpu.yield
    }) : () -> ()
    %barrier3A = arith.constant 0 : index
    tpu.barrier barrier_id(%barrier3A)
    %mul3A_7 = arith.constant 16 : i32
    %mul3A_8 = vector.broadcast %mul3A_7 : i32 to vector<16xi32>
    %mul3A_9 = arith.muli %iota3A, %mul3A_8 : vector<16xi32>
    %dma_start3A = arith.constant 0 : i32
    %dma_start3A_10 = arith.constant 0 : i32
    %dma_start3A_11 = tpu.memref_slice %arg6[%dma_start3A, %dma_start3A_10] : memref<250x80xi32, #tpu.memory_space<vmem>> -> memref<1x80xi32, #tpu.memory_space<vmem>>
    %dma_start3A_12 = tpu.memref_squeeze %dma_start3A_11 : memref<1x80xi32, #tpu.memory_space<vmem>> -> memref<80xi32, #tpu.memory_space<vmem>>
    %dma_start3A_13 = arith.constant 0 : i32
    %dma_start3A_14 = arith.constant 0 : i32
    %dma_start3A_15 = tpu.memref_slice %arg14[%dma_start3A_13, %dma_start3A_14] : memref<10000x64xf32, #tpu.memory_space<vmem_shared>> -> memref<10000x64xf32, #tpu.memory_space<vmem_shared>>
    tpu.enqueue_indirect_dma source(%dma_start3A_15 : memref<10000x64xf32, #tpu.memory_space<vmem_shared>>) target(%arg8 : memref<80x64xf32, #tpu.memory_space<vmem>>) offsets(%dma_start3A_12 : memref<80xi32, #tpu.memory_space<vmem>>) semaphore(%arg15 : memref<!tpu.dma_semaphore, #tpu.memory_space<semaphore_mem>>)
    %dma_start3A_16 = arith.constant 0 : i32
    %dma_start3A_17 = arith.constant 0 : i32
    %dma_start3A_18 = tpu.memref_slice %arg7[%dma_start3A_16, %dma_start3A_17] : memref<250x80xi32, #tpu.memory_space<vmem>> -> memref<1x80xi32, #tpu.memory_space<vmem>>
    %dma_start3A_19 = tpu.memref_squeeze %dma_start3A_18 : memref<1x80xi32, #tpu.memory_space<vmem>> -> memref<80xi32, #tpu.memory_space<vmem>>
    %dma_start3A_20 = arith.constant 0 : i32
    %dma_start3A_21 = arith.constant 0 : i32
    %dma_start3A_22 = tpu.memref_slice %arg14[%dma_start3A_20, %dma_start3A_21] : memref<10000x64xf32, #tpu.memory_space<vmem_shared>> -> memref<10000x64xf32, #tpu.memory_space<vmem_shared>>
    tpu.enqueue_indirect_dma source(%dma_start3A_22 : memref<10000x64xf32, #tpu.memory_space<vmem_shared>>) target(%arg9 : memref<80x64xf32, #tpu.memory_space<vmem>>) offsets(%dma_start3A_19 : memref<80xi32, #tpu.memory_space<vmem>>) semaphore(%arg16 : memref<!tpu.dma_semaphore, #tpu.memory_space<semaphore_mem>>)
    %broadcast_in_dim3A_23 = arith.constant 0.000000e+00 : f32
    %broadcast_in_dim3A_24 = vector.broadcast %broadcast_in_dim3A_23 : f32 to vector<16xf32>
    %scan3A = arith.constant 0 : i32
    %scan3A_25 = arith.constant 125 : i32
    %scan3A_26 = arith.addi %scan3A, %scan3A_25 : i32
    %scan3A_27 = arith.constant 1 : i32
    %scan3A_28 = scf.for %scan3A_34 = %scan3A to %scan3A_26 step %scan3A_27 iter_args(%scan3A_35 = %broadcast_in_dim3A_24) -> (vector<16xf32>)  : i32 {
      %mul3A_36 = arith.constant 2 : i32
      %mul3A_37 = arith.muli %mul3A_36, %scan3A_34 : i32
      %add3A_38 = arith.constant 1 : i32
      %add3A_39 = arith.addi %mul3A_37, %add3A_38 : i32
      %dma_start3A_40 = arith.constant 0 : i32
      %dma_start3A_41 = tpu.memref_slice %arg6[%add3A_39, %dma_start3A_40] : memref<250x80xi32, #tpu.memory_space<vmem>> -> memref<1x80xi32, #tpu.memory_space<vmem>>
      %dma_start3A_42 = tpu.memref_squeeze %dma_start3A_41 : memref<1x80xi32, #tpu.memory_space<vmem>> -> memref<80xi32, #tpu.memory_space<vmem>>
      %dma_start3A_43 = arith.constant 0 : i32
      %dma_start3A_44 = arith.constant 0 : i32
      %dma_start3A_45 = tpu.memref_slice %arg14[%dma_start3A_43, %dma_start3A_44] : memref<10000x64xf32, #tpu.memory_space<vmem_shared>> -> memref<10000x64xf32, #tpu.memory_space<vmem_shared>>
      tpu.enqueue_indirect_dma source(%dma_start3A_45 : memref<10000x64xf32, #tpu.memory_space<vmem_shared>>) target(%arg10 : memref<80x64xf32, #tpu.memory_space<vmem>>) offsets(%dma_start3A_42 : memref<80xi32, #tpu.memory_space<vmem>>) semaphore(%arg17 : memref<!tpu.dma_semaphore, #tpu.memory_space<semaphore_mem>>)
      %dma_start3A_46 = arith.constant 0 : i32
      %dma_start3A_47 = tpu.memref_slice %arg7[%add3A_39, %dma_start3A_46] : memref<250x80xi32, #tpu.memory_space<vmem>> -> memref<1x80xi32, #tpu.memory_space<vmem>>
      %dma_start3A_48 = tpu.memref_squeeze %dma_start3A_47 : memref<1x80xi32, #tpu.memory_space<vmem>> -> memref<80xi32, #tpu.memory_space<vmem>>
      %dma_start3A_49 = arith.constant 0 : i32
      %dma_start3A_50 = arith.constant 0 : i32
      %dma_start3A_51 = tpu.memref_slice %arg14[%dma_start3A_49, %dma_start3A_50] : memref<10000x64xf32, #tpu.memory_space<vmem_shared>> -> memref<10000x64xf32, #tpu.memory_space<vmem_shared>>
      tpu.enqueue_indirect_dma source(%dma_start3A_51 : memref<10000x64xf32, #tpu.memory_space<vmem_shared>>) target(%arg11 : memref<80x64xf32, #tpu.memory_space<vmem>>) offsets(%dma_start3A_48 : memref<80xi32, #tpu.memory_space<vmem>>) semaphore(%arg18 : memref<!tpu.dma_semaphore, #tpu.memory_space<semaphore_mem>>)
      %dma_wait3A = arith.constant 0 : i32
      %dma_wait3A_52 = arith.constant 0 : i32
      %dma_wait3A_53 = tpu.memref_slice %arg6[%dma_wait3A, %dma_wait3A_52] : memref<250x80xi32, #tpu.memory_space<vmem>> -> memref<1x80xi32, #tpu.memory_space<vmem>>
      %dma_wait3A_54 = tpu.memref_squeeze %dma_wait3A_53 : memref<1x80xi32, #tpu.memory_space<vmem>> -> memref<80xi32, #tpu.memory_space<vmem>>
      %dma_wait3A_55 = arith.constant 0 : i32
      %dma_wait3A_56 = arith.constant 0 : i32
      %dma_wait3A_57 = tpu.memref_slice %arg14[%dma_wait3A_55, %dma_wait3A_56] : memref<10000x64xf32, #tpu.memory_space<vmem_shared>> -> memref<10000x64xf32, #tpu.memory_space<vmem_shared>>
      tpu.wait_indirect_dma semaphore(%arg15 : memref<!tpu.dma_semaphore, #tpu.memory_space<semaphore_mem>>) src(%dma_wait3A_57 : memref<10000x64xf32, #tpu.memory_space<vmem_shared>>) dst(%arg8 : memref<80x64xf32, #tpu.memory_space<vmem>>)
      %dma_wait3A_58 = arith.constant 0 : i32
      %dma_wait3A_59 = arith.constant 0 : i32
      %dma_wait3A_60 = tpu.memref_slice %arg7[%dma_wait3A_58, %dma_wait3A_59] : memref<250x80xi32, #tpu.memory_space<vmem>> -> memref<1x80xi32, #tpu.memory_space<vmem>>
      %dma_wait3A_61 = tpu.memref_squeeze %dma_wait3A_60 : memref<1x80xi32, #tpu.memory_space<vmem>> -> memref<80xi32, #tpu.memory_space<vmem>>
      %dma_wait3A_62 = arith.constant 0 : i32
      %dma_wait3A_63 = arith.constant 0 : i32
      %dma_wait3A_64 = tpu.memref_slice %arg14[%dma_wait3A_62, %dma_wait3A_63] : memref<10000x64xf32, #tpu.memory_space<vmem_shared>> -> memref<10000x64xf32, #tpu.memory_space<vmem_shared>>
      tpu.wait_indirect_dma semaphore(%arg16 : memref<!tpu.dma_semaphore, #tpu.memory_space<semaphore_mem>>) src(%dma_wait3A_64 : memref<10000x64xf32, #tpu.memory_space<vmem_shared>>) dst(%arg9 : memref<80x64xf32, #tpu.memory_space<vmem>>)
      %scan3A_65 = arith.constant 0 : i32
      %scan3A_66 = arith.constant 5 : i32
      %scan3A_67 = arith.addi %scan3A_65, %scan3A_66 : i32
      %scan3A_68 = arith.constant 1 : i32
      %scan3A_69 = scf.for %scan3A_94 = %scan3A_65 to %scan3A_67 step %scan3A_68 iter_args(%scan3A_95 = %scan3A_35) -> (vector<16xf32>)  : i32 {
        %mul3A_96 = arith.constant 16 : i32
        %mul3A_97 = arith.muli %scan3A_94, %mul3A_96 : i32
        %add3A_98 = arith.constant 0 : i32
        %add3A_99 = arith.addi %mul3A_97, %add3A_98 : i32
        %get3A = arith.index_cast %add3A_99 : i32 to index
        %get3A_100 = arith.constant 0 : index
        %get3A_101 = tpu.vector_load %arg8[%get3A, %get3A_100] {strides = array<i32>} : memref<80x64xf32, #tpu.memory_space<vmem>>, vector<16xf32>,
        %bitcast3A = vector.bitcast %get3A_101 : vector<16xf32> to vector<32xbf16>
        %get3A_102 = arith.index_cast %add3A_99 : i32 to index
        %get3A_103 = arith.constant 0 : index
        %get3A_104 = tpu.vector_load %arg9[%get3A_102, %get3A_103] {strides = array<i32>} : memref<80x64xf32, #tpu.memory_space<vmem>>, vector<16xf32>,
        %bitcast3A_105 = vector.bitcast %get3A_104 : vector<16xf32> to vector<32xbf16>
        %mul3A_106 = arith.mulf %bitcast3A, %bitcast3A_105 : vector<32xbf16>
        %add3A_107 = arith.constant 1 : i32
        %add3A_108 = arith.addi %mul3A_97, %add3A_107 : i32
        %get3A_109 = arith.index_cast %add3A_108 : i32 to index
        %get3A_110 = arith.constant 0 : index
        %get3A_111 = tpu.vector_load %arg8[%get3A_109, %get3A_110] {strides = array<i32>} : memref<80x64xf32, #tpu.memory_space<vmem>>, vector<16xf32>,
        %bitcast3A_112 = vector.bitcast %get3A_111 : vector<16xf32> to vector<32xbf16>
        %get3A_113 = arith.index_cast %add3A_108 : i32 to index
        %get3A_114 = arith.constant 0 : index
        %get3A_115 = tpu.vector_load %arg9[%get3A_113, %get3A_114] {strides = array<i32>} : memref<80x64xf32, #tpu.memory_space<vmem>>, vector<16xf32>,
        %bitcast3A_116 = vector.bitcast %get3A_115 : vector<16xf32> to vector<32xbf16>
        %mul3A_117 = arith.mulf %bitcast3A_112, %bitcast3A_116 : vector<32xbf16>
        %add3A_118 = arith.constant 2 : i32
        %add3A_119 = arith.addi %mul3A_97, %add3A_118 : i32
        %get3A_120 = arith.index_cast %add3A_119 : i32 to index
        %get3A_121 = arith.constant 0 : index
        %get3A_122 = tpu.vector_load %arg8[%get3A_120, %get3A_121] {strides = array<i32>} : memref<80x64xf32, #tpu.memory_space<vmem>>, vector<16xf32>,
        %bitcast3A_123 = vector.bitcast %get3A_122 : vector<16xf32> to vector<32xbf16>
        %get3A_124 = arith.index_cast %add3A_119 : i32 to index
        %get3A_125 = arith.constant 0 : index
        %get3A_126 = tpu.vector_load %arg9[%get3A_124, %get3A_125] {strides = array<i32>} : memref<80x64xf32, #tpu.memory_space<vmem>>, vector<16xf32>,
        %bitcast3A_127 = vector.bitcast %get3A_126 : vector<16xf32> to vector<32xbf16>
        %mul3A_128 = arith.mulf %bitcast3A_123, %bitcast3A_127 : vector<32xbf16>
        %add3A_129 = arith.constant 3 : i32
        %add3A_130 = arith.addi %mul3A_97, %add3A_129 : i32
        %get3A_131 = arith.index_cast %add3A_130 : i32 to index
        %get3A_132 = arith.constant 0 : index
        %get3A_133 = tpu.vector_load %arg8[%get3A_131, %get3A_132] {strides = array<i32>} : memref<80x64xf32, #tpu.memory_space<vmem>>, vector<16xf32>,
        %bitcast3A_134 = vector.bitcast %get3A_133 : vector<16xf32> to vector<32xbf16>
        %get3A_135 = arith.index_cast %add3A_130 : i32 to index
        %get3A_136 = arith.constant 0 : index
        %get3A_137 = tpu.vector_load %arg9[%get3A_135, %get3A_136] {strides = array<i32>} : memref<80x64xf32, #tpu.memory_space<vmem>>, vector<16xf32>,
        %bitcast3A_138 = vector.bitcast %get3A_137 : vector<16xf32> to vector<32xbf16>
        %mul3A_139 = arith.mulf %bitcast3A_134, %bitcast3A_138 : vector<32xbf16>
        %add3A_140 = arith.constant 4 : i32
        %add3A_141 = arith.addi %mul3A_97, %add3A_140 : i32
        %get3A_142 = arith.index_cast %add3A_141 : i32 to index
        %get3A_143 = arith.constant 0 : index
        %get3A_144 = tpu.vector_load %arg8[%get3A_142, %get3A_143] {strides = array<i32>} : memref<80x64xf32, #tpu.memory_space<vmem>>, vector<16xf32>,
        %bitcast3A_145 = vector.bitcast %get3A_144 : vector<16xf32> to vector<32xbf16>
        %get3A_146 = arith.index_cast %add3A_141 : i32 to index
        %get3A_147 = arith.constant 0 : index
        %get3A_148 = tpu.vector_load %arg9[%get3A_146, %get3A_147] {strides = array<i32>} : memref<80x64xf32, #tpu.memory_space<vmem>>, vector<16xf32>,
        %bitcast3A_149 = vector.bitcast %get3A_148 : vector<16xf32> to vector<32xbf16>
        %mul3A_150 = arith.mulf %bitcast3A_145, %bitcast3A_149 : vector<32xbf16>
        %add3A_151 = arith.constant 5 : i32
        %add3A_152 = arith.addi %mul3A_97, %add3A_151 : i32
        %get3A_153 = arith.index_cast %add3A_152 : i32 to index
        %get3A_154 = arith.constant 0 : index
        %get3A_155 = tpu.vector_load %arg8[%get3A_153, %get3A_154] {strides = array<i32>} : memref<80x64xf32, #tpu.memory_space<vmem>>, vector<16xf32>,
        %bitcast3A_156 = vector.bitcast %get3A_155 : vector<16xf32> to vector<32xbf16>
        %get3A_157 = arith.index_cast %add3A_152 : i32 to index
        %get3A_158 = arith.constant 0 : index
        %get3A_159 = tpu.vector_load %arg9[%get3A_157, %get3A_158] {strides = array<i32>} : memref<80x64xf32, #tpu.memory_space<vmem>>, vector<16xf32>,
        %bitcast3A_160 = vector.bitcast %get3A_159 : vector<16xf32> to vector<32xbf16>
        %mul3A_161 = arith.mulf %bitcast3A_156, %bitcast3A_160 : vector<32xbf16>
        %add3A_162 = arith.constant 6 : i32
        %add3A_163 = arith.addi %mul3A_97, %add3A_162 : i32
        %get3A_164 = arith.index_cast %add3A_163 : i32 to index
        %get3A_165 = arith.constant 0 : index
        %get3A_166 = tpu.vector_load %arg8[%get3A_164, %get3A_165] {strides = array<i32>} : memref<80x64xf32, #tpu.memory_space<vmem>>, vector<16xf32>,
        %bitcast3A_167 = vector.bitcast %get3A_166 : vector<16xf32> to vector<32xbf16>
        %get3A_168 = arith.index_cast %add3A_163 : i32 to index
        %get3A_169 = arith.constant 0 : index
        %get3A_170 = tpu.vector_load %arg9[%get3A_168, %get3A_169] {strides = array<i32>} : memref<80x64xf32, #tpu.memory_space<vmem>>, vector<16xf32>,
        %bitcast3A_171 = vector.bitcast %get3A_170 : vector<16xf32> to vector<32xbf16>
        %mul3A_172 = arith.mulf %bitcast3A_167, %bitcast3A_171 : vector<32xbf16>
        %add3A_173 = arith.constant 7 : i32
        %add3A_174 = arith.addi %mul3A_97, %add3A_173 : i32
        %get3A_175 = arith.index_cast %add3A_174 : i32 to index
        %get3A_176 = arith.constant 0 : index
        %get3A_177 = tpu.vector_load %arg8[%get3A_175, %get3A_176] {strides = array<i32>} : memref<80x64xf32, #tpu.memory_space<vmem>>, vector<16xf32>,
        %bitcast3A_178 = vector.bitcast %get3A_177 : vector<16xf32> to vector<32xbf16>
        %get3A_179 = arith.index_cast %add3A_174 : i32 to index
        %get3A_180 = arith.constant 0 : index
        %get3A_181 = tpu.vector_load %arg9[%get3A_179, %get3A_180] {strides = array<i32>} : memref<80x64xf32, #tpu.memory_space<vmem>>, vector<16xf32>,
        %bitcast3A_182 = vector.bitcast %get3A_181 : vector<16xf32> to vector<32xbf16>
        %mul3A_183 = arith.mulf %bitcast3A_178, %bitcast3A_182 : vector<32xbf16>
        %add3A_184 = arith.constant 8 : i32
        %add3A_185 = arith.addi %mul3A_97, %add3A_184 : i32
        %get3A_186 = arith.index_cast %add3A_185 : i32 to index
        %get3A_187 = arith.constant 0 : index
        %get3A_188 = tpu.vector_load %arg8[%get3A_186, %get3A_187] {strides = array<i32>} : memref<80x64xf32, #tpu.memory_space<vmem>>, vector<16xf32>,
        %bitcast3A_189 = vector.bitcast %get3A_188 : vector<16xf32> to vector<32xbf16>
        %get3A_190 = arith.index_cast %add3A_185 : i32 to index
        %get3A_191 = arith.constant 0 : index
        %get3A_192 = tpu.vector_load %arg9[%get3A_190, %get3A_191] {strides = array<i32>} : memref<80x64xf32, #tpu.memory_space<vmem>>, vector<16xf32>,
        %bitcast3A_193 = vector.bitcast %get3A_192 : vector<16xf32> to vector<32xbf16>
        %mul3A_194 = arith.mulf %bitcast3A_189, %bitcast3A_193 : vector<32xbf16>
        %add3A_195 = arith.constant 9 : i32
        %add3A_196 = arith.addi %mul3A_97, %add3A_195 : i32
        %get3A_197 = arith.index_cast %add3A_196 : i32 to index
        %get3A_198 = arith.constant 0 : index
        %get3A_199 = tpu.vector_load %arg8[%get3A_197, %get3A_198] {strides = array<i32>} : memref<80x64xf32, #tpu.memory_space<vmem>>, vector<16xf32>,
        %bitcast3A_200 = vector.bitcast %get3A_199 : vector<16xf32> to vector<32xbf16>
        %get3A_201 = arith.index_cast %add3A_196 : i32 to index
        %get3A_202 = arith.constant 0 : index
        %get3A_203 = tpu.vector_load %arg9[%get3A_201, %get3A_202] {strides = array<i32>} : memref<80x64xf32, #tpu.memory_space<vmem>>, vector<16xf32>,
        %bitcast3A_204 = vector.bitcast %get3A_203 : vector<16xf32> to vector<32xbf16>
        %mul3A_205 = arith.mulf %bitcast3A_200, %bitcast3A_204 : vector<32xbf16>
        %add3A_206 = arith.constant 10 : i32
        %add3A_207 = arith.addi %mul3A_97, %add3A_206 : i32
        %get3A_208 = arith.index_cast %add3A_207 : i32 to index
        %get3A_209 = arith.constant 0 : index
        %get3A_210 = tpu.vector_load %arg8[%get3A_208, %get3A_209] {strides = array<i32>} : memref<80x64xf32, #tpu.memory_space<vmem>>, vector<16xf32>,
        %bitcast3A_211 = vector.bitcast %get3A_210 : vector<16xf32> to vector<32xbf16>
        %get3A_212 = arith.index_cast %add3A_207 : i32 to index
        %get3A_213 = arith.constant 0 : index
        %get3A_214 = tpu.vector_load %arg9[%get3A_212, %get3A_213] {strides = array<i32>} : memref<80x64xf32, #tpu.memory_space<vmem>>, vector<16xf32>,
        %bitcast3A_215 = vector.bitcast %get3A_214 : vector<16xf32> to vector<32xbf16>
        %mul3A_216 = arith.mulf %bitcast3A_211, %bitcast3A_215 : vector<32xbf16>
        %add3A_217 = arith.constant 11 : i32
        %add3A_218 = arith.addi %mul3A_97, %add3A_217 : i32
        %get3A_219 = arith.index_cast %add3A_218 : i32 to index
        %get3A_220 = arith.constant 0 : index
        %get3A_221 = tpu.vector_load %arg8[%get3A_219, %get3A_220] {strides = array<i32>} : memref<80x64xf32, #tpu.memory_space<vmem>>, vector<16xf32>,
        %bitcast3A_222 = vector.bitcast %get3A_221 : vector<16xf32> to vector<32xbf16>
        %get3A_223 = arith.index_cast %add3A_218 : i32 to index
        %get3A_224 = arith.constant 0 : index
        %get3A_225 = tpu.vector_load %arg9[%get3A_223, %get3A_224] {strides = array<i32>} : memref<80x64xf32, #tpu.memory_space<vmem>>, vector<16xf32>,
        %bitcast3A_226 = vector.bitcast %get3A_225 : vector<16xf32> to vector<32xbf16>
        %mul3A_227 = arith.mulf %bitcast3A_222, %bitcast3A_226 : vector<32xbf16>
        %add3A_228 = arith.constant 12 : i32
        %add3A_229 = arith.addi %mul3A_97, %add3A_228 : i32
        %get3A_230 = arith.index_cast %add3A_229 : i32 to index
        %get3A_231 = arith.constant 0 : index
        %get3A_232 = tpu.vector_load %arg8[%get3A_230, %get3A_231] {strides = array<i32>} : memref<80x64xf32, #tpu.memory_space<vmem>>, vector<16xf32>,
        %bitcast3A_233 = vector.bitcast %get3A_232 : vector<16xf32> to vector<32xbf16>
        %get3A_234 = arith.index_cast %add3A_229 : i32 to index
        %get3A_235 = arith.constant 0 : index
        %get3A_236 = tpu.vector_load %arg9[%get3A_234, %get3A_235] {strides = array<i32>} : memref<80x64xf32, #tpu.memory_space<vmem>>, vector<16xf32>,
        %bitcast3A_237 = vector.bitcast %get3A_236 : vector<16xf32> to vector<32xbf16>
        %mul3A_238 = arith.mulf %bitcast3A_233, %bitcast3A_237 : vector<32xbf16>
        %add3A_239 = arith.constant 13 : i32
        %add3A_240 = arith.addi %mul3A_97, %add3A_239 : i32
        %get3A_241 = arith.index_cast %add3A_240 : i32 to index
        %get3A_242 = arith.constant 0 : index
        %get3A_243 = tpu.vector_load %arg8[%get3A_241, %get3A_242] {strides = array<i32>} : memref<80x64xf32, #tpu.memory_space<vmem>>, vector<16xf32>,
        %bitcast3A_244 = vector.bitcast %get3A_243 : vector<16xf32> to vector<32xbf16>
        %get3A_245 = arith.index_cast %add3A_240 : i32 to index
        %get3A_246 = arith.constant 0 : index
        %get3A_247 = tpu.vector_load %arg9[%get3A_245, %get3A_246] {strides = array<i32>} : memref<80x64xf32, #tpu.memory_space<vmem>>, vector<16xf32>,
        %bitcast3A_248 = vector.bitcast %get3A_247 : vector<16xf32> to vector<32xbf16>
        %mul3A_249 = arith.mulf %bitcast3A_244, %bitcast3A_248 : vector<32xbf16>
        %add3A_250 = arith.constant 14 : i32
        %add3A_251 = arith.addi %mul3A_97, %add3A_250 : i32
        %get3A_252 = arith.index_cast %add3A_251 : i32 to index
        %get3A_253 = arith.constant 0 : index
        %get3A_254 = tpu.vector_load %arg8[%get3A_252, %get3A_253] {strides = array<i32>} : memref<80x64xf32, #tpu.memory_space<vmem>>, vector<16xf32>,
        %bitcast3A_255 = vector.bitcast %get3A_254 : vector<16xf32> to vector<32xbf16>
        %get3A_256 = arith.index_cast %add3A_251 : i32 to index
        %get3A_257 = arith.constant 0 : index
        %get3A_258 = tpu.vector_load %arg9[%get3A_256, %get3A_257] {strides = array<i32>} : memref<80x64xf32, #tpu.memory_space<vmem>>, vector<16xf32>,
        %bitcast3A_259 = vector.bitcast %get3A_258 : vector<16xf32> to vector<32xbf16>
        %mul3A_260 = arith.mulf %bitcast3A_255, %bitcast3A_259 : vector<32xbf16>
        %add3A_261 = arith.constant 15 : i32
        %add3A_262 = arith.addi %mul3A_97, %add3A_261 : i32
        %get3A_263 = arith.index_cast %add3A_262 : i32 to index
        %get3A_264 = arith.constant 0 : index
        %get3A_265 = tpu.vector_load %arg8[%get3A_263, %get3A_264] {strides = array<i32>} : memref<80x64xf32, #tpu.memory_space<vmem>>, vector<16xf32>,
        %bitcast3A_266 = vector.bitcast %get3A_265 : vector<16xf32> to vector<32xbf16>
        %get3A_267 = arith.index_cast %add3A_262 : i32 to index
        %get3A_268 = arith.constant 0 : index
        %get3A_269 = tpu.vector_load %arg9[%get3A_267, %get3A_268] {strides = array<i32>} : memref<80x64xf32, #tpu.memory_space<vmem>>, vector<16xf32>,
        %bitcast3A_270 = vector.bitcast %get3A_269 : vector<16xf32> to vector<32xbf16>
        %mul3A_271 = arith.mulf %bitcast3A_266, %bitcast3A_270 : vector<32xbf16>
        %add3A_272 = arith.constant 0 : i32
        %add3A_273 = arith.addi %mul3A_97, %add3A_272 : i32
        %get3A_274 = arith.index_cast %add3A_273 : i32 to index
        %get3A_275 = arith.constant 16 : index
        %get3A_276 = tpu.vector_load %arg8[%get3A_274, %get3A_275] {strides = array<i32>} : memref<80x64xf32, #tpu.memory_space<vmem>>, vector<16xf32>,
        %bitcast3A_277 = vector.bitcast %get3A_276 : vector<16xf32> to vector<32xbf16>
        %get3A_278 = arith.index_cast %add3A_273 : i32 to index
        %get3A_279 = arith.constant 16 : index
        %get3A_280 = tpu.vector_load %arg9[%get3A_278, %get3A_279] {strides = array<i32>} : memref<80x64xf32, #tpu.memory_space<vmem>>, vector<16xf32>,
        %bitcast3A_281 = vector.bitcast %get3A_280 : vector<16xf32> to vector<32xbf16>
        %mul3A_282 = arith.mulf %bitcast3A_277, %bitcast3A_281 : vector<32xbf16>
        %add3A_283 = arith.addf %mul3A_106, %mul3A_282 : vector<32xbf16>
        %add3A_284 = arith.constant 1 : i32
        %add3A_285 = arith.addi %mul3A_97, %add3A_284 : i32
        %get3A_286 = arith.index_cast %add3A_285 : i32 to index
        %get3A_287 = arith.constant 16 : index
        %get3A_288 = tpu.vector_load %arg8[%get3A_286, %get3A_287] {strides = array<i32>} : memref<80x64xf32, #tpu.memory_space<vmem>>, vector<16xf32>,
        %bitcast3A_289 = vector.bitcast %get3A_288 : vector<16xf32> to vector<32xbf16>
        %get3A_290 = arith.index_cast %add3A_285 : i32 to index
        %get3A_291 = arith.constant 16 : index
        %get3A_292 = tpu.vector_load %arg9[%get3A_290, %get3A_291] {strides = array<i32>} : memref<80x64xf32, #tpu.memory_space<vmem>>, vector<16xf32>,
        %bitcast3A_293 = vector.bitcast %get3A_292 : vector<16xf32> to vector<32xbf16>
        %mul3A_294 = arith.mulf %bitcast3A_289, %bitcast3A_293 : vector<32xbf16>
        %add3A_295 = arith.addf %mul3A_117, %mul3A_294 : vector<32xbf16>
        %add3A_296 = arith.constant 2 : i32
        %add3A_297 = arith.addi %mul3A_97, %add3A_296 : i32
        %get3A_298 = arith.index_cast %add3A_297 : i32 to index
        %get3A_299 = arith.constant 16 : index
        %get3A_300 = tpu.vector_load %arg8[%get3A_298, %get3A_299] {strides = array<i32>} : memref<80x64xf32, #tpu.memory_space<vmem>>, vector<16xf32>,
        %bitcast3A_301 = vector.bitcast %get3A_300 : vector<16xf32> to vector<32xbf16>
        %get3A_302 = arith.index_cast %add3A_297 : i32 to index
        %get3A_303 = arith.constant 16 : index
        %get3A_304 = tpu.vector_load %arg9[%get3A_302, %get3A_303] {strides = array<i32>} : memref<80x64xf32, #tpu.memory_space<vmem>>, vector<16xf32>,
        %bitcast3A_305 = vector.bitcast %get3A_304 : vector<16xf32> to vector<32xbf16>
        %mul3A_306 = arith.mulf %bitcast3A_301, %bitcast3A_305 : vector<32xbf16>
        %add3A_307 = arith.addf %mul3A_128, %mul3A_306 : vector<32xbf16>
        %add3A_308 = arith.constant 3 : i32
        %add3A_309 = arith.addi %mul3A_97, %add3A_308 : i32
        %get3A_310 = arith.index_cast %add3A_309 : i32 to index
        %get3A_311 = arith.constant 16 : index
        %get3A_312 = tpu.vector_load %arg8[%get3A_310, %get3A_311] {strides = array<i32>} : memref<80x64xf32, #tpu.memory_space<vmem>>, vector<16xf32>,
        %bitcast3A_313 = vector.bitcast %get3A_312 : vector<16xf32> to vector<32xbf16>
        %get3A_314 = arith.index_cast %add3A_309 : i32 to index
        %get3A_315 = arith.constant 16 : index
        %get3A_316 = tpu.vector_load %arg9[%get3A_314, %get3A_315] {strides = array<i32>} : memref<80x64xf32, #tpu.memory_space<vmem>>, vector<16xf32>,
        %bitcast3A_317 = vector.bitcast %get3A_316 : vector<16xf32> to vector<32xbf16>
        %mul3A_318 = arith.mulf %bitcast3A_313, %bitcast3A_317 : vector<32xbf16>
        %add3A_319 = arith.addf %mul3A_139, %mul3A_318 : vector<32xbf16>
        %add3A_320 = arith.constant 4 : i32
        %add3A_321 = arith.addi %mul3A_97, %add3A_320 : i32
        %get3A_322 = arith.index_cast %add3A_321 : i32 to index
        %get3A_323 = arith.constant 16 : index
        %get3A_324 = tpu.vector_load %arg8[%get3A_322, %get3A_323] {strides = array<i32>} : memref<80x64xf32, #tpu.memory_space<vmem>>, vector<16xf32>,
        %bitcast3A_325 = vector.bitcast %get3A_324 : vector<16xf32> to vector<32xbf16>
        %get3A_326 = arith.index_cast %add3A_321 : i32 to index
        %get3A_327 = arith.constant 16 : index
        %get3A_328 = tpu.vector_load %arg9[%get3A_326, %get3A_327] {strides = array<i32>} : memref<80x64xf32, #tpu.memory_space<vmem>>, vector<16xf32>,
        %bitcast3A_329 = vector.bitcast %get3A_328 : vector<16xf32> to vector<32xbf16>
        %mul3A_330 = arith.mulf %bitcast3A_325, %bitcast3A_329 : vector<32xbf16>
        %add3A_331 = arith.addf %mul3A_150, %mul3A_330 : vector<32xbf16>
        %add3A_332 = arith.constant 5 : i32
        %add3A_333 = arith.addi %mul3A_97, %add3A_332 : i32
        %get3A_334 = arith.index_cast %add3A_333 : i32 to index
        %get3A_335 = arith.constant 16 : index
        %get3A_336 = tpu.vector_load %arg8[%get3A_334, %get3A_335] {strides = array<i32>} : memref<80x64xf32, #tpu.memory_space<vmem>>, vector<16xf32>,
        %bitcast3A_337 = vector.bitcast %get3A_336 : vector<16xf32> to vector<32xbf16>
        %get3A_338 = arith.index_cast %add3A_333 : i32 to index
        %get3A_339 = arith.constant 16 : index
        %get3A_340 = tpu.vector_load %arg9[%get3A_338, %get3A_339] {strides = array<i32>} : memref<80x64xf32, #tpu.memory_space<vmem>>, vector<16xf32>,
        %bitcast3A_341 = vector.bitcast %get3A_340 : vector<16xf32> to vector<32xbf16>
        %mul3A_342 = arith.mulf %bitcast3A_337, %bitcast3A_341 : vector<32xbf16>
        %add3A_343 = arith.addf %mul3A_161, %mul3A_342 : vector<32xbf16>
        %add3A_344 = arith.constant 6 : i32
        %add3A_345 = arith.addi %mul3A_97, %add3A_344 : i32
        %get3A_346 = arith.index_cast %add3A_345 : i32 to index
        %get3A_347 = arith.constant 16 : index
        %get3A_348 = tpu.vector_load %arg8[%get3A_346, %get3A_347] {strides = array<i32>} : memref<80x64xf32, #tpu.memory_space<vmem>>, vector<16xf32>,
        %bitcast3A_349 = vector.bitcast %get3A_348 : vector<16xf32> to vector<32xbf16>
        %get3A_350 = arith.index_cast %add3A_345 : i32 to index
        %get3A_351 = arith.constant 16 : index
        %get3A_352 = tpu.vector_load %arg9[%get3A_350, %get3A_351] {strides = array<i32>} : memref<80x64xf32, #tpu.memory_space<vmem>>, vector<16xf32>,
        %bitcast3A_353 = vector.bitcast %get3A_352 : vector<16xf32> to vector<32xbf16>
        %mul3A_354 = arith.mulf %bitcast3A_349, %bitcast3A_353 : vector<32xbf16>
        %add3A_355 = arith.addf %mul3A_172, %mul3A_354 : vector<32xbf16>
        %add3A_356 = arith.constant 7 : i32
        %add3A_357 = arith.addi %mul3A_97, %add3A_356 : i32
        %get3A_358 = arith.index_cast %add3A_357 : i32 to index
        %get3A_359 = arith.constant 16 : index
        %get3A_360 = tpu.vector_load %arg8[%get3A_358, %get3A_359] {strides = array<i32>} : memref<80x64xf32, #tpu.memory_space<vmem>>, vector<16xf32>,
        %bitcast3A_361 = vector.bitcast %get3A_360 : vector<16xf32> to vector<32xbf16>
        %get3A_362 = arith.index_cast %add3A_357 : i32 to index
        %get3A_363 = arith.constant 16 : index
        %get3A_364 = tpu.vector_load %arg9[%get3A_362, %get3A_363] {strides = array<i32>} : memref<80x64xf32, #tpu.memory_space<vmem>>, vector<16xf32>,
        %bitcast3A_365 = vector.bitcast %get3A_364 : vector<16xf32> to vector<32xbf16>
        %mul3A_366 = arith.mulf %bitcast3A_361, %bitcast3A_365 : vector<32xbf16>
        %add3A_367 = arith.addf %mul3A_183, %mul3A_366 : vector<32xbf16>
        %add3A_368 = arith.constant 8 : i32
        %add3A_369 = arith.addi %mul3A_97, %add3A_368 : i32
        %get3A_370 = arith.index_cast %add3A_369 : i32 to index
        %get3A_371 = arith.constant 16 : index
        %get3A_372 = tpu.vector_load %arg8[%get3A_370, %get3A_371] {strides = array<i32>} : memref<80x64xf32, #tpu.memory_space<vmem>>, vector<16xf32>,
        %bitcast3A_373 = vector.bitcast %get3A_372 : vector<16xf32> to vector<32xbf16>
        %get3A_374 = arith.index_cast %add3A_369 : i32 to index
        %get3A_375 = arith.constant 16 : index
        %get3A_376 = tpu.vector_load %arg9[%get3A_374, %get3A_375] {strides = array<i32>} : memref<80x64xf32, #tpu.memory_space<vmem>>, vector<16xf32>,
        %bitcast3A_377 = vector.bitcast %get3A_376 : vector<16xf32> to vector<32xbf16>
        %mul3A_378 = arith.mulf %bitcast3A_373, %bitcast3A_377 : vector<32xbf16>
        %add3A_379 = arith.addf %mul3A_194, %mul3A_378 : vector<32xbf16>
        %add3A_380 = arith.constant 9 : i32
        %add3A_381 = arith.addi %mul3A_97, %add3A_380 : i32
        %get3A_382 = arith.index_cast %add3A_381 : i32 to index
        %get3A_383 = arith.constant 16 : index
        %get3A_384 = tpu.vector_load %arg8[%get3A_382, %get3A_383] {strides = array<i32>} : memref<80x64xf32, #tpu.memory_space<vmem>>, vector<16xf32>,
        %bitcast3A_385 = vector.bitcast %get3A_384 : vector<16xf32> to vector<32xbf16>
        %get3A_386 = arith.index_cast %add3A_381 : i32 to index
        %get3A_387 = arith.constant 16 : index
        %get3A_388 = tpu.vector_load %arg9[%get3A_386, %get3A_387] {strides = array<i32>} : memref<80x64xf32, #tpu.memory_space<vmem>>, vector<16xf32>,
        %bitcast3A_389 = vector.bitcast %get3A_388 : vector<16xf32> to vector<32xbf16>
        %mul3A_390 = arith.mulf %bitcast3A_385, %bitcast3A_389 : vector<32xbf16>
        %add3A_391 = arith.addf %mul3A_205, %mul3A_390 : vector<32xbf16>
        %add3A_392 = arith.constant 10 : i32
        %add3A_393 = arith.addi %mul3A_97, %add3A_392 : i32
        %get3A_394 = arith.index_cast %add3A_393 : i32 to index
        %get3A_395 = arith.constant 16 : index
        %get3A_396 = tpu.vector_load %arg8[%get3A_394, %get3A_395] {strides = array<i32>} : memref<80x64xf32, #tpu.memory_space<vmem>>, vector<16xf32>,
        %bitcast3A_397 = vector.bitcast %get3A_396 : vector<16xf32> to vector<32xbf16>
        %get3A_398 = arith.index_cast %add3A_393 : i32 to index
        %get3A_399 = arith.constant 16 : index
        %get3A_400 = tpu.vector_load %arg9[%get3A_398, %get3A_399] {strides = array<i32>} : memref<80x64xf32, #tpu.memory_space<vmem>>, vector<16xf32>,
        %bitcast3A_401 = vector.bitcast %get3A_400 : vector<16xf32> to vector<32xbf16>
        %mul3A_402 = arith.mulf %bitcast3A_397, %bitcast3A_401 : vector<32xbf16>
        %add3A_403 = arith.addf %mul3A_216, %mul3A_402 : vector<32xbf16>
        %add3A_404 = arith.constant 11 : i32
        %add3A_405 = arith.addi %mul3A_97, %add3A_404 : i32
        %get3A_406 = arith.index_cast %add3A_405 : i32 to index
        %get3A_407 = arith.constant 16 : index
        %get3A_408 = tpu.vector_load %arg8[%get3A_406, %get3A_407] {strides = array<i32>} : memref<80x64xf32, #tpu.memory_space<vmem>>, vector<16xf32>,
        %bitcast3A_409 = vector.bitcast %get3A_408 : vector<16xf32> to vector<32xbf16>
        %get3A_410 = arith.index_cast %add3A_405 : i32 to index
        %get3A_411 = arith.constant 16 : index
        %get3A_412 = tpu.vector_load %arg9[%get3A_410, %get3A_411] {strides = array<i32>} : memref<80x64xf32, #tpu.memory_space<vmem>>, vector<16xf32>,
        %bitcast3A_413 = vector.bitcast %get3A_412 : vector<16xf32> to vector<32xbf16>
        %mul3A_414 = arith.mulf %bitcast3A_409, %bitcast3A_413 : vector<32xbf16>
        %add3A_415 = arith.addf %mul3A_227, %mul3A_414 : vector<32xbf16>
        %add3A_416 = arith.constant 12 : i32
        %add3A_417 = arith.addi %mul3A_97, %add3A_416 : i32
        %get3A_418 = arith.index_cast %add3A_417 : i32 to index
        %get3A_419 = arith.constant 16 : index
        %get3A_420 = tpu.vector_load %arg8[%get3A_418, %get3A_419] {strides = array<i32>} : memref<80x64xf32, #tpu.memory_space<vmem>>, vector<16xf32>,
        %bitcast3A_421 = vector.bitcast %get3A_420 : vector<16xf32> to vector<32xbf16>
        %get3A_422 = arith.index_cast %add3A_417 : i32 to index
        %get3A_423 = arith.constant 16 : index
        %get3A_424 = tpu.vector_load %arg9[%get3A_422, %get3A_423] {strides = array<i32>} : memref<80x64xf32, #tpu.memory_space<vmem>>, vector<16xf32>,
        %bitcast3A_425 = vector.bitcast %get3A_424 : vector<16xf32> to vector<32xbf16>
        %mul3A_426 = arith.mulf %bitcast3A_421, %bitcast3A_425 : vector<32xbf16>
        %add3A_427 = arith.addf %mul3A_238, %mul3A_426 : vector<32xbf16>
        %add3A_428 = arith.constant 13 : i32
        %add3A_429 = arith.addi %mul3A_97, %add3A_428 : i32
        %get3A_430 = arith.index_cast %add3A_429 : i32 to index
        %get3A_431 = arith.constant 16 : index
        %get3A_432 = tpu.vector_load %arg8[%get3A_430, %get3A_431] {strides = array<i32>} : memref<80x64xf32, #tpu.memory_space<vmem>>, vector<16xf32>,
        %bitcast3A_433 = vector.bitcast %get3A_432 : vector<16xf32> to vector<32xbf16>
        %get3A_434 = arith.index_cast %add3A_429 : i32 to index
        %get3A_435 = arith.constant 16 : index
        %get3A_436 = tpu.vector_load %arg9[%get3A_434, %get3A_435] {strides = array<i32>} : memref<80x64xf32, #tpu.memory_space<vmem>>, vector<16xf32>,
        %bitcast3A_437 = vector.bitcast %get3A_436 : vector<16xf32> to vector<32xbf16>
        %mul3A_438 = arith.mulf %bitcast3A_433, %bitcast3A_437 : vector<32xbf16>
        %add3A_439 = arith.addf %mul3A_249, %mul3A_438 : vector<32xbf16>
        %add3A_440 = arith.constant 14 : i32
        %add3A_441 = arith.addi %mul3A_97, %add3A_440 : i32
        %get3A_442 = arith.index_cast %add3A_441 : i32 to index
        %get3A_443 = arith.constant 16 : index
        %get3A_444 = tpu.vector_load %arg8[%get3A_442, %get3A_443] {strides = array<i32>} : memref<80x64xf32, #tpu.memory_space<vmem>>, vector<16xf32>,
        %bitcast3A_445 = vector.bitcast %get3A_444 : vector<16xf32> to vector<32xbf16>
        %get3A_446 = arith.index_cast %add3A_441 : i32 to index
        %get3A_447 = arith.constant 16 : index
        %get3A_448 = tpu.vector_load %arg9[%get3A_446, %get3A_447] {strides = array<i32>} : memref<80x64xf32, #tpu.memory_space<vmem>>, vector<16xf32>,
        %bitcast3A_449 = vector.bitcast %get3A_448 : vector<16xf32> to vector<32xbf16>
        %mul3A_450 = arith.mulf %bitcast3A_445, %bitcast3A_449 : vector<32xbf16>
        %add3A_451 = arith.addf %mul3A_260, %mul3A_450 : vector<32xbf16>
        %add3A_452 = arith.constant 15 : i32
        %add3A_453 = arith.addi %mul3A_97, %add3A_452 : i32
        %get3A_454 = arith.index_cast %add3A_453 : i32 to index
        %get3A_455 = arith.constant 16 : index
        %get3A_456 = tpu.vector_load %arg8[%get3A_454, %get3A_455] {strides = array<i32>} : memref<80x64xf32, #tpu.memory_space<vmem>>, vector<16xf32>,
        %bitcast3A_457 = vector.bitcast %get3A_456 : vector<16xf32> to vector<32xbf16>
        %get3A_458 = arith.index_cast %add3A_453 : i32 to index
        %get3A_459 = arith.constant 16 : index
        %get3A_460 = tpu.vector_load %arg9[%get3A_458, %get3A_459] {strides = array<i32>} : memref<80x64xf32, #tpu.memory_space<vmem>>, vector<16xf32>,
        %bitcast3A_461 = vector.bitcast %get3A_460 : vector<16xf32> to vector<32xbf16>
        %mul3A_462 = arith.mulf %bitcast3A_457, %bitcast3A_461 : vector<32xbf16>
        %add3A_463 = arith.addf %mul3A_271, %mul3A_462 : vector<32xbf16>
        %add3A_464 = arith.constant 0 : i32
        %add3A_465 = arith.addi %mul3A_97, %add3A_464 : i32
        %get3A_466 = arith.index_cast %add3A_465 : i32 to index
        %get3A_467 = arith.constant 32 : index
        %get3A_468 = tpu.vector_load %arg8[%get3A_466, %get3A_467] {strides = array<i32>} : memref<80x64xf32, #tpu.memory_space<vmem>>, vector<16xf32>,
        %bitcast3A_469 = vector.bitcast %get3A_468 : vector<16xf32> to vector<32xbf16>
        %get3A_470 = arith.index_cast %add3A_465 : i32 to index
        %get3A_471 = arith.constant 32 : index
        %get3A_472 = tpu.vector_load %arg9[%get3A_470, %get3A_471] {strides = array<i32>} : memref<80x64xf32, #tpu.memory_space<vmem>>, vector<16xf32>,
        %bitcast3A_473 = vector.bitcast %get3A_472 : vector<16xf32> to vector<32xbf16>
        %mul3A_474 = arith.mulf %bitcast3A_469, %bitcast3A_473 : vector<32xbf16>
        %add3A_475 = arith.addf %add3A_283, %mul3A_474 : vector<32xbf16>
        %add3A_476 = arith.constant 1 : i32
        %add3A_477 = arith.addi %mul3A_97, %add3A_476 : i32
        %get3A_478 = arith.index_cast %add3A_477 : i32 to index
        %get3A_479 = arith.constant 32 : index
        %get3A_480 = tpu.vector_load %arg8[%get3A_478, %get3A_479] {strides = array<i32>} : memref<80x64xf32, #tpu.memory_space<vmem>>, vector<16xf32>,
        %bitcast3A_481 = vector.bitcast %get3A_480 : vector<16xf32> to vector<32xbf16>
        %get3A_482 = arith.index_cast %add3A_477 : i32 to index
        %get3A_483 = arith.constant 32 : index
        %get3A_484 = tpu.vector_load %arg9[%get3A_482, %get3A_483] {strides = array<i32>} : memref<80x64xf32, #tpu.memory_space<vmem>>, vector<16xf32>,
        %bitcast3A_485 = vector.bitcast %get3A_484 : vector<16xf32> to vector<32xbf16>
        %mul3A_486 = arith.mulf %bitcast3A_481, %bitcast3A_485 : vector<32xbf16>
        %add3A_487 = arith.addf %add3A_295, %mul3A_486 : vector<32xbf16>
        %add3A_488 = arith.constant 2 : i32
        %add3A_489 = arith.addi %mul3A_97, %add3A_488 : i32
        %get3A_490 = arith.index_cast %add3A_489 : i32 to index
        %get3A_491 = arith.constant 32 : index
        %get3A_492 = tpu.vector_load %arg8[%get3A_490, %get3A_491] {strides = array<i32>} : memref<80x64xf32, #tpu.memory_space<vmem>>, vector<16xf32>,
        %bitcast3A_493 = vector.bitcast %get3A_492 : vector<16xf32> to vector<32xbf16>
        %get3A_494 = arith.index_cast %add3A_489 : i32 to index
        %get3A_495 = arith.constant 32 : index
        %get3A_496 = tpu.vector_load %arg9[%get3A_494, %get3A_495] {strides = array<i32>} : memref<80x64xf32, #tpu.memory_space<vmem>>, vector<16xf32>,
        %bitcast3A_497 = vector.bitcast %get3A_496 : vector<16xf32> to vector<32xbf16>
        %mul3A_498 = arith.mulf %bitcast3A_493, %bitcast3A_497 : vector<32xbf16>
        %add3A_499 = arith.addf %add3A_307, %mul3A_498 : vector<32xbf16>
        %add3A_500 = arith.constant 3 : i32
        %add3A_501 = arith.addi %mul3A_97, %add3A_500 : i32
        %get3A_502 = arith.index_cast %add3A_501 : i32 to index
        %get3A_503 = arith.constant 32 : index
        %get3A_504 = tpu.vector_load %arg8[%get3A_502, %get3A_503] {strides = array<i32>} : memref<80x64xf32, #tpu.memory_space<vmem>>, vector<16xf32>,
        %bitcast3A_505 = vector.bitcast %get3A_504 : vector<16xf32> to vector<32xbf16>
        %get3A_506 = arith.index_cast %add3A_501 : i32 to index
        %get3A_507 = arith.constant 32 : index
        %get3A_508 = tpu.vector_load %arg9[%get3A_506, %get3A_507] {strides = array<i32>} : memref<80x64xf32, #tpu.memory_space<vmem>>, vector<16xf32>,
        %bitcast3A_509 = vector.bitcast %get3A_508 : vector<16xf32> to vector<32xbf16>
        %mul3A_510 = arith.mulf %bitcast3A_505, %bitcast3A_509 : vector<32xbf16>
        %add3A_511 = arith.addf %add3A_319, %mul3A_510 : vector<32xbf16>
        %add3A_512 = arith.constant 4 : i32
        %add3A_513 = arith.addi %mul3A_97, %add3A_512 : i32
        %get3A_514 = arith.index_cast %add3A_513 : i32 to index
        %get3A_515 = arith.constant 32 : index
        %get3A_516 = tpu.vector_load %arg8[%get3A_514, %get3A_515] {strides = array<i32>} : memref<80x64xf32, #tpu.memory_space<vmem>>, vector<16xf32>,
        %bitcast3A_517 = vector.bitcast %get3A_516 : vector<16xf32> to vector<32xbf16>
        %get3A_518 = arith.index_cast %add3A_513 : i32 to index
        %get3A_519 = arith.constant 32 : index
        %get3A_520 = tpu.vector_load %arg9[%get3A_518, %get3A_519] {strides = array<i32>} : memref<80x64xf32, #tpu.memory_space<vmem>>, vector<16xf32>,
        %bitcast3A_521 = vector.bitcast %get3A_520 : vector<16xf32> to vector<32xbf16>
        %mul3A_522 = arith.mulf %bitcast3A_517, %bitcast3A_521 : vector<32xbf16>
        %add3A_523 = arith.addf %add3A_331, %mul3A_522 : vector<32xbf16>
        %add3A_524 = arith.constant 5 : i32
        %add3A_525 = arith.addi %mul3A_97, %add3A_524 : i32
        %get3A_526 = arith.index_cast %add3A_525 : i32 to index
        %get3A_527 = arith.constant 32 : index
        %get3A_528 = tpu.vector_load %arg8[%get3A_526, %get3A_527] {strides = array<i32>} : memref<80x64xf32, #tpu.memory_space<vmem>>, vector<16xf32>,
        %bitcast3A_529 = vector.bitcast %get3A_528 : vector<16xf32> to vector<32xbf16>
        %get3A_530 = arith.index_cast %add3A_525 : i32 to index
        %get3A_531 = arith.constant 32 : index
        %get3A_532 = tpu.vector_load %arg9[%get3A_530, %get3A_531] {strides = array<i32>} : memref<80x64xf32, #tpu.memory_space<vmem>>, vector<16xf32>,
        %bitcast3A_533 = vector.bitcast %get3A_532 : vector<16xf32> to vector<32xbf16>
        %mul3A_534 = arith.mulf %bitcast3A_529, %bitcast3A_533 : vector<32xbf16>
        %add3A_535 = arith.addf %add3A_343, %mul3A_534 : vector<32xbf16>
        %add3A_536 = arith.constant 6 : i32
        %add3A_537 = arith.addi %mul3A_97, %add3A_536 : i32
        %get3A_538 = arith.index_cast %add3A_537 : i32 to index
        %get3A_539 = arith.constant 32 : index
        %get3A_540 = tpu.vector_load %arg8[%get3A_538, %get3A_539] {strides = array<i32>} : memref<80x64xf32, #tpu.memory_space<vmem>>, vector<16xf32>,
        %bitcast3A_541 = vector.bitcast %get3A_540 : vector<16xf32> to vector<32xbf16>
        %get3A_542 = arith.index_cast %add3A_537 : i32 to index
        %get3A_543 = arith.constant 32 : index
        %get3A_544 = tpu.vector_load %arg9[%get3A_542, %get3A_543] {strides = array<i32>} : memref<80x64xf32, #tpu.memory_space<vmem>>, vector<16xf32>,
        %bitcast3A_545 = vector.bitcast %get3A_544 : vector<16xf32> to vector<32xbf16>
        %mul3A_546 = arith.mulf %bitcast3A_541, %bitcast3A_545 : vector<32xbf16>
        %add3A_547 = arith.addf %add3A_355, %mul3A_546 : vector<32xbf16>
        %add3A_548 = arith.constant 7 : i32
        %add3A_549 = arith.addi %mul3A_97, %add3A_548 : i32
        %get3A_550 = arith.index_cast %add3A_549 : i32 to index
        %get3A_551 = arith.constant 32 : index
        %get3A_552 = tpu.vector_load %arg8[%get3A_550, %get3A_551] {strides = array<i32>} : memref<80x64xf32, #tpu.memory_space<vmem>>, vector<16xf32>,
        %bitcast3A_553 = vector.bitcast %get3A_552 : vector<16xf32> to vector<32xbf16>
        %get3A_554 = arith.index_cast %add3A_549 : i32 to index
        %get3A_555 = arith.constant 32 : index
        %get3A_556 = tpu.vector_load %arg9[%get3A_554, %get3A_555] {strides = array<i32>} : memref<80x64xf32, #tpu.memory_space<vmem>>, vector<16xf32>,
        %bitcast3A_557 = vector.bitcast %get3A_556 : vector<16xf32> to vector<32xbf16>
        %mul3A_558 = arith.mulf %bitcast3A_553, %bitcast3A_557 : vector<32xbf16>
        %add3A_559 = arith.addf %add3A_367, %mul3A_558 : vector<32xbf16>
        %add3A_560 = arith.constant 8 : i32
        %add3A_561 = arith.addi %mul3A_97, %add3A_560 : i32
        %get3A_562 = arith.index_cast %add3A_561 : i32 to index
        %get3A_563 = arith.constant 32 : index
        %get3A_564 = tpu.vector_load %arg8[%get3A_562, %get3A_563] {strides = array<i32>} : memref<80x64xf32, #tpu.memory_space<vmem>>, vector<16xf32>,
        %bitcast3A_565 = vector.bitcast %get3A_564 : vector<16xf32> to vector<32xbf16>
        %get3A_566 = arith.index_cast %add3A_561 : i32 to index
        %get3A_567 = arith.constant 32 : index
        %get3A_568 = tpu.vector_load %arg9[%get3A_566, %get3A_567] {strides = array<i32>} : memref<80x64xf32, #tpu.memory_space<vmem>>, vector<16xf32>,
        %bitcast3A_569 = vector.bitcast %get3A_568 : vector<16xf32> to vector<32xbf16>
        %mul3A_570 = arith.mulf %bitcast3A_565, %bitcast3A_569 : vector<32xbf16>
        %add3A_571 = arith.addf %add3A_379, %mul3A_570 : vector<32xbf16>
        %add3A_572 = arith.constant 9 : i32
        %add3A_573 = arith.addi %mul3A_97, %add3A_572 : i32
        %get3A_574 = arith.index_cast %add3A_573 : i32 to index
        %get3A_575 = arith.constant 32 : index
        %get3A_576 = tpu.vector_load %arg8[%get3A_574, %get3A_575] {strides = array<i32>} : memref<80x64xf32, #tpu.memory_space<vmem>>, vector<16xf32>,
        %bitcast3A_577 = vector.bitcast %get3A_576 : vector<16xf32> to vector<32xbf16>
        %get3A_578 = arith.index_cast %add3A_573 : i32 to index
        %get3A_579 = arith.constant 32 : index
        %get3A_580 = tpu.vector_load %arg9[%get3A_578, %get3A_579] {strides = array<i32>} : memref<80x64xf32, #tpu.memory_space<vmem>>, vector<16xf32>,
        %bitcast3A_581 = vector.bitcast %get3A_580 : vector<16xf32> to vector<32xbf16>
        %mul3A_582 = arith.mulf %bitcast3A_577, %bitcast3A_581 : vector<32xbf16>
        %add3A_583 = arith.addf %add3A_391, %mul3A_582 : vector<32xbf16>
        %add3A_584 = arith.constant 10 : i32
        %add3A_585 = arith.addi %mul3A_97, %add3A_584 : i32
        %get3A_586 = arith.index_cast %add3A_585 : i32 to index
        %get3A_587 = arith.constant 32 : index
        %get3A_588 = tpu.vector_load %arg8[%get3A_586, %get3A_587] {strides = array<i32>} : memref<80x64xf32, #tpu.memory_space<vmem>>, vector<16xf32>,
        %bitcast3A_589 = vector.bitcast %get3A_588 : vector<16xf32> to vector<32xbf16>
        %get3A_590 = arith.index_cast %add3A_585 : i32 to index
        %get3A_591 = arith.constant 32 : index
        %get3A_592 = tpu.vector_load %arg9[%get3A_590, %get3A_591] {strides = array<i32>} : memref<80x64xf32, #tpu.memory_space<vmem>>, vector<16xf32>,
        %bitcast3A_593 = vector.bitcast %get3A_592 : vector<16xf32> to vector<32xbf16>
        %mul3A_594 = arith.mulf %bitcast3A_589, %bitcast3A_593 : vector<32xbf16>
        %add3A_595 = arith.addf %add3A_403, %mul3A_594 : vector<32xbf16>
        %add3A_596 = arith.constant 11 : i32
        %add3A_597 = arith.addi %mul3A_97, %add3A_596 : i32
        %get3A_598 = arith.index_cast %add3A_597 : i32 to index
        %get3A_599 = arith.constant 32 : index
        %get3A_600 = tpu.vector_load %arg8[%get3A_598, %get3A_599] {strides = array<i32>} : memref<80x64xf32, #tpu.memory_space<vmem>>, vector<16xf32>,
        %bitcast3A_601 = vector.bitcast %get3A_600 : vector<16xf32> to vector<32xbf16>
        %get3A_602 = arith.index_cast %add3A_597 : i32 to index
        %get3A_603 = arith.constant 32 : index
        %get3A_604 = tpu.vector_load %arg9[%get3A_602, %get3A_603] {strides = array<i32>} : memref<80x64xf32, #tpu.memory_space<vmem>>, vector<16xf32>,
        %bitcast3A_605 = vector.bitcast %get3A_604 : vector<16xf32> to vector<32xbf16>
        %mul3A_606 = arith.mulf %bitcast3A_601, %bitcast3A_605 : vector<32xbf16>
        %add3A_607 = arith.addf %add3A_415, %mul3A_606 : vector<32xbf16>
        %add3A_608 = arith.constant 12 : i32
        %add3A_609 = arith.addi %mul3A_97, %add3A_608 : i32
        %get3A_610 = arith.index_cast %add3A_609 : i32 to index
        %get3A_611 = arith.constant 32 : index
        %get3A_612 = tpu.vector_load %arg8[%get3A_610, %get3A_611] {strides = array<i32>} : memref<80x64xf32, #tpu.memory_space<vmem>>, vector<16xf32>,
        %bitcast3A_613 = vector.bitcast %get3A_612 : vector<16xf32> to vector<32xbf16>
        %get3A_614 = arith.index_cast %add3A_609 : i32 to index
        %get3A_615 = arith.constant 32 : index
        %get3A_616 = tpu.vector_load %arg9[%get3A_614, %get3A_615] {strides = array<i32>} : memref<80x64xf32, #tpu.memory_space<vmem>>, vector<16xf32>,
        %bitcast3A_617 = vector.bitcast %get3A_616 : vector<16xf32> to vector<32xbf16>
        %mul3A_618 = arith.mulf %bitcast3A_613, %bitcast3A_617 : vector<32xbf16>
        %add3A_619 = arith.addf %add3A_427, %mul3A_618 : vector<32xbf16>
        %add3A_620 = arith.constant 13 : i32
        %add3A_621 = arith.addi %mul3A_97, %add3A_620 : i32
        %get3A_622 = arith.index_cast %add3A_621 : i32 to index
        %get3A_623 = arith.constant 32 : index
        %get3A_624 = tpu.vector_load %arg8[%get3A_622, %get3A_623] {strides = array<i32>} : memref<80x64xf32, #tpu.memory_space<vmem>>, vector<16xf32>,
        %bitcast3A_625 = vector.bitcast %get3A_624 : vector<16xf32> to vector<32xbf16>
        %get3A_626 = arith.index_cast %add3A_621 : i32 to index
        %get3A_627 = arith.constant 32 : index
        %get3A_628 = tpu.vector_load %arg9[%get3A_626, %get3A_627] {strides = array<i32>} : memref<80x64xf32, #tpu.memory_space<vmem>>, vector<16xf32>,
        %bitcast3A_629 = vector.bitcast %get3A_628 : vector<16xf32> to vector<32xbf16>
        %mul3A_630 = arith.mulf %bitcast3A_625, %bitcast3A_629 : vector<32xbf16>
        %add3A_631 = arith.addf %add3A_439, %mul3A_630 : vector<32xbf16>
        %add3A_632 = arith.constant 14 : i32
        %add3A_633 = arith.addi %mul3A_97, %add3A_632 : i32
        %get3A_634 = arith.index_cast %add3A_633 : i32 to index
        %get3A_635 = arith.constant 32 : index
        %get3A_636 = tpu.vector_load %arg8[%get3A_634, %get3A_635] {strides = array<i32>} : memref<80x64xf32, #tpu.memory_space<vmem>>, vector<16xf32>,
        %bitcast3A_637 = vector.bitcast %get3A_636 : vector<16xf32> to vector<32xbf16>
        %get3A_638 = arith.index_cast %add3A_633 : i32 to index
        %get3A_639 = arith.constant 32 : index
        %get3A_640 = tpu.vector_load %arg9[%get3A_638, %get3A_639] {strides = array<i32>} : memref<80x64xf32, #tpu.memory_space<vmem>>, vector<16xf32>,
        %bitcast3A_641 = vector.bitcast %get3A_640 : vector<16xf32> to vector<32xbf16>
        %mul3A_642 = arith.mulf %bitcast3A_637, %bitcast3A_641 : vector<32xbf16>
        %add3A_643 = arith.addf %add3A_451, %mul3A_642 : vector<32xbf16>
        %add3A_644 = arith.constant 15 : i32
        %add3A_645 = arith.addi %mul3A_97, %add3A_644 : i32
        %get3A_646 = arith.index_cast %add3A_645 : i32 to index
        %get3A_647 = arith.constant 32 : index
        %get3A_648 = tpu.vector_load %arg8[%get3A_646, %get3A_647] {strides = array<i32>} : memref<80x64xf32, #tpu.memory_space<vmem>>, vector<16xf32>,
        %bitcast3A_649 = vector.bitcast %get3A_648 : vector<16xf32> to vector<32xbf16>
        %get3A_650 = arith.index_cast %add3A_645 : i32 to index
        %get3A_651 = arith.constant 32 : index
        %get3A_652 = tpu.vector_load %arg9[%get3A_650, %get3A_651] {strides = array<i32>} : memref<80x64xf32, #tpu.memory_space<vmem>>, vector<16xf32>,
        %bitcast3A_653 = vector.bitcast %get3A_652 : vector<16xf32> to vector<32xbf16>
        %mul3A_654 = arith.mulf %bitcast3A_649, %bitcast3A_653 : vector<32xbf16>
        %add3A_655 = arith.addf %add3A_463, %mul3A_654 : vector<32xbf16>
        %add3A_656 = arith.constant 0 : i32
        %add3A_657 = arith.addi %mul3A_97, %add3A_656 : i32
        %get3A_658 = arith.index_cast %add3A_657 : i32 to index
        %get3A_659 = arith.constant 48 : index
        %get3A_660 = tpu.vector_load %arg8[%get3A_658, %get3A_659] {strides = array<i32>} : memref<80x64xf32, #tpu.memory_space<vmem>>, vector<16xf32>,
        %bitcast3A_661 = vector.bitcast %get3A_660 : vector<16xf32> to vector<32xbf16>
        %get3A_662 = arith.index_cast %add3A_657 : i32 to index
        %get3A_663 = arith.constant 48 : index
        %get3A_664 = tpu.vector_load %arg9[%get3A_662, %get3A_663] {strides = array<i32>} : memref<80x64xf32, #tpu.memory_space<vmem>>, vector<16xf32>,
        %bitcast3A_665 = vector.bitcast %get3A_664 : vector<16xf32> to vector<32xbf16>
        %mul3A_666 = arith.mulf %bitcast3A_661, %bitcast3A_665 : vector<32xbf16>
        %add3A_667 = arith.addf %add3A_475, %mul3A_666 : vector<32xbf16>
        %add3A_668 = arith.constant 1 : i32
        %add3A_669 = arith.addi %mul3A_97, %add3A_668 : i32
        %get3A_670 = arith.index_cast %add3A_669 : i32 to index
        %get3A_671 = arith.constant 48 : index
        %get3A_672 = tpu.vector_load %arg8[%get3A_670, %get3A_671] {strides = array<i32>} : memref<80x64xf32, #tpu.memory_space<vmem>>, vector<16xf32>,
        %bitcast3A_673 = vector.bitcast %get3A_672 : vector<16xf32> to vector<32xbf16>
        %get3A_674 = arith.index_cast %add3A_669 : i32 to index
        %get3A_675 = arith.constant 48 : index
        %get3A_676 = tpu.vector_load %arg9[%get3A_674, %get3A_675] {strides = array<i32>} : memref<80x64xf32, #tpu.memory_space<vmem>>, vector<16xf32>,
        %bitcast3A_677 = vector.bitcast %get3A_676 : vector<16xf32> to vector<32xbf16>
        %mul3A_678 = arith.mulf %bitcast3A_673, %bitcast3A_677 : vector<32xbf16>
        %add3A_679 = arith.addf %add3A_487, %mul3A_678 : vector<32xbf16>
        %add3A_680 = arith.constant 2 : i32
        %add3A_681 = arith.addi %mul3A_97, %add3A_680 : i32
        %get3A_682 = arith.index_cast %add3A_681 : i32 to index
        %get3A_683 = arith.constant 48 : index
        %get3A_684 = tpu.vector_load %arg8[%get3A_682, %get3A_683] {strides = array<i32>} : memref<80x64xf32, #tpu.memory_space<vmem>>, vector<16xf32>,
        %bitcast3A_685 = vector.bitcast %get3A_684 : vector<16xf32> to vector<32xbf16>
        %get3A_686 = arith.index_cast %add3A_681 : i32 to index
        %get3A_687 = arith.constant 48 : index
        %get3A_688 = tpu.vector_load %arg9[%get3A_686, %get3A_687] {strides = array<i32>} : memref<80x64xf32, #tpu.memory_space<vmem>>, vector<16xf32>,
        %bitcast3A_689 = vector.bitcast %get3A_688 : vector<16xf32> to vector<32xbf16>
        %mul3A_690 = arith.mulf %bitcast3A_685, %bitcast3A_689 : vector<32xbf16>
        %add3A_691 = arith.addf %add3A_499, %mul3A_690 : vector<32xbf16>
        %add3A_692 = arith.constant 3 : i32
        %add3A_693 = arith.addi %mul3A_97, %add3A_692 : i32
        %get3A_694 = arith.index_cast %add3A_693 : i32 to index
        %get3A_695 = arith.constant 48 : index
        %get3A_696 = tpu.vector_load %arg8[%get3A_694, %get3A_695] {strides = array<i32>} : memref<80x64xf32, #tpu.memory_space<vmem>>, vector<16xf32>,
        %bitcast3A_697 = vector.bitcast %get3A_696 : vector<16xf32> to vector<32xbf16>
        %get3A_698 = arith.index_cast %add3A_693 : i32 to index
        %get3A_699 = arith.constant 48 : index
        %get3A_700 = tpu.vector_load %arg9[%get3A_698, %get3A_699] {strides = array<i32>} : memref<80x64xf32, #tpu.memory_space<vmem>>, vector<16xf32>,
        %bitcast3A_701 = vector.bitcast %get3A_700 : vector<16xf32> to vector<32xbf16>
        %mul3A_702 = arith.mulf %bitcast3A_697, %bitcast3A_701 : vector<32xbf16>
        %add3A_703 = arith.addf %add3A_511, %mul3A_702 : vector<32xbf16>
        %add3A_704 = arith.constant 4 : i32
        %add3A_705 = arith.addi %mul3A_97, %add3A_704 : i32
        %get3A_706 = arith.index_cast %add3A_705 : i32 to index
        %get3A_707 = arith.constant 48 : index
        %get3A_708 = tpu.vector_load %arg8[%get3A_706, %get3A_707] {strides = array<i32>} : memref<80x64xf32, #tpu.memory_space<vmem>>, vector<16xf32>,
        %bitcast3A_709 = vector.bitcast %get3A_708 : vector<16xf32> to vector<32xbf16>
        %get3A_710 = arith.index_cast %add3A_705 : i32 to index
        %get3A_711 = arith.constant 48 : index
        %get3A_712 = tpu.vector_load %arg9[%get3A_710, %get3A_711] {strides = array<i32>} : memref<80x64xf32, #tpu.memory_space<vmem>>, vector<16xf32>,
        %bitcast3A_713 = vector.bitcast %get3A_712 : vector<16xf32> to vector<32xbf16>
        %mul3A_714 = arith.mulf %bitcast3A_709, %bitcast3A_713 : vector<32xbf16>
        %add3A_715 = arith.addf %add3A_523, %mul3A_714 : vector<32xbf16>
        %add3A_716 = arith.constant 5 : i32
        %add3A_717 = arith.addi %mul3A_97, %add3A_716 : i32
        %get3A_718 = arith.index_cast %add3A_717 : i32 to index
        %get3A_719 = arith.constant 48 : index
        %get3A_720 = tpu.vector_load %arg8[%get3A_718, %get3A_719] {strides = array<i32>} : memref<80x64xf32, #tpu.memory_space<vmem>>, vector<16xf32>,
        %bitcast3A_721 = vector.bitcast %get3A_720 : vector<16xf32> to vector<32xbf16>
        %get3A_722 = arith.index_cast %add3A_717 : i32 to index
        %get3A_723 = arith.constant 48 : index
        %get3A_724 = tpu.vector_load %arg9[%get3A_722, %get3A_723] {strides = array<i32>} : memref<80x64xf32, #tpu.memory_space<vmem>>, vector<16xf32>,
        %bitcast3A_725 = vector.bitcast %get3A_724 : vector<16xf32> to vector<32xbf16>
        %mul3A_726 = arith.mulf %bitcast3A_721, %bitcast3A_725 : vector<32xbf16>
        %add3A_727 = arith.addf %add3A_535, %mul3A_726 : vector<32xbf16>
        %add3A_728 = arith.constant 6 : i32
        %add3A_729 = arith.addi %mul3A_97, %add3A_728 : i32
        %get3A_730 = arith.index_cast %add3A_729 : i32 to index
        %get3A_731 = arith.constant 48 : index
        %get3A_732 = tpu.vector_load %arg8[%get3A_730, %get3A_731] {strides = array<i32>} : memref<80x64xf32, #tpu.memory_space<vmem>>, vector<16xf32>,
        %bitcast3A_733 = vector.bitcast %get3A_732 : vector<16xf32> to vector<32xbf16>
        %get3A_734 = arith.index_cast %add3A_729 : i32 to index
        %get3A_735 = arith.constant 48 : index
        %get3A_736 = tpu.vector_load %arg9[%get3A_734, %get3A_735] {strides = array<i32>} : memref<80x64xf32, #tpu.memory_space<vmem>>, vector<16xf32>,
        %bitcast3A_737 = vector.bitcast %get3A_736 : vector<16xf32> to vector<32xbf16>
        %mul3A_738 = arith.mulf %bitcast3A_733, %bitcast3A_737 : vector<32xbf16>
        %add3A_739 = arith.addf %add3A_547, %mul3A_738 : vector<32xbf16>
        %add3A_740 = arith.constant 7 : i32
        %add3A_741 = arith.addi %mul3A_97, %add3A_740 : i32
        %get3A_742 = arith.index_cast %add3A_741 : i32 to index
        %get3A_743 = arith.constant 48 : index
        %get3A_744 = tpu.vector_load %arg8[%get3A_742, %get3A_743] {strides = array<i32>} : memref<80x64xf32, #tpu.memory_space<vmem>>, vector<16xf32>,
        %bitcast3A_745 = vector.bitcast %get3A_744 : vector<16xf32> to vector<32xbf16>
        %get3A_746 = arith.index_cast %add3A_741 : i32 to index
        %get3A_747 = arith.constant 48 : index
        %get3A_748 = tpu.vector_load %arg9[%get3A_746, %get3A_747] {strides = array<i32>} : memref<80x64xf32, #tpu.memory_space<vmem>>, vector<16xf32>,
        %bitcast3A_749 = vector.bitcast %get3A_748 : vector<16xf32> to vector<32xbf16>
        %mul3A_750 = arith.mulf %bitcast3A_745, %bitcast3A_749 : vector<32xbf16>
        %add3A_751 = arith.addf %add3A_559, %mul3A_750 : vector<32xbf16>
        %add3A_752 = arith.constant 8 : i32
        %add3A_753 = arith.addi %mul3A_97, %add3A_752 : i32
        %get3A_754 = arith.index_cast %add3A_753 : i32 to index
        %get3A_755 = arith.constant 48 : index
        %get3A_756 = tpu.vector_load %arg8[%get3A_754, %get3A_755] {strides = array<i32>} : memref<80x64xf32, #tpu.memory_space<vmem>>, vector<16xf32>,
        %bitcast3A_757 = vector.bitcast %get3A_756 : vector<16xf32> to vector<32xbf16>
        %get3A_758 = arith.index_cast %add3A_753 : i32 to index
        %get3A_759 = arith.constant 48 : index
        %get3A_760 = tpu.vector_load %arg9[%get3A_758, %get3A_759] {strides = array<i32>} : memref<80x64xf32, #tpu.memory_space<vmem>>, vector<16xf32>,
        %bitcast3A_761 = vector.bitcast %get3A_760 : vector<16xf32> to vector<32xbf16>
        %mul3A_762 = arith.mulf %bitcast3A_757, %bitcast3A_761 : vector<32xbf16>
        %add3A_763 = arith.addf %add3A_571, %mul3A_762 : vector<32xbf16>
        %add3A_764 = arith.constant 9 : i32
        %add3A_765 = arith.addi %mul3A_97, %add3A_764 : i32
        %get3A_766 = arith.index_cast %add3A_765 : i32 to index
        %get3A_767 = arith.constant 48 : index
        %get3A_768 = tpu.vector_load %arg8[%get3A_766, %get3A_767] {strides = array<i32>} : memref<80x64xf32, #tpu.memory_space<vmem>>, vector<16xf32>,
        %bitcast3A_769 = vector.bitcast %get3A_768 : vector<16xf32> to vector<32xbf16>
        %get3A_770 = arith.index_cast %add3A_765 : i32 to index
        %get3A_771 = arith.constant 48 : index
        %get3A_772 = tpu.vector_load %arg9[%get3A_770, %get3A_771] {strides = array<i32>} : memref<80x64xf32, #tpu.memory_space<vmem>>, vector<16xf32>,
        %bitcast3A_773 = vector.bitcast %get3A_772 : vector<16xf32> to vector<32xbf16>
        %mul3A_774 = arith.mulf %bitcast3A_769, %bitcast3A_773 : vector<32xbf16>
        %add3A_775 = arith.addf %add3A_583, %mul3A_774 : vector<32xbf16>
        %add3A_776 = arith.constant 10 : i32
        %add3A_777 = arith.addi %mul3A_97, %add3A_776 : i32
        %get3A_778 = arith.index_cast %add3A_777 : i32 to index
        %get3A_779 = arith.constant 48 : index
        %get3A_780 = tpu.vector_load %arg8[%get3A_778, %get3A_779] {strides = array<i32>} : memref<80x64xf32, #tpu.memory_space<vmem>>, vector<16xf32>,
        %bitcast3A_781 = vector.bitcast %get3A_780 : vector<16xf32> to vector<32xbf16>
        %get3A_782 = arith.index_cast %add3A_777 : i32 to index
        %get3A_783 = arith.constant 48 : index
        %get3A_784 = tpu.vector_load %arg9[%get3A_782, %get3A_783] {strides = array<i32>} : memref<80x64xf32, #tpu.memory_space<vmem>>, vector<16xf32>,
        %bitcast3A_785 = vector.bitcast %get3A_784 : vector<16xf32> to vector<32xbf16>
        %mul3A_786 = arith.mulf %bitcast3A_781, %bitcast3A_785 : vector<32xbf16>
        %add3A_787 = arith.addf %add3A_595, %mul3A_786 : vector<32xbf16>
        %add3A_788 = arith.constant 11 : i32
        %add3A_789 = arith.addi %mul3A_97, %add3A_788 : i32
        %get3A_790 = arith.index_cast %add3A_789 : i32 to index
        %get3A_791 = arith.constant 48 : index
        %get3A_792 = tpu.vector_load %arg8[%get3A_790, %get3A_791] {strides = array<i32>} : memref<80x64xf32, #tpu.memory_space<vmem>>, vector<16xf32>,
        %bitcast3A_793 = vector.bitcast %get3A_792 : vector<16xf32> to vector<32xbf16>
        %get3A_794 = arith.index_cast %add3A_789 : i32 to index
        %get3A_795 = arith.constant 48 : index
        %get3A_796 = tpu.vector_load %arg9[%get3A_794, %get3A_795] {strides = array<i32>} : memref<80x64xf32, #tpu.memory_space<vmem>>, vector<16xf32>,
        %bitcast3A_797 = vector.bitcast %get3A_796 : vector<16xf32> to vector<32xbf16>
        %mul3A_798 = arith.mulf %bitcast3A_793, %bitcast3A_797 : vector<32xbf16>
        %add3A_799 = arith.addf %add3A_607, %mul3A_798 : vector<32xbf16>
        %add3A_800 = arith.constant 12 : i32
        %add3A_801 = arith.addi %mul3A_97, %add3A_800 : i32
        %get3A_802 = arith.index_cast %add3A_801 : i32 to index
        %get3A_803 = arith.constant 48 : index
        %get3A_804 = tpu.vector_load %arg8[%get3A_802, %get3A_803] {strides = array<i32>} : memref<80x64xf32, #tpu.memory_space<vmem>>, vector<16xf32>,
        %bitcast3A_805 = vector.bitcast %get3A_804 : vector<16xf32> to vector<32xbf16>
        %get3A_806 = arith.index_cast %add3A_801 : i32 to index
        %get3A_807 = arith.constant 48 : index
        %get3A_808 = tpu.vector_load %arg9[%get3A_806, %get3A_807] {strides = array<i32>} : memref<80x64xf32, #tpu.memory_space<vmem>>, vector<16xf32>,
        %bitcast3A_809 = vector.bitcast %get3A_808 : vector<16xf32> to vector<32xbf16>
        %mul3A_810 = arith.mulf %bitcast3A_805, %bitcast3A_809 : vector<32xbf16>
        %add3A_811 = arith.addf %add3A_619, %mul3A_810 : vector<32xbf16>
        %add3A_812 = arith.constant 13 : i32
        %add3A_813 = arith.addi %mul3A_97, %add3A_812 : i32
        %get3A_814 = arith.index_cast %add3A_813 : i32 to index
        %get3A_815 = arith.constant 48 : index
        %get3A_816 = tpu.vector_load %arg8[%get3A_814, %get3A_815] {strides = array<i32>} : memref<80x64xf32, #tpu.memory_space<vmem>>, vector<16xf32>,
        %bitcast3A_817 = vector.bitcast %get3A_816 : vector<16xf32> to vector<32xbf16>
        %get3A_818 = arith.index_cast %add3A_813 : i32 to index
        %get3A_819 = arith.constant 48 : index
        %get3A_820 = tpu.vector_load %arg9[%get3A_818, %get3A_819] {strides = array<i32>} : memref<80x64xf32, #tpu.memory_space<vmem>>, vector<16xf32>,
        %bitcast3A_821 = vector.bitcast %get3A_820 : vector<16xf32> to vector<32xbf16>
        %mul3A_822 = arith.mulf %bitcast3A_817, %bitcast3A_821 : vector<32xbf16>
        %add3A_823 = arith.addf %add3A_631, %mul3A_822 : vector<32xbf16>
        %add3A_824 = arith.constant 14 : i32
        %add3A_825 = arith.addi %mul3A_97, %add3A_824 : i32
        %get3A_826 = arith.index_cast %add3A_825 : i32 to index
        %get3A_827 = arith.constant 48 : index
        %get3A_828 = tpu.vector_load %arg8[%get3A_826, %get3A_827] {strides = array<i32>} : memref<80x64xf32, #tpu.memory_space<vmem>>, vector<16xf32>,
        %bitcast3A_829 = vector.bitcast %get3A_828 : vector<16xf32> to vector<32xbf16>
        %get3A_830 = arith.index_cast %add3A_825 : i32 to index
        %get3A_831 = arith.constant 48 : index
        %get3A_832 = tpu.vector_load %arg9[%get3A_830, %get3A_831] {strides = array<i32>} : memref<80x64xf32, #tpu.memory_space<vmem>>, vector<16xf32>,
        %bitcast3A_833 = vector.bitcast %get3A_832 : vector<16xf32> to vector<32xbf16>
        %mul3A_834 = arith.mulf %bitcast3A_829, %bitcast3A_833 : vector<32xbf16>
        %add3A_835 = arith.addf %add3A_643, %mul3A_834 : vector<32xbf16>
        %add3A_836 = arith.constant 15 : i32
        %add3A_837 = arith.addi %mul3A_97, %add3A_836 : i32
        %get3A_838 = arith.index_cast %add3A_837 : i32 to index
        %get3A_839 = arith.constant 48 : index
        %get3A_840 = tpu.vector_load %arg8[%get3A_838, %get3A_839] {strides = array<i32>} : memref<80x64xf32, #tpu.memory_space<vmem>>, vector<16xf32>,
        %bitcast3A_841 = vector.bitcast %get3A_840 : vector<16xf32> to vector<32xbf16>
        %get3A_842 = arith.index_cast %add3A_837 : i32 to index
        %get3A_843 = arith.constant 48 : index
        %get3A_844 = tpu.vector_load %arg9[%get3A_842, %get3A_843] {strides = array<i32>} : memref<80x64xf32, #tpu.memory_space<vmem>>, vector<16xf32>,
        %bitcast3A_845 = vector.bitcast %get3A_844 : vector<16xf32> to vector<32xbf16>
        %mul3A_846 = arith.mulf %bitcast3A_841, %bitcast3A_845 : vector<32xbf16>
        %add3A_847 = arith.addf %add3A_655, %mul3A_846 : vector<32xbf16>
        %unpack3A = tpu.unpack_subelements %add3A_667, 0 {pack_format = #tpu.pack_format<interleaved>} : vector<32xbf16> -> vector<16xf32>
        %unpack3A_848 = tpu.unpack_subelements %add3A_667, 1 {pack_format = #tpu.pack_format<interleaved>} : vector<32xbf16> -> vector<16xf32>
        %add3A_849 = arith.constant 0 : i32
        %add3A_850 = vector.broadcast %add3A_849 : i32 to vector<16xi32>
        %add3A_851 = arith.addi %iota3A, %add3A_850 : vector<16xi32>
        %and3A = arith.constant 15 : i32
        %and3A_852 = vector.broadcast %and3A : i32 to vector<16xi32>
        %and3A_853 = arith.andi %add3A_851, %and3A_852 : vector<16xi32>
        %add3A_854 = arith.constant 0 : i32
        %add3A_855 = vector.broadcast %add3A_854 : i32 to vector<16xi32>
        %add3A_856 = arith.addi %add3A_855, %and3A_853 : vector<16xi32>
        %add3A_857 = arith.addf %unpack3A, %unpack3A_848 : vector<16xf32>
        tpu.vector_store_idx %arg12[%add3A_856], %add3A_857 : memref<256xf32, #tpu.memory_space<vmem>>[vector<16xi32>], vector<16xf32>,
        %unpack3A_858 = tpu.unpack_subelements %add3A_679, 0 {pack_format = #tpu.pack_format<interleaved>} : vector<32xbf16> -> vector<16xf32>
        %unpack3A_859 = tpu.unpack_subelements %add3A_679, 1 {pack_format = #tpu.pack_format<interleaved>} : vector<32xbf16> -> vector<16xf32>
        %add3A_860 = arith.constant 1 : i32
        %add3A_861 = vector.broadcast %add3A_860 : i32 to vector<16xi32>
        %add3A_862 = arith.addi %iota3A, %add3A_861 : vector<16xi32>
        %and3A_863 = arith.constant 15 : i32
        %and3A_864 = vector.broadcast %and3A_863 : i32 to vector<16xi32>
        %and3A_865 = arith.andi %add3A_862, %and3A_864 : vector<16xi32>
        %add3A_866 = arith.constant 16 : i32
        %add3A_867 = vector.broadcast %add3A_866 : i32 to vector<16xi32>
        %add3A_868 = arith.addi %add3A_867, %and3A_865 : vector<16xi32>
        %add3A_869 = arith.addf %unpack3A_858, %unpack3A_859 : vector<16xf32>
        tpu.vector_store_idx %arg12[%add3A_868], %add3A_869 : memref<256xf32, #tpu.memory_space<vmem>>[vector<16xi32>], vector<16xf32>,
        %unpack3A_870 = tpu.unpack_subelements %add3A_691, 0 {pack_format = #tpu.pack_format<interleaved>} : vector<32xbf16> -> vector<16xf32>
        %unpack3A_871 = tpu.unpack_subelements %add3A_691, 1 {pack_format = #tpu.pack_format<interleaved>} : vector<32xbf16> -> vector<16xf32>
        %add3A_872 = arith.constant 2 : i32
        %add3A_873 = vector.broadcast %add3A_872 : i32 to vector<16xi32>
        %add3A_874 = arith.addi %iota3A, %add3A_873 : vector<16xi32>
        %and3A_875 = arith.constant 15 : i32
        %and3A_876 = vector.broadcast %and3A_875 : i32 to vector<16xi32>
        %and3A_877 = arith.andi %add3A_874, %and3A_876 : vector<16xi32>
        %add3A_878 = arith.constant 32 : i32
        %add3A_879 = vector.broadcast %add3A_878 : i32 to vector<16xi32>
        %add3A_880 = arith.addi %add3A_879, %and3A_877 : vector<16xi32>
        %add3A_881 = arith.addf %unpack3A_870, %unpack3A_871 : vector<16xf32>
        tpu.vector_store_idx %arg12[%add3A_880], %add3A_881 : memref<256xf32, #tpu.memory_space<vmem>>[vector<16xi32>], vector<16xf32>,
        %unpack3A_882 = tpu.unpack_subelements %add3A_703, 0 {pack_format = #tpu.pack_format<interleaved>} : vector<32xbf16> -> vector<16xf32>
        %unpack3A_883 = tpu.unpack_subelements %add3A_703, 1 {pack_format = #tpu.pack_format<interleaved>} : vector<32xbf16> -> vector<16xf32>
        %add3A_884 = arith.constant 3 : i32
        %add3A_885 = vector.broadcast %add3A_884 : i32 to vector<16xi32>
        %add3A_886 = arith.addi %iota3A, %add3A_885 : vector<16xi32>
        %and3A_887 = arith.constant 15 : i32
        %and3A_888 = vector.broadcast %and3A_887 : i32 to vector<16xi32>
        %and3A_889 = arith.andi %add3A_886, %and3A_888 : vector<16xi32>
        %add3A_890 = arith.constant 48 : i32
        %add3A_891 = vector.broadcast %add3A_890 : i32 to vector<16xi32>
        %add3A_892 = arith.addi %add3A_891, %and3A_889 : vector<16xi32>
        %add3A_893 = arith.addf %unpack3A_882, %unpack3A_883 : vector<16xf32>
        tpu.vector_store_idx %arg12[%add3A_892], %add3A_893 : memref<256xf32, #tpu.memory_space<vmem>>[vector<16xi32>], vector<16xf32>,
        %unpack3A_894 = tpu.unpack_subelements %add3A_715, 0 {pack_format = #tpu.pack_format<interleaved>} : vector<32xbf16> -> vector<16xf32>
        %unpack3A_895 = tpu.unpack_subelements %add3A_715, 1 {pack_format = #tpu.pack_format<interleaved>} : vector<32xbf16> -> vector<16xf32>
        %add3A_896 = arith.constant 4 : i32
        %add3A_897 = vector.broadcast %add3A_896 : i32 to vector<16xi32>
        %add3A_898 = arith.addi %iota3A, %add3A_897 : vector<16xi32>
        %and3A_899 = arith.constant 15 : i32
        %and3A_900 = vector.broadcast %and3A_899 : i32 to vector<16xi32>
        %and3A_901 = arith.andi %add3A_898, %and3A_900 : vector<16xi32>
        %add3A_902 = arith.constant 64 : i32
        %add3A_903 = vector.broadcast %add3A_902 : i32 to vector<16xi32>
        %add3A_904 = arith.addi %add3A_903, %and3A_901 : vector<16xi32>
        %add3A_905 = arith.addf %unpack3A_894, %unpack3A_895 : vector<16xf32>
        tpu.vector_store_idx %arg12[%add3A_904], %add3A_905 : memref<256xf32, #tpu.memory_space<vmem>>[vector<16xi32>], vector<16xf32>,
        %unpack3A_906 = tpu.unpack_subelements %add3A_727, 0 {pack_format = #tpu.pack_format<interleaved>} : vector<32xbf16> -> vector<16xf32>
        %unpack3A_907 = tpu.unpack_subelements %add3A_727, 1 {pack_format = #tpu.pack_format<interleaved>} : vector<32xbf16> -> vector<16xf32>
        %add3A_908 = arith.constant 5 : i32
        %add3A_909 = vector.broadcast %add3A_908 : i32 to vector<16xi32>
        %add3A_910 = arith.addi %iota3A, %add3A_909 : vector<16xi32>
        %and3A_911 = arith.constant 15 : i32
        %and3A_912 = vector.broadcast %and3A_911 : i32 to vector<16xi32>
        %and3A_913 = arith.andi %add3A_910, %and3A_912 : vector<16xi32>
        %add3A_914 = arith.constant 80 : i32
        %add3A_915 = vector.broadcast %add3A_914 : i32 to vector<16xi32>
        %add3A_916 = arith.addi %add3A_915, %and3A_913 : vector<16xi32>
        %add3A_917 = arith.addf %unpack3A_906, %unpack3A_907 : vector<16xf32>
        tpu.vector_store_idx %arg12[%add3A_916], %add3A_917 : memref<256xf32, #tpu.memory_space<vmem>>[vector<16xi32>], vector<16xf32>,
        %unpack3A_918 = tpu.unpack_subelements %add3A_739, 0 {pack_format = #tpu.pack_format<interleaved>} : vector<32xbf16> -> vector<16xf32>
        %unpack3A_919 = tpu.unpack_subelements %add3A_739, 1 {pack_format = #tpu.pack_format<interleaved>} : vector<32xbf16> -> vector<16xf32>
        %add3A_920 = arith.constant 6 : i32
        %add3A_921 = vector.broadcast %add3A_920 : i32 to vector<16xi32>
        %add3A_922 = arith.addi %iota3A, %add3A_921 : vector<16xi32>
        %and3A_923 = arith.constant 15 : i32
        %and3A_924 = vector.broadcast %and3A_923 : i32 to vector<16xi32>
        %and3A_925 = arith.andi %add3A_922, %and3A_924 : vector<16xi32>
        %add3A_926 = arith.constant 96 : i32
        %add3A_927 = vector.broadcast %add3A_926 : i32 to vector<16xi32>
        %add3A_928 = arith.addi %add3A_927, %and3A_925 : vector<16xi32>
        %add3A_929 = arith.addf %unpack3A_918, %unpack3A_919 : vector<16xf32>
        tpu.vector_store_idx %arg12[%add3A_928], %add3A_929 : memref<256xf32, #tpu.memory_space<vmem>>[vector<16xi32>], vector<16xf32>,
        %unpack3A_930 = tpu.unpack_subelements %add3A_751, 0 {pack_format = #tpu.pack_format<interleaved>} : vector<32xbf16> -> vector<16xf32>
        %unpack3A_931 = tpu.unpack_subelements %add3A_751, 1 {pack_format = #tpu.pack_format<interleaved>} : vector<32xbf16> -> vector<16xf32>
        %add3A_932 = arith.constant 7 : i32
        %add3A_933 = vector.broadcast %add3A_932 : i32 to vector<16xi32>
        %add3A_934 = arith.addi %iota3A, %add3A_933 : vector<16xi32>
        %and3A_935 = arith.constant 15 : i32
        %and3A_936 = vector.broadcast %and3A_935 : i32 to vector<16xi32>
        %and3A_937 = arith.andi %add3A_934, %and3A_936 : vector<16xi32>
        %add3A_938 = arith.constant 112 : i32
        %add3A_939 = vector.broadcast %add3A_938 : i32 to vector<16xi32>
        %add3A_940 = arith.addi %add3A_939, %and3A_937 : vector<16xi32>
        %add3A_941 = arith.addf %unpack3A_930, %unpack3A_931 : vector<16xf32>
        tpu.vector_store_idx %arg12[%add3A_940], %add3A_941 : memref<256xf32, #tpu.memory_space<vmem>>[vector<16xi32>], vector<16xf32>,
        %unpack3A_942 = tpu.unpack_subelements %add3A_763, 0 {pack_format = #tpu.pack_format<interleaved>} : vector<32xbf16> -> vector<16xf32>
        %unpack3A_943 = tpu.unpack_subelements %add3A_763, 1 {pack_format = #tpu.pack_format<interleaved>} : vector<32xbf16> -> vector<16xf32>
        %add3A_944 = arith.constant 8 : i32
        %add3A_945 = vector.broadcast %add3A_944 : i32 to vector<16xi32>
        %add3A_946 = arith.addi %iota3A, %add3A_945 : vector<16xi32>
        %and3A_947 = arith.constant 15 : i32
        %and3A_948 = vector.broadcast %and3A_947 : i32 to vector<16xi32>
        %and3A_949 = arith.andi %add3A_946, %and3A_948 : vector<16xi32>
        %add3A_950 = arith.constant 128 : i32
        %add3A_951 = vector.broadcast %add3A_950 : i32 to vector<16xi32>
        %add3A_952 = arith.addi %add3A_951, %and3A_949 : vector<16xi32>
        %add3A_953 = arith.addf %unpack3A_942, %unpack3A_943 : vector<16xf32>
        tpu.vector_store_idx %arg12[%add3A_952], %add3A_953 : memref<256xf32, #tpu.memory_space<vmem>>[vector<16xi32>], vector<16xf32>,
        %unpack3A_954 = tpu.unpack_subelements %add3A_775, 0 {pack_format = #tpu.pack_format<interleaved>} : vector<32xbf16> -> vector<16xf32>
        %unpack3A_955 = tpu.unpack_subelements %add3A_775, 1 {pack_format = #tpu.pack_format<interleaved>} : vector<32xbf16> -> vector<16xf32>
        %add3A_956 = arith.constant 9 : i32
        %add3A_957 = vector.broadcast %add3A_956 : i32 to vector<16xi32>
        %add3A_958 = arith.addi %iota3A, %add3A_957 : vector<16xi32>
        %and3A_959 = arith.constant 15 : i32
        %and3A_960 = vector.broadcast %and3A_959 : i32 to vector<16xi32>
        %and3A_961 = arith.andi %add3A_958, %and3A_960 : vector<16xi32>
        %add3A_962 = arith.constant 144 : i32
        %add3A_963 = vector.broadcast %add3A_962 : i32 to vector<16xi32>
        %add3A_964 = arith.addi %add3A_963, %and3A_961 : vector<16xi32>
        %add3A_965 = arith.addf %unpack3A_954, %unpack3A_955 : vector<16xf32>
        tpu.vector_store_idx %arg12[%add3A_964], %add3A_965 : memref<256xf32, #tpu.memory_space<vmem>>[vector<16xi32>], vector<16xf32>,
        %unpack3A_966 = tpu.unpack_subelements %add3A_787, 0 {pack_format = #tpu.pack_format<interleaved>} : vector<32xbf16> -> vector<16xf32>
        %unpack3A_967 = tpu.unpack_subelements %add3A_787, 1 {pack_format = #tpu.pack_format<interleaved>} : vector<32xbf16> -> vector<16xf32>
        %add3A_968 = arith.constant 10 : i32
        %add3A_969 = vector.broadcast %add3A_968 : i32 to vector<16xi32>
        %add3A_970 = arith.addi %iota3A, %add3A_969 : vector<16xi32>
        %and3A_971 = arith.constant 15 : i32
        %and3A_972 = vector.broadcast %and3A_971 : i32 to vector<16xi32>
        %and3A_973 = arith.andi %add3A_970, %and3A_972 : vector<16xi32>
        %add3A_974 = arith.constant 160 : i32
        %add3A_975 = vector.broadcast %add3A_974 : i32 to vector<16xi32>
        %add3A_976 = arith.addi %add3A_975, %and3A_973 : vector<16xi32>
        %add3A_977 = arith.addf %unpack3A_966, %unpack3A_967 : vector<16xf32>
        tpu.vector_store_idx %arg12[%add3A_976], %add3A_977 : memref<256xf32, #tpu.memory_space<vmem>>[vector<16xi32>], vector<16xf32>,
        %unpack3A_978 = tpu.unpack_subelements %add3A_799, 0 {pack_format = #tpu.pack_format<interleaved>} : vector<32xbf16> -> vector<16xf32>
        %unpack3A_979 = tpu.unpack_subelements %add3A_799, 1 {pack_format = #tpu.pack_format<interleaved>} : vector<32xbf16> -> vector<16xf32>
        %add3A_980 = arith.constant 11 : i32
        %add3A_981 = vector.broadcast %add3A_980 : i32 to vector<16xi32>
        %add3A_982 = arith.addi %iota3A, %add3A_981 : vector<16xi32>
        %and3A_983 = arith.constant 15 : i32
        %and3A_984 = vector.broadcast %and3A_983 : i32 to vector<16xi32>
        %and3A_985 = arith.andi %add3A_982, %and3A_984 : vector<16xi32>
        %add3A_986 = arith.constant 176 : i32
        %add3A_987 = vector.broadcast %add3A_986 : i32 to vector<16xi32>
        %add3A_988 = arith.addi %add3A_987, %and3A_985 : vector<16xi32>
        %add3A_989 = arith.addf %unpack3A_978, %unpack3A_979 : vector<16xf32>
        tpu.vector_store_idx %arg12[%add3A_988], %add3A_989 : memref<256xf32, #tpu.memory_space<vmem>>[vector<16xi32>], vector<16xf32>,
        %unpack3A_990 = tpu.unpack_subelements %add3A_811, 0 {pack_format = #tpu.pack_format<interleaved>} : vector<32xbf16> -> vector<16xf32>
        %unpack3A_991 = tpu.unpack_subelements %add3A_811, 1 {pack_format = #tpu.pack_format<interleaved>} : vector<32xbf16> -> vector<16xf32>
        %add3A_992 = arith.constant 12 : i32
        %add3A_993 = vector.broadcast %add3A_992 : i32 to vector<16xi32>
        %add3A_994 = arith.addi %iota3A, %add3A_993 : vector<16xi32>
        %and3A_995 = arith.constant 15 : i32
        %and3A_996 = vector.broadcast %and3A_995 : i32 to vector<16xi32>
        %and3A_997 = arith.andi %add3A_994, %and3A_996 : vector<16xi32>
        %add3A_998 = arith.constant 192 : i32
        %add3A_999 = vector.broadcast %add3A_998 : i32 to vector<16xi32>
        %add3A_1000 = arith.addi %add3A_999, %and3A_997 : vector<16xi32>
        %add3A_1001 = arith.addf %unpack3A_990, %unpack3A_991 : vector<16xf32>
        tpu.vector_store_idx %arg12[%add3A_1000], %add3A_1001 : memref<256xf32, #tpu.memory_space<vmem>>[vector<16xi32>], vector<16xf32>,
        %unpack3A_1002 = tpu.unpack_subelements %add3A_823, 0 {pack_format = #tpu.pack_format<interleaved>} : vector<32xbf16> -> vector<16xf32>
        %unpack3A_1003 = tpu.unpack_subelements %add3A_823, 1 {pack_format = #tpu.pack_format<interleaved>} : vector<32xbf16> -> vector<16xf32>
        %add3A_1004 = arith.constant 13 : i32
        %add3A_1005 = vector.broadcast %add3A_1004 : i32 to vector<16xi32>
        %add3A_1006 = arith.addi %iota3A, %add3A_1005 : vector<16xi32>
        %and3A_1007 = arith.constant 15 : i32
        %and3A_1008 = vector.broadcast %and3A_1007 : i32 to vector<16xi32>
        %and3A_1009 = arith.andi %add3A_1006, %and3A_1008 : vector<16xi32>
        %add3A_1010 = arith.constant 208 : i32
        %add3A_1011 = vector.broadcast %add3A_1010 : i32 to vector<16xi32>
        %add3A_1012 = arith.addi %add3A_1011, %and3A_1009 : vector<16xi32>
        %add3A_1013 = arith.addf %unpack3A_1002, %unpack3A_1003 : vector<16xf32>
        tpu.vector_store_idx %arg12[%add3A_1012], %add3A_1013 : memref<256xf32, #tpu.memory_space<vmem>>[vector<16xi32>], vector<16xf32>,
        %unpack3A_1014 = tpu.unpack_subelements %add3A_835, 0 {pack_format = #tpu.pack_format<interleaved>} : vector<32xbf16> -> vector<16xf32>
        %unpack3A_1015 = tpu.unpack_subelements %add3A_835, 1 {pack_format = #tpu.pack_format<interleaved>} : vector<32xbf16> -> vector<16xf32>
        %add3A_1016 = arith.constant 14 : i32
        %add3A_1017 = vector.broadcast %add3A_1016 : i32 to vector<16xi32>
        %add3A_1018 = arith.addi %iota3A, %add3A_1017 : vector<16xi32>
        %and3A_1019 = arith.constant 15 : i32
        %and3A_1020 = vector.broadcast %and3A_1019 : i32 to vector<16xi32>
        %and3A_1021 = arith.andi %add3A_1018, %and3A_1020 : vector<16xi32>
        %add3A_1022 = arith.constant 224 : i32
        %add3A_1023 = vector.broadcast %add3A_1022 : i32 to vector<16xi32>
        %add3A_1024 = arith.addi %add3A_1023, %and3A_1021 : vector<16xi32>
        %add3A_1025 = arith.addf %unpack3A_1014, %unpack3A_1015 : vector<16xf32>
        tpu.vector_store_idx %arg12[%add3A_1024], %add3A_1025 : memref<256xf32, #tpu.memory_space<vmem>>[vector<16xi32>], vector<16xf32>,
        %unpack3A_1026 = tpu.unpack_subelements %add3A_847, 0 {pack_format = #tpu.pack_format<interleaved>} : vector<32xbf16> -> vector<16xf32>
        %unpack3A_1027 = tpu.unpack_subelements %add3A_847, 1 {pack_format = #tpu.pack_format<interleaved>} : vector<32xbf16> -> vector<16xf32>
        %add3A_1028 = arith.constant 15 : i32
        %add3A_1029 = vector.broadcast %add3A_1028 : i32 to vector<16xi32>
        %add3A_1030 = arith.addi %iota3A, %add3A_1029 : vector<16xi32>
        %and3A_1031 = arith.constant 15 : i32
        %and3A_1032 = vector.broadcast %and3A_1031 : i32 to vector<16xi32>
        %and3A_1033 = arith.andi %add3A_1030, %and3A_1032 : vector<16xi32>
        %add3A_1034 = arith.constant 240 : i32
        %add3A_1035 = vector.broadcast %add3A_1034 : i32 to vector<16xi32>
        %add3A_1036 = arith.addi %add3A_1035, %and3A_1033 : vector<16xi32>
        %add3A_1037 = arith.addf %unpack3A_1026, %unpack3A_1027 : vector<16xf32>
        tpu.vector_store_idx %arg12[%add3A_1036], %add3A_1037 : memref<256xf32, #tpu.memory_space<vmem>>[vector<16xi32>], vector<16xf32>,
        %add3A_1038 = arith.constant 0 : i32
        %add3A_1039 = vector.broadcast %add3A_1038 : i32 to vector<16xi32>
        %add3A_1040 = arith.addi %add3A_1039, %iota3A : vector<16xi32>
        %and3A_1041 = arith.constant 15 : i32
        %and3A_1042 = vector.broadcast %and3A_1041 : i32 to vector<16xi32>
        %and3A_1043 = arith.andi %add3A_1040, %and3A_1042 : vector<16xi32>
        %add3A_1044 = arith.addi %mul3A_9, %and3A_1043 : vector<16xi32>
        %gather3A = tpu.vector_load_idx %arg12[%add3A_1044] : memref<256xf32, #tpu.memory_space<vmem>>[vector<16xi32>], vector<16xf32>,
        %add3A_1045 = arith.constant 1 : i32
        %add3A_1046 = vector.broadcast %add3A_1045 : i32 to vector<16xi32>
        %add3A_1047 = arith.addi %add3A_1046, %iota3A : vector<16xi32>
        %and3A_1048 = arith.constant 15 : i32
        %and3A_1049 = vector.broadcast %and3A_1048 : i32 to vector<16xi32>
        %and3A_1050 = arith.andi %add3A_1047, %and3A_1049 : vector<16xi32>
        %add3A_1051 = arith.addi %mul3A_9, %and3A_1050 : vector<16xi32>
        %gather3A_1052 = tpu.vector_load_idx %arg12[%add3A_1051] : memref<256xf32, #tpu.memory_space<vmem>>[vector<16xi32>], vector<16xf32>,
        %add3A_1053 = arith.constant 2 : i32
        %add3A_1054 = vector.broadcast %add3A_1053 : i32 to vector<16xi32>
        %add3A_1055 = arith.addi %add3A_1054, %iota3A : vector<16xi32>
        %and3A_1056 = arith.constant 15 : i32
        %and3A_1057 = vector.broadcast %and3A_1056 : i32 to vector<16xi32>
        %and3A_1058 = arith.andi %add3A_1055, %and3A_1057 : vector<16xi32>
        %add3A_1059 = arith.addi %mul3A_9, %and3A_1058 : vector<16xi32>
        %gather3A_1060 = tpu.vector_load_idx %arg12[%add3A_1059] : memref<256xf32, #tpu.memory_space<vmem>>[vector<16xi32>], vector<16xf32>,
        %add3A_1061 = arith.constant 3 : i32
        %add3A_1062 = vector.broadcast %add3A_1061 : i32 to vector<16xi32>
        %add3A_1063 = arith.addi %add3A_1062, %iota3A : vector<16xi32>
        %and3A_1064 = arith.constant 15 : i32
        %and3A_1065 = vector.broadcast %and3A_1064 : i32 to vector<16xi32>
        %and3A_1066 = arith.andi %add3A_1063, %and3A_1065 : vector<16xi32>
        %add3A_1067 = arith.addi %mul3A_9, %and3A_1066 : vector<16xi32>
        %gather3A_1068 = tpu.vector_load_idx %arg12[%add3A_1067] : memref<256xf32, #tpu.memory_space<vmem>>[vector<16xi32>], vector<16xf32>,
        %add3A_1069 = arith.constant 4 : i32
        %add3A_1070 = vector.broadcast %add3A_1069 : i32 to vector<16xi32>
        %add3A_1071 = arith.addi %add3A_1070, %iota3A : vector<16xi32>
        %and3A_1072 = arith.constant 15 : i32
        %and3A_1073 = vector.broadcast %and3A_1072 : i32 to vector<16xi32>
        %and3A_1074 = arith.andi %add3A_1071, %and3A_1073 : vector<16xi32>
        %add3A_1075 = arith.addi %mul3A_9, %and3A_1074 : vector<16xi32>
        %gather3A_1076 = tpu.vector_load_idx %arg12[%add3A_1075] : memref<256xf32, #tpu.memory_space<vmem>>[vector<16xi32>], vector<16xf32>,
        %add3A_1077 = arith.constant 5 : i32
        %add3A_1078 = vector.broadcast %add3A_1077 : i32 to vector<16xi32>
        %add3A_1079 = arith.addi %add3A_1078, %iota3A : vector<16xi32>
        %and3A_1080 = arith.constant 15 : i32
        %and3A_1081 = vector.broadcast %and3A_1080 : i32 to vector<16xi32>
        %and3A_1082 = arith.andi %add3A_1079, %and3A_1081 : vector<16xi32>
        %add3A_1083 = arith.addi %mul3A_9, %and3A_1082 : vector<16xi32>
        %gather3A_1084 = tpu.vector_load_idx %arg12[%add3A_1083] : memref<256xf32, #tpu.memory_space<vmem>>[vector<16xi32>], vector<16xf32>,
        %add3A_1085 = arith.constant 6 : i32
        %add3A_1086 = vector.broadcast %add3A_1085 : i32 to vector<16xi32>
        %add3A_1087 = arith.addi %add3A_1086, %iota3A : vector<16xi32>
        %and3A_1088 = arith.constant 15 : i32
        %and3A_1089 = vector.broadcast %and3A_1088 : i32 to vector<16xi32>
        %and3A_1090 = arith.andi %add3A_1087, %and3A_1089 : vector<16xi32>
        %add3A_1091 = arith.addi %mul3A_9, %and3A_1090 : vector<16xi32>
        %gather3A_1092 = tpu.vector_load_idx %arg12[%add3A_1091] : memref<256xf32, #tpu.memory_space<vmem>>[vector<16xi32>], vector<16xf32>,
        %add3A_1093 = arith.constant 7 : i32
        %add3A_1094 = vector.broadcast %add3A_1093 : i32 to vector<16xi32>
        %add3A_1095 = arith.addi %add3A_1094, %iota3A : vector<16xi32>
        %and3A_1096 = arith.constant 15 : i32
        %and3A_1097 = vector.broadcast %and3A_1096 : i32 to vector<16xi32>
        %and3A_1098 = arith.andi %add3A_1095, %and3A_1097 : vector<16xi32>
        %add3A_1099 = arith.addi %mul3A_9, %and3A_1098 : vector<16xi32>
        %gather3A_1100 = tpu.vector_load_idx %arg12[%add3A_1099] : memref<256xf32, #tpu.memory_space<vmem>>[vector<16xi32>], vector<16xf32>,
        %add3A_1101 = arith.constant 8 : i32
        %add3A_1102 = vector.broadcast %add3A_1101 : i32 to vector<16xi32>
        %add3A_1103 = arith.addi %add3A_1102, %iota3A : vector<16xi32>
        %and3A_1104 = arith.constant 15 : i32
        %and3A_1105 = vector.broadcast %and3A_1104 : i32 to vector<16xi32>
        %and3A_1106 = arith.andi %add3A_1103, %and3A_1105 : vector<16xi32>
        %add3A_1107 = arith.addi %mul3A_9, %and3A_1106 : vector<16xi32>
        %gather3A_1108 = tpu.vector_load_idx %arg12[%add3A_1107] : memref<256xf32, #tpu.memory_space<vmem>>[vector<16xi32>], vector<16xf32>,
        %add3A_1109 = arith.constant 9 : i32
        %add3A_1110 = vector.broadcast %add3A_1109 : i32 to vector<16xi32>
        %add3A_1111 = arith.addi %add3A_1110, %iota3A : vector<16xi32>
        %and3A_1112 = arith.constant 15 : i32
        %and3A_1113 = vector.broadcast %and3A_1112 : i32 to vector<16xi32>
        %and3A_1114 = arith.andi %add3A_1111, %and3A_1113 : vector<16xi32>
        %add3A_1115 = arith.addi %mul3A_9, %and3A_1114 : vector<16xi32>
        %gather3A_1116 = tpu.vector_load_idx %arg12[%add3A_1115] : memref<256xf32, #tpu.memory_space<vmem>>[vector<16xi32>], vector<16xf32>,
        %add3A_1117 = arith.constant 10 : i32
        %add3A_1118 = vector.broadcast %add3A_1117 : i32 to vector<16xi32>
        %add3A_1119 = arith.addi %add3A_1118, %iota3A : vector<16xi32>
        %and3A_1120 = arith.constant 15 : i32
        %and3A_1121 = vector.broadcast %and3A_1120 : i32 to vector<16xi32>
        %and3A_1122 = arith.andi %add3A_1119, %and3A_1121 : vector<16xi32>
        %add3A_1123 = arith.addi %mul3A_9, %and3A_1122 : vector<16xi32>
        %gather3A_1124 = tpu.vector_load_idx %arg12[%add3A_1123] : memref<256xf32, #tpu.memory_space<vmem>>[vector<16xi32>], vector<16xf32>,
        %add3A_1125 = arith.constant 11 : i32
        %add3A_1126 = vector.broadcast %add3A_1125 : i32 to vector<16xi32>
        %add3A_1127 = arith.addi %add3A_1126, %iota3A : vector<16xi32>
        %and3A_1128 = arith.constant 15 : i32
        %and3A_1129 = vector.broadcast %and3A_1128 : i32 to vector<16xi32>
        %and3A_1130 = arith.andi %add3A_1127, %and3A_1129 : vector<16xi32>
        %add3A_1131 = arith.addi %mul3A_9, %and3A_1130 : vector<16xi32>
        %gather3A_1132 = tpu.vector_load_idx %arg12[%add3A_1131] : memref<256xf32, #tpu.memory_space<vmem>>[vector<16xi32>], vector<16xf32>,
        %add3A_1133 = arith.constant 12 : i32
        %add3A_1134 = vector.broadcast %add3A_1133 : i32 to vector<16xi32>
        %add3A_1135 = arith.addi %add3A_1134, %iota3A : vector<16xi32>
        %and3A_1136 = arith.constant 15 : i32
        %and3A_1137 = vector.broadcast %and3A_1136 : i32 to vector<16xi32>
        %and3A_1138 = arith.andi %add3A_1135, %and3A_1137 : vector<16xi32>
        %add3A_1139 = arith.addi %mul3A_9, %and3A_1138 : vector<16xi32>
        %gather3A_1140 = tpu.vector_load_idx %arg12[%add3A_1139] : memref<256xf32, #tpu.memory_space<vmem>>[vector<16xi32>], vector<16xf32>,
        %add3A_1141 = arith.constant 13 : i32
        %add3A_1142 = vector.broadcast %add3A_1141 : i32 to vector<16xi32>
        %add3A_1143 = arith.addi %add3A_1142, %iota3A : vector<16xi32>
        %and3A_1144 = arith.constant 15 : i32
        %and3A_1145 = vector.broadcast %and3A_1144 : i32 to vector<16xi32>
        %and3A_1146 = arith.andi %add3A_1143, %and3A_1145 : vector<16xi32>
        %add3A_1147 = arith.addi %mul3A_9, %and3A_1146 : vector<16xi32>
        %gather3A_1148 = tpu.vector_load_idx %arg12[%add3A_1147] : memref<256xf32, #tpu.memory_space<vmem>>[vector<16xi32>], vector<16xf32>,
        %add3A_1149 = arith.constant 14 : i32
        %add3A_1150 = vector.broadcast %add3A_1149 : i32 to vector<16xi32>
        %add3A_1151 = arith.addi %add3A_1150, %iota3A : vector<16xi32>
        %and3A_1152 = arith.constant 15 : i32
        %and3A_1153 = vector.broadcast %and3A_1152 : i32 to vector<16xi32>
        %and3A_1154 = arith.andi %add3A_1151, %and3A_1153 : vector<16xi32>
        %add3A_1155 = arith.addi %mul3A_9, %and3A_1154 : vector<16xi32>
        %gather3A_1156 = tpu.vector_load_idx %arg12[%add3A_1155] : memref<256xf32, #tpu.memory_space<vmem>>[vector<16xi32>], vector<16xf32>,
        %add3A_1157 = arith.constant 15 : i32
        %add3A_1158 = vector.broadcast %add3A_1157 : i32 to vector<16xi32>
        %add3A_1159 = arith.addi %add3A_1158, %iota3A : vector<16xi32>
        %and3A_1160 = arith.constant 15 : i32
        %and3A_1161 = vector.broadcast %and3A_1160 : i32 to vector<16xi32>
        %and3A_1162 = arith.andi %add3A_1159, %and3A_1161 : vector<16xi32>
        %add3A_1163 = arith.addi %mul3A_9, %and3A_1162 : vector<16xi32>
        %gather3A_1164 = tpu.vector_load_idx %arg12[%add3A_1163] : memref<256xf32, #tpu.memory_space<vmem>>[vector<16xi32>], vector<16xf32>,
        %add3A_1165 = arith.addf %gather3A, %gather3A_1052 : vector<16xf32>
        %add3A_1166 = arith.addf %gather3A_1060, %gather3A_1068 : vector<16xf32>
        %add3A_1167 = arith.addf %gather3A_1076, %gather3A_1084 : vector<16xf32>
        %add3A_1168 = arith.addf %gather3A_1092, %gather3A_1100 : vector<16xf32>
        %add3A_1169 = arith.addf %gather3A_1108, %gather3A_1116 : vector<16xf32>
        %add3A_1170 = arith.addf %gather3A_1124, %gather3A_1132 : vector<16xf32>
        %add3A_1171 = arith.addf %gather3A_1140, %gather3A_1148 : vector<16xf32>
        %add3A_1172 = arith.addf %gather3A_1156, %gather3A_1164 : vector<16xf32>
        %add3A_1173 = arith.addf %add3A_1165, %add3A_1166 : vector<16xf32>
        %add3A_1174 = arith.addf %add3A_1167, %add3A_1168 : vector<16xf32>
        %add3A_1175 = arith.addf %add3A_1169, %add3A_1170 : vector<16xf32>
        %add3A_1176 = arith.addf %add3A_1171, %add3A_1172 : vector<16xf32>
        %add3A_1177 = arith.addf %add3A_1173, %add3A_1174 : vector<16xf32>
        %add3A_1178 = arith.addf %add3A_1175, %add3A_1176 : vector<16xf32>
        %add3A_1179 = arith.addf %add3A_1177, %add3A_1178 : vector<16xf32>
        %mul3A_1180 = arith.mulf %broadcast_in_dim3A, %add3A_1179 : vector<16xf32>
        %max3A = arith.constant 0.000000e+00 : f32
        %max3A_1181 = vector.broadcast %max3A : f32 to vector<16xf32>
        %max3A_1182 = arith.maximumf %mul3A_1180, %max3A_1181 : vector<16xf32>
        %abs3A = math.absf %mul3A_1180 : vector<16xf32>
        %neg3A = arith.constant 0.000000e+00 : f32
        %neg3A_1183 = vector.broadcast %neg3A : f32 to vector<16xf32>
        %neg3A_1184 = arith.subf %neg3A_1183, %abs3A : vector<16xf32>
        %exp3A = math.exp %neg3A_1184 : vector<16xf32>
        %add3A_1185 = arith.constant 2.000000e+00 : f32
        %add3A_1186 = vector.broadcast %add3A_1185 : f32 to vector<16xf32>
        %add3A_1187 = arith.addf %exp3A, %add3A_1186 : vector<16xf32>
        %div3A = arith.divf %exp3A, %add3A_1187 : vector<16xf32>
        %mul3A_1188 = arith.mulf %div3A, %div3A : vector<16xf32>
        %mul3A_1189 = arith.constant 0.111111112 : f32
        %mul3A_1190 = vector.broadcast %mul3A_1189 : f32 to vector<16xf32>
        %mul3A_1191 = arith.mulf %mul3A_1188, %mul3A_1190 : vector<16xf32>
        %add3A_1192 = arith.constant 0.142857149 : f32
        %add3A_1193 = vector.broadcast %add3A_1192 : f32 to vector<16xf32>
        %add3A_1194 = arith.addf %add3A_1193, %mul3A_1191 : vector<16xf32>
        %mul3A_1195 = arith.mulf %mul3A_1188, %add3A_1194 : vector<16xf32>
        %add3A_1196 = arith.constant 2.000000e-01 : f32
        %add3A_1197 = vector.broadcast %add3A_1196 : f32 to vector<16xf32>
        %add3A_1198 = arith.addf %add3A_1197, %mul3A_1195 : vector<16xf32>
        %mul3A_1199 = arith.mulf %mul3A_1188, %add3A_1198 : vector<16xf32>
        %add3A_1200 = arith.constant 0.333333343 : f32
        %add3A_1201 = vector.broadcast %add3A_1200 : f32 to vector<16xf32>
        %add3A_1202 = arith.addf %add3A_1201, %mul3A_1199 : vector<16xf32>
        %mul3A_1203 = arith.mulf %mul3A_1188, %add3A_1202 : vector<16xf32>
        %add3A_1204 = arith.constant 1.000000e+00 : f32
        %add3A_1205 = vector.broadcast %add3A_1204 : f32 to vector<16xf32>
        %add3A_1206 = arith.addf %add3A_1205, %mul3A_1203 : vector<16xf32>
        %mul3A_1207 = arith.constant 2.000000e+00 : f32
        %mul3A_1208 = vector.broadcast %mul3A_1207 : f32 to vector<16xf32>
        %mul3A_1209 = arith.mulf %mul3A_1208, %div3A : vector<16xf32>
        %mul3A_1210 = arith.mulf %mul3A_1209, %add3A_1206 : vector<16xf32>
        %add3A_1211 = arith.addf %max3A_1182, %mul3A_1210 : vector<16xf32>
        %add3A_1212 = arith.addf %scan3A_95, %add3A_1211 : vector<16xf32>
        scf.yield %add3A_1212 : vector<16xf32>
      }
      %scan3A_70 = arith.constant 5 : i32
      %lt3A_71 = arith.constant 124 : i32
      %lt3A_72 = arith.cmpi slt, %scan3A_34, %lt3A_71 : i32
      %convert_element_type3A = arith.extui %lt3A_72 : i1 to i32
      %cond3A = arith.constant 0 : i32
      %cond3A_73 = arith.cmpi ne, %convert_element_type3A, %cond3A : i32
      scf.if %cond3A_73 {
        %add3A_94 = arith.constant 2 : i32
        %add3A_95 = arith.addi %mul3A_37, %add3A_94 : i32
        %dma_start3A_96 = arith.constant 0 : i32
        %dma_start3A_97 = tpu.memref_slice %arg6[%add3A_95, %dma_start3A_96] : memref<250x80xi32, #tpu.memory_space<vmem>> -> memref<1x80xi32, #tpu.memory_space<vmem>>
        %dma_start3A_98 = tpu.memref_squeeze %dma_start3A_97 : memref<1x80xi32, #tpu.memory_space<vmem>> -> memref<80xi32, #tpu.memory_space<vmem>>
        %dma_start3A_99 = arith.constant 0 : i32
        %dma_start3A_100 = arith.constant 0 : i32
        %dma_start3A_101 = tpu.memref_slice %arg14[%dma_start3A_99, %dma_start3A_100] : memref<10000x64xf32, #tpu.memory_space<vmem_shared>> -> memref<10000x64xf32, #tpu.memory_space<vmem_shared>>
        tpu.enqueue_indirect_dma source(%dma_start3A_101 : memref<10000x64xf32, #tpu.memory_space<vmem_shared>>) target(%arg8 : memref<80x64xf32, #tpu.memory_space<vmem>>) offsets(%dma_start3A_98 : memref<80xi32, #tpu.memory_space<vmem>>) semaphore(%arg15 : memref<!tpu.dma_semaphore, #tpu.memory_space<semaphore_mem>>)
        %dma_start3A_102 = arith.constant 0 : i32
        %dma_start3A_103 = tpu.memref_slice %arg7[%add3A_95, %dma_start3A_102] : memref<250x80xi32, #tpu.memory_space<vmem>> -> memref<1x80xi32, #tpu.memory_space<vmem>>
        %dma_start3A_104 = tpu.memref_squeeze %dma_start3A_103 : memref<1x80xi32, #tpu.memory_space<vmem>> -> memref<80xi32, #tpu.memory_space<vmem>>
        %dma_start3A_105 = arith.constant 0 : i32
        %dma_start3A_106 = arith.constant 0 : i32
        %dma_start3A_107 = tpu.memref_slice %arg14[%dma_start3A_105, %dma_start3A_106] : memref<10000x64xf32, #tpu.memory_space<vmem_shared>> -> memref<10000x64xf32, #tpu.memory_space<vmem_shared>>
        tpu.enqueue_indirect_dma source(%dma_start3A_107 : memref<10000x64xf32, #tpu.memory_space<vmem_shared>>) target(%arg9 : memref<80x64xf32, #tpu.memory_space<vmem>>) offsets(%dma_start3A_104 : memref<80xi32, #tpu.memory_space<vmem>>) semaphore(%arg16 : memref<!tpu.dma_semaphore, #tpu.memory_space<semaphore_mem>>)
      } else {
      }
      %dma_wait3A_74 = arith.constant 0 : i32
      %dma_wait3A_75 = arith.constant 0 : i32
      %dma_wait3A_76 = tpu.memref_slice %arg6[%dma_wait3A_74, %dma_wait3A_75] : memref<250x80xi32, #tpu.memory_space<vmem>> -> memref<1x80xi32, #tpu.memory_space<vmem>>
      %dma_wait3A_77 = tpu.memref_squeeze %dma_wait3A_76 : memref<1x80xi32, #tpu.memory_space<vmem>> -> memref<80xi32, #tpu.memory_space<vmem>>
      %dma_wait3A_78 = arith.constant 0 : i32
      %dma_wait3A_79 = arith.constant 0 : i32
      %dma_wait3A_80 = tpu.memref_slice %arg14[%dma_wait3A_78, %dma_wait3A_79] : memref<10000x64xf32, #tpu.memory_space<vmem_shared>> -> memref<10000x64xf32, #tpu.memory_space<vmem_shared>>
      tpu.wait_indirect_dma semaphore(%arg17 : memref<!tpu.dma_semaphore, #tpu.memory_space<semaphore_mem>>) src(%dma_wait3A_80 : memref<10000x64xf32, #tpu.memory_space<vmem_shared>>) dst(%arg10 : memref<80x64xf32, #tpu.memory_space<vmem>>)
      %dma_wait3A_81 = arith.constant 0 : i32
      %dma_wait3A_82 = arith.constant 0 : i32
      %dma_wait3A_83 = tpu.memref_slice %arg7[%dma_wait3A_81, %dma_wait3A_82] : memref<250x80xi32, #tpu.memory_space<vmem>> -> memref<1x80xi32, #tpu.memory_space<vmem>>
      %dma_wait3A_84 = tpu.memref_squeeze %dma_wait3A_83 : memref<1x80xi32, #tpu.memory_space<vmem>> -> memref<80xi32, #tpu.memory_space<vmem>>
      %dma_wait3A_85 = arith.constant 0 : i32
      %dma_wait3A_86 = arith.constant 0 : i32
      %dma_wait3A_87 = tpu.memref_slice %arg14[%dma_wait3A_85, %dma_wait3A_86] : memref<10000x64xf32, #tpu.memory_space<vmem_shared>> -> memref<10000x64xf32, #tpu.memory_space<vmem_shared>>
      tpu.wait_indirect_dma semaphore(%arg18 : memref<!tpu.dma_semaphore, #tpu.memory_space<semaphore_mem>>) src(%dma_wait3A_87 : memref<10000x64xf32, #tpu.memory_space<vmem_shared>>) dst(%arg11 : memref<80x64xf32, #tpu.memory_space<vmem>>)
      %scan3A_88 = arith.constant 0 : i32
      %scan3A_89 = arith.constant 5 : i32
      %scan3A_90 = arith.addi %scan3A_88, %scan3A_89 : i32
      %scan3A_91 = arith.constant 1 : i32
      %scan3A_92 = scf.for %scan3A_94 = %scan3A_88 to %scan3A_90 step %scan3A_91 iter_args(%scan3A_95 = %scan3A_69) -> (vector<16xf32>)  : i32 {
        %mul3A_96 = arith.constant 16 : i32
        %mul3A_97 = arith.muli %scan3A_94, %mul3A_96 : i32
        %add3A_98 = arith.constant 0 : i32
        %add3A_99 = arith.addi %mul3A_97, %add3A_98 : i32
        %get3A = arith.index_cast %add3A_99 : i32 to index
        %get3A_100 = arith.constant 0 : index
        %get3A_101 = tpu.vector_load %arg10[%get3A, %get3A_100] {strides = array<i32>} : memref<80x64xf32, #tpu.memory_space<vmem>>, vector<16xf32>,
        %bitcast3A = vector.bitcast %get3A_101 : vector<16xf32> to vector<32xbf16>
        %get3A_102 = arith.index_cast %add3A_99 : i32 to index
        %get3A_103 = arith.constant 0 : index
        %get3A_104 = tpu.vector_load %arg11[%get3A_102, %get3A_103] {strides = array<i32>} : memref<80x64xf32, #tpu.memory_space<vmem>>, vector<16xf32>,
        %bitcast3A_105 = vector.bitcast %get3A_104 : vector<16xf32> to vector<32xbf16>
        %mul3A_106 = arith.mulf %bitcast3A, %bitcast3A_105 : vector<32xbf16>
        %add3A_107 = arith.constant 1 : i32
        %add3A_108 = arith.addi %mul3A_97, %add3A_107 : i32
        %get3A_109 = arith.index_cast %add3A_108 : i32 to index
        %get3A_110 = arith.constant 0 : index
        %get3A_111 = tpu.vector_load %arg10[%get3A_109, %get3A_110] {strides = array<i32>} : memref<80x64xf32, #tpu.memory_space<vmem>>, vector<16xf32>,
        %bitcast3A_112 = vector.bitcast %get3A_111 : vector<16xf32> to vector<32xbf16>
        %get3A_113 = arith.index_cast %add3A_108 : i32 to index
        %get3A_114 = arith.constant 0 : index
        %get3A_115 = tpu.vector_load %arg11[%get3A_113, %get3A_114] {strides = array<i32>} : memref<80x64xf32, #tpu.memory_space<vmem>>, vector<16xf32>,
        %bitcast3A_116 = vector.bitcast %get3A_115 : vector<16xf32> to vector<32xbf16>
        %mul3A_117 = arith.mulf %bitcast3A_112, %bitcast3A_116 : vector<32xbf16>
        %add3A_118 = arith.constant 2 : i32
        %add3A_119 = arith.addi %mul3A_97, %add3A_118 : i32
        %get3A_120 = arith.index_cast %add3A_119 : i32 to index
        %get3A_121 = arith.constant 0 : index
        %get3A_122 = tpu.vector_load %arg10[%get3A_120, %get3A_121] {strides = array<i32>} : memref<80x64xf32, #tpu.memory_space<vmem>>, vector<16xf32>,
        %bitcast3A_123 = vector.bitcast %get3A_122 : vector<16xf32> to vector<32xbf16>
        %get3A_124 = arith.index_cast %add3A_119 : i32 to index
        %get3A_125 = arith.constant 0 : index
        %get3A_126 = tpu.vector_load %arg11[%get3A_124, %get3A_125] {strides = array<i32>} : memref<80x64xf32, #tpu.memory_space<vmem>>, vector<16xf32>,
        %bitcast3A_127 = vector.bitcast %get3A_126 : vector<16xf32> to vector<32xbf16>
        %mul3A_128 = arith.mulf %bitcast3A_123, %bitcast3A_127 : vector<32xbf16>
        %add3A_129 = arith.constant 3 : i32
        %add3A_130 = arith.addi %mul3A_97, %add3A_129 : i32
        %get3A_131 = arith.index_cast %add3A_130 : i32 to index
        %get3A_132 = arith.constant 0 : index
        %get3A_133 = tpu.vector_load %arg10[%get3A_131, %get3A_132] {strides = array<i32>} : memref<80x64xf32, #tpu.memory_space<vmem>>, vector<16xf32>,
        %bitcast3A_134 = vector.bitcast %get3A_133 : vector<16xf32> to vector<32xbf16>
        %get3A_135 = arith.index_cast %add3A_130 : i32 to index
        %get3A_136 = arith.constant 0 : index
        %get3A_137 = tpu.vector_load %arg11[%get3A_135, %get3A_136] {strides = array<i32>} : memref<80x64xf32, #tpu.memory_space<vmem>>, vector<16xf32>,
        %bitcast3A_138 = vector.bitcast %get3A_137 : vector<16xf32> to vector<32xbf16>
        %mul3A_139 = arith.mulf %bitcast3A_134, %bitcast3A_138 : vector<32xbf16>
        %add3A_140 = arith.constant 4 : i32
        %add3A_141 = arith.addi %mul3A_97, %add3A_140 : i32
        %get3A_142 = arith.index_cast %add3A_141 : i32 to index
        %get3A_143 = arith.constant 0 : index
        %get3A_144 = tpu.vector_load %arg10[%get3A_142, %get3A_143] {strides = array<i32>} : memref<80x64xf32, #tpu.memory_space<vmem>>, vector<16xf32>,
        %bitcast3A_145 = vector.bitcast %get3A_144 : vector<16xf32> to vector<32xbf16>
        %get3A_146 = arith.index_cast %add3A_141 : i32 to index
        %get3A_147 = arith.constant 0 : index
        %get3A_148 = tpu.vector_load %arg11[%get3A_146, %get3A_147] {strides = array<i32>} : memref<80x64xf32, #tpu.memory_space<vmem>>, vector<16xf32>,
        %bitcast3A_149 = vector.bitcast %get3A_148 : vector<16xf32> to vector<32xbf16>
        %mul3A_150 = arith.mulf %bitcast3A_145, %bitcast3A_149 : vector<32xbf16>
        %add3A_151 = arith.constant 5 : i32
        %add3A_152 = arith.addi %mul3A_97, %add3A_151 : i32
        %get3A_153 = arith.index_cast %add3A_152 : i32 to index
        %get3A_154 = arith.constant 0 : index
        %get3A_155 = tpu.vector_load %arg10[%get3A_153, %get3A_154] {strides = array<i32>} : memref<80x64xf32, #tpu.memory_space<vmem>>, vector<16xf32>,
        %bitcast3A_156 = vector.bitcast %get3A_155 : vector<16xf32> to vector<32xbf16>
        %get3A_157 = arith.index_cast %add3A_152 : i32 to index
        %get3A_158 = arith.constant 0 : index
        %get3A_159 = tpu.vector_load %arg11[%get3A_157, %get3A_158] {strides = array<i32>} : memref<80x64xf32, #tpu.memory_space<vmem>>, vector<16xf32>,
        %bitcast3A_160 = vector.bitcast %get3A_159 : vector<16xf32> to vector<32xbf16>
        %mul3A_161 = arith.mulf %bitcast3A_156, %bitcast3A_160 : vector<32xbf16>
        %add3A_162 = arith.constant 6 : i32
        %add3A_163 = arith.addi %mul3A_97, %add3A_162 : i32
        %get3A_164 = arith.index_cast %add3A_163 : i32 to index
        %get3A_165 = arith.constant 0 : index
        %get3A_166 = tpu.vector_load %arg10[%get3A_164, %get3A_165] {strides = array<i32>} : memref<80x64xf32, #tpu.memory_space<vmem>>, vector<16xf32>,
        %bitcast3A_167 = vector.bitcast %get3A_166 : vector<16xf32> to vector<32xbf16>
        %get3A_168 = arith.index_cast %add3A_163 : i32 to index
        %get3A_169 = arith.constant 0 : index
        %get3A_170 = tpu.vector_load %arg11[%get3A_168, %get3A_169] {strides = array<i32>} : memref<80x64xf32, #tpu.memory_space<vmem>>, vector<16xf32>,
        %bitcast3A_171 = vector.bitcast %get3A_170 : vector<16xf32> to vector<32xbf16>
        %mul3A_172 = arith.mulf %bitcast3A_167, %bitcast3A_171 : vector<32xbf16>
        %add3A_173 = arith.constant 7 : i32
        %add3A_174 = arith.addi %mul3A_97, %add3A_173 : i32
        %get3A_175 = arith.index_cast %add3A_174 : i32 to index
        %get3A_176 = arith.constant 0 : index
        %get3A_177 = tpu.vector_load %arg10[%get3A_175, %get3A_176] {strides = array<i32>} : memref<80x64xf32, #tpu.memory_space<vmem>>, vector<16xf32>,
        %bitcast3A_178 = vector.bitcast %get3A_177 : vector<16xf32> to vector<32xbf16>
        %get3A_179 = arith.index_cast %add3A_174 : i32 to index
        %get3A_180 = arith.constant 0 : index
        %get3A_181 = tpu.vector_load %arg11[%get3A_179, %get3A_180] {strides = array<i32>} : memref<80x64xf32, #tpu.memory_space<vmem>>, vector<16xf32>,
        %bitcast3A_182 = vector.bitcast %get3A_181 : vector<16xf32> to vector<32xbf16>
        %mul3A_183 = arith.mulf %bitcast3A_178, %bitcast3A_182 : vector<32xbf16>
        %add3A_184 = arith.constant 8 : i32
        %add3A_185 = arith.addi %mul3A_97, %add3A_184 : i32
        %get3A_186 = arith.index_cast %add3A_185 : i32 to index
        %get3A_187 = arith.constant 0 : index
        %get3A_188 = tpu.vector_load %arg10[%get3A_186, %get3A_187] {strides = array<i32>} : memref<80x64xf32, #tpu.memory_space<vmem>>, vector<16xf32>,
        %bitcast3A_189 = vector.bitcast %get3A_188 : vector<16xf32> to vector<32xbf16>
        %get3A_190 = arith.index_cast %add3A_185 : i32 to index
        %get3A_191 = arith.constant 0 : index
        %get3A_192 = tpu.vector_load %arg11[%get3A_190, %get3A_191] {strides = array<i32>} : memref<80x64xf32, #tpu.memory_space<vmem>>, vector<16xf32>,
        %bitcast3A_193 = vector.bitcast %get3A_192 : vector<16xf32> to vector<32xbf16>
        %mul3A_194 = arith.mulf %bitcast3A_189, %bitcast3A_193 : vector<32xbf16>
        %add3A_195 = arith.constant 9 : i32
        %add3A_196 = arith.addi %mul3A_97, %add3A_195 : i32
        %get3A_197 = arith.index_cast %add3A_196 : i32 to index
        %get3A_198 = arith.constant 0 : index
        %get3A_199 = tpu.vector_load %arg10[%get3A_197, %get3A_198] {strides = array<i32>} : memref<80x64xf32, #tpu.memory_space<vmem>>, vector<16xf32>,
        %bitcast3A_200 = vector.bitcast %get3A_199 : vector<16xf32> to vector<32xbf16>
        %get3A_201 = arith.index_cast %add3A_196 : i32 to index
        %get3A_202 = arith.constant 0 : index
        %get3A_203 = tpu.vector_load %arg11[%get3A_201, %get3A_202] {strides = array<i32>} : memref<80x64xf32, #tpu.memory_space<vmem>>, vector<16xf32>,
        %bitcast3A_204 = vector.bitcast %get3A_203 : vector<16xf32> to vector<32xbf16>
        %mul3A_205 = arith.mulf %bitcast3A_200, %bitcast3A_204 : vector<32xbf16>
        %add3A_206 = arith.constant 10 : i32
        %add3A_207 = arith.addi %mul3A_97, %add3A_206 : i32
        %get3A_208 = arith.index_cast %add3A_207 : i32 to index
        %get3A_209 = arith.constant 0 : index
        %get3A_210 = tpu.vector_load %arg10[%get3A_208, %get3A_209] {strides = array<i32>} : memref<80x64xf32, #tpu.memory_space<vmem>>, vector<16xf32>,
        %bitcast3A_211 = vector.bitcast %get3A_210 : vector<16xf32> to vector<32xbf16>
        %get3A_212 = arith.index_cast %add3A_207 : i32 to index
        %get3A_213 = arith.constant 0 : index
        %get3A_214 = tpu.vector_load %arg11[%get3A_212, %get3A_213] {strides = array<i32>} : memref<80x64xf32, #tpu.memory_space<vmem>>, vector<16xf32>,
        %bitcast3A_215 = vector.bitcast %get3A_214 : vector<16xf32> to vector<32xbf16>
        %mul3A_216 = arith.mulf %bitcast3A_211, %bitcast3A_215 : vector<32xbf16>
        %add3A_217 = arith.constant 11 : i32
        %add3A_218 = arith.addi %mul3A_97, %add3A_217 : i32
        %get3A_219 = arith.index_cast %add3A_218 : i32 to index
        %get3A_220 = arith.constant 0 : index
        %get3A_221 = tpu.vector_load %arg10[%get3A_219, %get3A_220] {strides = array<i32>} : memref<80x64xf32, #tpu.memory_space<vmem>>, vector<16xf32>,
        %bitcast3A_222 = vector.bitcast %get3A_221 : vector<16xf32> to vector<32xbf16>
        %get3A_223 = arith.index_cast %add3A_218 : i32 to index
        %get3A_224 = arith.constant 0 : index
        %get3A_225 = tpu.vector_load %arg11[%get3A_223, %get3A_224] {strides = array<i32>} : memref<80x64xf32, #tpu.memory_space<vmem>>, vector<16xf32>,
        %bitcast3A_226 = vector.bitcast %get3A_225 : vector<16xf32> to vector<32xbf16>
        %mul3A_227 = arith.mulf %bitcast3A_222, %bitcast3A_226 : vector<32xbf16>
        %add3A_228 = arith.constant 12 : i32
        %add3A_229 = arith.addi %mul3A_97, %add3A_228 : i32
        %get3A_230 = arith.index_cast %add3A_229 : i32 to index
        %get3A_231 = arith.constant 0 : index
        %get3A_232 = tpu.vector_load %arg10[%get3A_230, %get3A_231] {strides = array<i32>} : memref<80x64xf32, #tpu.memory_space<vmem>>, vector<16xf32>,
        %bitcast3A_233 = vector.bitcast %get3A_232 : vector<16xf32> to vector<32xbf16>
        %get3A_234 = arith.index_cast %add3A_229 : i32 to index
        %get3A_235 = arith.constant 0 : index
        %get3A_236 = tpu.vector_load %arg11[%get3A_234, %get3A_235] {strides = array<i32>} : memref<80x64xf32, #tpu.memory_space<vmem>>, vector<16xf32>,
        %bitcast3A_237 = vector.bitcast %get3A_236 : vector<16xf32> to vector<32xbf16>
        %mul3A_238 = arith.mulf %bitcast3A_233, %bitcast3A_237 : vector<32xbf16>
        %add3A_239 = arith.constant 13 : i32
        %add3A_240 = arith.addi %mul3A_97, %add3A_239 : i32
        %get3A_241 = arith.index_cast %add3A_240 : i32 to index
        %get3A_242 = arith.constant 0 : index
        %get3A_243 = tpu.vector_load %arg10[%get3A_241, %get3A_242] {strides = array<i32>} : memref<80x64xf32, #tpu.memory_space<vmem>>, vector<16xf32>,
        %bitcast3A_244 = vector.bitcast %get3A_243 : vector<16xf32> to vector<32xbf16>
        %get3A_245 = arith.index_cast %add3A_240 : i32 to index
        %get3A_246 = arith.constant 0 : index
        %get3A_247 = tpu.vector_load %arg11[%get3A_245, %get3A_246] {strides = array<i32>} : memref<80x64xf32, #tpu.memory_space<vmem>>, vector<16xf32>,
        %bitcast3A_248 = vector.bitcast %get3A_247 : vector<16xf32> to vector<32xbf16>
        %mul3A_249 = arith.mulf %bitcast3A_244, %bitcast3A_248 : vector<32xbf16>
        %add3A_250 = arith.constant 14 : i32
        %add3A_251 = arith.addi %mul3A_97, %add3A_250 : i32
        %get3A_252 = arith.index_cast %add3A_251 : i32 to index
        %get3A_253 = arith.constant 0 : index
        %get3A_254 = tpu.vector_load %arg10[%get3A_252, %get3A_253] {strides = array<i32>} : memref<80x64xf32, #tpu.memory_space<vmem>>, vector<16xf32>,
        %bitcast3A_255 = vector.bitcast %get3A_254 : vector<16xf32> to vector<32xbf16>
        %get3A_256 = arith.index_cast %add3A_251 : i32 to index
        %get3A_257 = arith.constant 0 : index
        %get3A_258 = tpu.vector_load %arg11[%get3A_256, %get3A_257] {strides = array<i32>} : memref<80x64xf32, #tpu.memory_space<vmem>>, vector<16xf32>,
        %bitcast3A_259 = vector.bitcast %get3A_258 : vector<16xf32> to vector<32xbf16>
        %mul3A_260 = arith.mulf %bitcast3A_255, %bitcast3A_259 : vector<32xbf16>
        %add3A_261 = arith.constant 15 : i32
        %add3A_262 = arith.addi %mul3A_97, %add3A_261 : i32
        %get3A_263 = arith.index_cast %add3A_262 : i32 to index
        %get3A_264 = arith.constant 0 : index
        %get3A_265 = tpu.vector_load %arg10[%get3A_263, %get3A_264] {strides = array<i32>} : memref<80x64xf32, #tpu.memory_space<vmem>>, vector<16xf32>,
        %bitcast3A_266 = vector.bitcast %get3A_265 : vector<16xf32> to vector<32xbf16>
        %get3A_267 = arith.index_cast %add3A_262 : i32 to index
        %get3A_268 = arith.constant 0 : index
        %get3A_269 = tpu.vector_load %arg11[%get3A_267, %get3A_268] {strides = array<i32>} : memref<80x64xf32, #tpu.memory_space<vmem>>, vector<16xf32>,
        %bitcast3A_270 = vector.bitcast %get3A_269 : vector<16xf32> to vector<32xbf16>
        %mul3A_271 = arith.mulf %bitcast3A_266, %bitcast3A_270 : vector<32xbf16>
        %add3A_272 = arith.constant 0 : i32
        %add3A_273 = arith.addi %mul3A_97, %add3A_272 : i32
        %get3A_274 = arith.index_cast %add3A_273 : i32 to index
        %get3A_275 = arith.constant 16 : index
        %get3A_276 = tpu.vector_load %arg10[%get3A_274, %get3A_275] {strides = array<i32>} : memref<80x64xf32, #tpu.memory_space<vmem>>, vector<16xf32>,
        %bitcast3A_277 = vector.bitcast %get3A_276 : vector<16xf32> to vector<32xbf16>
        %get3A_278 = arith.index_cast %add3A_273 : i32 to index
        %get3A_279 = arith.constant 16 : index
        %get3A_280 = tpu.vector_load %arg11[%get3A_278, %get3A_279] {strides = array<i32>} : memref<80x64xf32, #tpu.memory_space<vmem>>, vector<16xf32>,
        %bitcast3A_281 = vector.bitcast %get3A_280 : vector<16xf32> to vector<32xbf16>
        %mul3A_282 = arith.mulf %bitcast3A_277, %bitcast3A_281 : vector<32xbf16>
        %add3A_283 = arith.addf %mul3A_106, %mul3A_282 : vector<32xbf16>
        %add3A_284 = arith.constant 1 : i32
        %add3A_285 = arith.addi %mul3A_97, %add3A_284 : i32
        %get3A_286 = arith.index_cast %add3A_285 : i32 to index
        %get3A_287 = arith.constant 16 : index
        %get3A_288 = tpu.vector_load %arg10[%get3A_286, %get3A_287] {strides = array<i32>} : memref<80x64xf32, #tpu.memory_space<vmem>>, vector<16xf32>,
        %bitcast3A_289 = vector.bitcast %get3A_288 : vector<16xf32> to vector<32xbf16>
        %get3A_290 = arith.index_cast %add3A_285 : i32 to index
        %get3A_291 = arith.constant 16 : index
        %get3A_292 = tpu.vector_load %arg11[%get3A_290, %get3A_291] {strides = array<i32>} : memref<80x64xf32, #tpu.memory_space<vmem>>, vector<16xf32>,
        %bitcast3A_293 = vector.bitcast %get3A_292 : vector<16xf32> to vector<32xbf16>
        %mul3A_294 = arith.mulf %bitcast3A_289, %bitcast3A_293 : vector<32xbf16>
        %add3A_295 = arith.addf %mul3A_117, %mul3A_294 : vector<32xbf16>
        %add3A_296 = arith.constant 2 : i32
        %add3A_297 = arith.addi %mul3A_97, %add3A_296 : i32
        %get3A_298 = arith.index_cast %add3A_297 : i32 to index
        %get3A_299 = arith.constant 16 : index
        %get3A_300 = tpu.vector_load %arg10[%get3A_298, %get3A_299] {strides = array<i32>} : memref<80x64xf32, #tpu.memory_space<vmem>>, vector<16xf32>,
        %bitcast3A_301 = vector.bitcast %get3A_300 : vector<16xf32> to vector<32xbf16>
        %get3A_302 = arith.index_cast %add3A_297 : i32 to index
        %get3A_303 = arith.constant 16 : index
        %get3A_304 = tpu.vector_load %arg11[%get3A_302, %get3A_303] {strides = array<i32>} : memref<80x64xf32, #tpu.memory_space<vmem>>, vector<16xf32>,
        %bitcast3A_305 = vector.bitcast %get3A_304 : vector<16xf32> to vector<32xbf16>
        %mul3A_306 = arith.mulf %bitcast3A_301, %bitcast3A_305 : vector<32xbf16>
        %add3A_307 = arith.addf %mul3A_128, %mul3A_306 : vector<32xbf16>
        %add3A_308 = arith.constant 3 : i32
        %add3A_309 = arith.addi %mul3A_97, %add3A_308 : i32
        %get3A_310 = arith.index_cast %add3A_309 : i32 to index
        %get3A_311 = arith.constant 16 : index
        %get3A_312 = tpu.vector_load %arg10[%get3A_310, %get3A_311] {strides = array<i32>} : memref<80x64xf32, #tpu.memory_space<vmem>>, vector<16xf32>,
        %bitcast3A_313 = vector.bitcast %get3A_312 : vector<16xf32> to vector<32xbf16>
        %get3A_314 = arith.index_cast %add3A_309 : i32 to index
        %get3A_315 = arith.constant 16 : index
        %get3A_316 = tpu.vector_load %arg11[%get3A_314, %get3A_315] {strides = array<i32>} : memref<80x64xf32, #tpu.memory_space<vmem>>, vector<16xf32>,
        %bitcast3A_317 = vector.bitcast %get3A_316 : vector<16xf32> to vector<32xbf16>
        %mul3A_318 = arith.mulf %bitcast3A_313, %bitcast3A_317 : vector<32xbf16>
        %add3A_319 = arith.addf %mul3A_139, %mul3A_318 : vector<32xbf16>
        %add3A_320 = arith.constant 4 : i32
        %add3A_321 = arith.addi %mul3A_97, %add3A_320 : i32
        %get3A_322 = arith.index_cast %add3A_321 : i32 to index
        %get3A_323 = arith.constant 16 : index
        %get3A_324 = tpu.vector_load %arg10[%get3A_322, %get3A_323] {strides = array<i32>} : memref<80x64xf32, #tpu.memory_space<vmem>>, vector<16xf32>,
        %bitcast3A_325 = vector.bitcast %get3A_324 : vector<16xf32> to vector<32xbf16>
        %get3A_326 = arith.index_cast %add3A_321 : i32 to index
        %get3A_327 = arith.constant 16 : index
        %get3A_328 = tpu.vector_load %arg11[%get3A_326, %get3A_327] {strides = array<i32>} : memref<80x64xf32, #tpu.memory_space<vmem>>, vector<16xf32>,
        %bitcast3A_329 = vector.bitcast %get3A_328 : vector<16xf32> to vector<32xbf16>
        %mul3A_330 = arith.mulf %bitcast3A_325, %bitcast3A_329 : vector<32xbf16>
        %add3A_331 = arith.addf %mul3A_150, %mul3A_330 : vector<32xbf16>
        %add3A_332 = arith.constant 5 : i32
        %add3A_333 = arith.addi %mul3A_97, %add3A_332 : i32
        %get3A_334 = arith.index_cast %add3A_333 : i32 to index
        %get3A_335 = arith.constant 16 : index
        %get3A_336 = tpu.vector_load %arg10[%get3A_334, %get3A_335] {strides = array<i32>} : memref<80x64xf32, #tpu.memory_space<vmem>>, vector<16xf32>,
        %bitcast3A_337 = vector.bitcast %get3A_336 : vector<16xf32> to vector<32xbf16>
        %get3A_338 = arith.index_cast %add3A_333 : i32 to index
        %get3A_339 = arith.constant 16 : index
        %get3A_340 = tpu.vector_load %arg11[%get3A_338, %get3A_339] {strides = array<i32>} : memref<80x64xf32, #tpu.memory_space<vmem>>, vector<16xf32>,
        %bitcast3A_341 = vector.bitcast %get3A_340 : vector<16xf32> to vector<32xbf16>
        %mul3A_342 = arith.mulf %bitcast3A_337, %bitcast3A_341 : vector<32xbf16>
        %add3A_343 = arith.addf %mul3A_161, %mul3A_342 : vector<32xbf16>
        %add3A_344 = arith.constant 6 : i32
        %add3A_345 = arith.addi %mul3A_97, %add3A_344 : i32
        %get3A_346 = arith.index_cast %add3A_345 : i32 to index
        %get3A_347 = arith.constant 16 : index
        %get3A_348 = tpu.vector_load %arg10[%get3A_346, %get3A_347] {strides = array<i32>} : memref<80x64xf32, #tpu.memory_space<vmem>>, vector<16xf32>,
        %bitcast3A_349 = vector.bitcast %get3A_348 : vector<16xf32> to vector<32xbf16>
        %get3A_350 = arith.index_cast %add3A_345 : i32 to index
        %get3A_351 = arith.constant 16 : index
        %get3A_352 = tpu.vector_load %arg11[%get3A_350, %get3A_351] {strides = array<i32>} : memref<80x64xf32, #tpu.memory_space<vmem>>, vector<16xf32>,
        %bitcast3A_353 = vector.bitcast %get3A_352 : vector<16xf32> to vector<32xbf16>
        %mul3A_354 = arith.mulf %bitcast3A_349, %bitcast3A_353 : vector<32xbf16>
        %add3A_355 = arith.addf %mul3A_172, %mul3A_354 : vector<32xbf16>
        %add3A_356 = arith.constant 7 : i32
        %add3A_357 = arith.addi %mul3A_97, %add3A_356 : i32
        %get3A_358 = arith.index_cast %add3A_357 : i32 to index
        %get3A_359 = arith.constant 16 : index
        %get3A_360 = tpu.vector_load %arg10[%get3A_358, %get3A_359] {strides = array<i32>} : memref<80x64xf32, #tpu.memory_space<vmem>>, vector<16xf32>,
        %bitcast3A_361 = vector.bitcast %get3A_360 : vector<16xf32> to vector<32xbf16>
        %get3A_362 = arith.index_cast %add3A_357 : i32 to index
        %get3A_363 = arith.constant 16 : index
        %get3A_364 = tpu.vector_load %arg11[%get3A_362, %get3A_363] {strides = array<i32>} : memref<80x64xf32, #tpu.memory_space<vmem>>, vector<16xf32>,
        %bitcast3A_365 = vector.bitcast %get3A_364 : vector<16xf32> to vector<32xbf16>
        %mul3A_366 = arith.mulf %bitcast3A_361, %bitcast3A_365 : vector<32xbf16>
        %add3A_367 = arith.addf %mul3A_183, %mul3A_366 : vector<32xbf16>
        %add3A_368 = arith.constant 8 : i32
        %add3A_369 = arith.addi %mul3A_97, %add3A_368 : i32
        %get3A_370 = arith.index_cast %add3A_369 : i32 to index
        %get3A_371 = arith.constant 16 : index
        %get3A_372 = tpu.vector_load %arg10[%get3A_370, %get3A_371] {strides = array<i32>} : memref<80x64xf32, #tpu.memory_space<vmem>>, vector<16xf32>,
        %bitcast3A_373 = vector.bitcast %get3A_372 : vector<16xf32> to vector<32xbf16>
        %get3A_374 = arith.index_cast %add3A_369 : i32 to index
        %get3A_375 = arith.constant 16 : index
        %get3A_376 = tpu.vector_load %arg11[%get3A_374, %get3A_375] {strides = array<i32>} : memref<80x64xf32, #tpu.memory_space<vmem>>, vector<16xf32>,
        %bitcast3A_377 = vector.bitcast %get3A_376 : vector<16xf32> to vector<32xbf16>
        %mul3A_378 = arith.mulf %bitcast3A_373, %bitcast3A_377 : vector<32xbf16>
        %add3A_379 = arith.addf %mul3A_194, %mul3A_378 : vector<32xbf16>
        %add3A_380 = arith.constant 9 : i32
        %add3A_381 = arith.addi %mul3A_97, %add3A_380 : i32
        %get3A_382 = arith.index_cast %add3A_381 : i32 to index
        %get3A_383 = arith.constant 16 : index
        %get3A_384 = tpu.vector_load %arg10[%get3A_382, %get3A_383] {strides = array<i32>} : memref<80x64xf32, #tpu.memory_space<vmem>>, vector<16xf32>,
        %bitcast3A_385 = vector.bitcast %get3A_384 : vector<16xf32> to vector<32xbf16>
        %get3A_386 = arith.index_cast %add3A_381 : i32 to index
        %get3A_387 = arith.constant 16 : index
        %get3A_388 = tpu.vector_load %arg11[%get3A_386, %get3A_387] {strides = array<i32>} : memref<80x64xf32, #tpu.memory_space<vmem>>, vector<16xf32>,
        %bitcast3A_389 = vector.bitcast %get3A_388 : vector<16xf32> to vector<32xbf16>
        %mul3A_390 = arith.mulf %bitcast3A_385, %bitcast3A_389 : vector<32xbf16>
        %add3A_391 = arith.addf %mul3A_205, %mul3A_390 : vector<32xbf16>
        %add3A_392 = arith.constant 10 : i32
        %add3A_393 = arith.addi %mul3A_97, %add3A_392 : i32
        %get3A_394 = arith.index_cast %add3A_393 : i32 to index
        %get3A_395 = arith.constant 16 : index
        %get3A_396 = tpu.vector_load %arg10[%get3A_394, %get3A_395] {strides = array<i32>} : memref<80x64xf32, #tpu.memory_space<vmem>>, vector<16xf32>,
        %bitcast3A_397 = vector.bitcast %get3A_396 : vector<16xf32> to vector<32xbf16>
        %get3A_398 = arith.index_cast %add3A_393 : i32 to index
        %get3A_399 = arith.constant 16 : index
        %get3A_400 = tpu.vector_load %arg11[%get3A_398, %get3A_399] {strides = array<i32>} : memref<80x64xf32, #tpu.memory_space<vmem>>, vector<16xf32>,
        %bitcast3A_401 = vector.bitcast %get3A_400 : vector<16xf32> to vector<32xbf16>
        %mul3A_402 = arith.mulf %bitcast3A_397, %bitcast3A_401 : vector<32xbf16>
        %add3A_403 = arith.addf %mul3A_216, %mul3A_402 : vector<32xbf16>
        %add3A_404 = arith.constant 11 : i32
        %add3A_405 = arith.addi %mul3A_97, %add3A_404 : i32
        %get3A_406 = arith.index_cast %add3A_405 : i32 to index
        %get3A_407 = arith.constant 16 : index
        %get3A_408 = tpu.vector_load %arg10[%get3A_406, %get3A_407] {strides = array<i32>} : memref<80x64xf32, #tpu.memory_space<vmem>>, vector<16xf32>,
        %bitcast3A_409 = vector.bitcast %get3A_408 : vector<16xf32> to vector<32xbf16>
        %get3A_410 = arith.index_cast %add3A_405 : i32 to index
        %get3A_411 = arith.constant 16 : index
        %get3A_412 = tpu.vector_load %arg11[%get3A_410, %get3A_411] {strides = array<i32>} : memref<80x64xf32, #tpu.memory_space<vmem>>, vector<16xf32>,
        %bitcast3A_413 = vector.bitcast %get3A_412 : vector<16xf32> to vector<32xbf16>
        %mul3A_414 = arith.mulf %bitcast3A_409, %bitcast3A_413 : vector<32xbf16>
        %add3A_415 = arith.addf %mul3A_227, %mul3A_414 : vector<32xbf16>
        %add3A_416 = arith.constant 12 : i32
        %add3A_417 = arith.addi %mul3A_97, %add3A_416 : i32
        %get3A_418 = arith.index_cast %add3A_417 : i32 to index
        %get3A_419 = arith.constant 16 : index
        %get3A_420 = tpu.vector_load %arg10[%get3A_418, %get3A_419] {strides = array<i32>} : memref<80x64xf32, #tpu.memory_space<vmem>>, vector<16xf32>,
        %bitcast3A_421 = vector.bitcast %get3A_420 : vector<16xf32> to vector<32xbf16>
        %get3A_422 = arith.index_cast %add3A_417 : i32 to index
        %get3A_423 = arith.constant 16 : index
        %get3A_424 = tpu.vector_load %arg11[%get3A_422, %get3A_423] {strides = array<i32>} : memref<80x64xf32, #tpu.memory_space<vmem>>, vector<16xf32>,
        %bitcast3A_425 = vector.bitcast %get3A_424 : vector<16xf32> to vector<32xbf16>
        %mul3A_426 = arith.mulf %bitcast3A_421, %bitcast3A_425 : vector<32xbf16>
        %add3A_427 = arith.addf %mul3A_238, %mul3A_426 : vector<32xbf16>
        %add3A_428 = arith.constant 13 : i32
        %add3A_429 = arith.addi %mul3A_97, %add3A_428 : i32
        %get3A_430 = arith.index_cast %add3A_429 : i32 to index
        %get3A_431 = arith.constant 16 : index
        %get3A_432 = tpu.vector_load %arg10[%get3A_430, %get3A_431] {strides = array<i32>} : memref<80x64xf32, #tpu.memory_space<vmem>>, vector<16xf32>,
        %bitcast3A_433 = vector.bitcast %get3A_432 : vector<16xf32> to vector<32xbf16>
        %get3A_434 = arith.index_cast %add3A_429 : i32 to index
        %get3A_435 = arith.constant 16 : index
        %get3A_436 = tpu.vector_load %arg11[%get3A_434, %get3A_435] {strides = array<i32>} : memref<80x64xf32, #tpu.memory_space<vmem>>, vector<16xf32>,
        %bitcast3A_437 = vector.bitcast %get3A_436 : vector<16xf32> to vector<32xbf16>
        %mul3A_438 = arith.mulf %bitcast3A_433, %bitcast3A_437 : vector<32xbf16>
        %add3A_439 = arith.addf %mul3A_249, %mul3A_438 : vector<32xbf16>
        %add3A_440 = arith.constant 14 : i32
        %add3A_441 = arith.addi %mul3A_97, %add3A_440 : i32
        %get3A_442 = arith.index_cast %add3A_441 : i32 to index
        %get3A_443 = arith.constant 16 : index
        %get3A_444 = tpu.vector_load %arg10[%get3A_442, %get3A_443] {strides = array<i32>} : memref<80x64xf32, #tpu.memory_space<vmem>>, vector<16xf32>,
        %bitcast3A_445 = vector.bitcast %get3A_444 : vector<16xf32> to vector<32xbf16>
        %get3A_446 = arith.index_cast %add3A_441 : i32 to index
        %get3A_447 = arith.constant 16 : index
        %get3A_448 = tpu.vector_load %arg11[%get3A_446, %get3A_447] {strides = array<i32>} : memref<80x64xf32, #tpu.memory_space<vmem>>, vector<16xf32>,
        %bitcast3A_449 = vector.bitcast %get3A_448 : vector<16xf32> to vector<32xbf16>
        %mul3A_450 = arith.mulf %bitcast3A_445, %bitcast3A_449 : vector<32xbf16>
        %add3A_451 = arith.addf %mul3A_260, %mul3A_450 : vector<32xbf16>
        %add3A_452 = arith.constant 15 : i32
        %add3A_453 = arith.addi %mul3A_97, %add3A_452 : i32
        %get3A_454 = arith.index_cast %add3A_453 : i32 to index
        %get3A_455 = arith.constant 16 : index
        %get3A_456 = tpu.vector_load %arg10[%get3A_454, %get3A_455] {strides = array<i32>} : memref<80x64xf32, #tpu.memory_space<vmem>>, vector<16xf32>,
        %bitcast3A_457 = vector.bitcast %get3A_456 : vector<16xf32> to vector<32xbf16>
        %get3A_458 = arith.index_cast %add3A_453 : i32 to index
        %get3A_459 = arith.constant 16 : index
        %get3A_460 = tpu.vector_load %arg11[%get3A_458, %get3A_459] {strides = array<i32>} : memref<80x64xf32, #tpu.memory_space<vmem>>, vector<16xf32>,
        %bitcast3A_461 = vector.bitcast %get3A_460 : vector<16xf32> to vector<32xbf16>
        %mul3A_462 = arith.mulf %bitcast3A_457, %bitcast3A_461 : vector<32xbf16>
        %add3A_463 = arith.addf %mul3A_271, %mul3A_462 : vector<32xbf16>
        %add3A_464 = arith.constant 0 : i32
        %add3A_465 = arith.addi %mul3A_97, %add3A_464 : i32
        %get3A_466 = arith.index_cast %add3A_465 : i32 to index
        %get3A_467 = arith.constant 32 : index
        %get3A_468 = tpu.vector_load %arg10[%get3A_466, %get3A_467] {strides = array<i32>} : memref<80x64xf32, #tpu.memory_space<vmem>>, vector<16xf32>,
        %bitcast3A_469 = vector.bitcast %get3A_468 : vector<16xf32> to vector<32xbf16>
        %get3A_470 = arith.index_cast %add3A_465 : i32 to index
        %get3A_471 = arith.constant 32 : index
        %get3A_472 = tpu.vector_load %arg11[%get3A_470, %get3A_471] {strides = array<i32>} : memref<80x64xf32, #tpu.memory_space<vmem>>, vector<16xf32>,
        %bitcast3A_473 = vector.bitcast %get3A_472 : vector<16xf32> to vector<32xbf16>
        %mul3A_474 = arith.mulf %bitcast3A_469, %bitcast3A_473 : vector<32xbf16>
        %add3A_475 = arith.addf %add3A_283, %mul3A_474 : vector<32xbf16>
        %add3A_476 = arith.constant 1 : i32
        %add3A_477 = arith.addi %mul3A_97, %add3A_476 : i32
        %get3A_478 = arith.index_cast %add3A_477 : i32 to index
        %get3A_479 = arith.constant 32 : index
        %get3A_480 = tpu.vector_load %arg10[%get3A_478, %get3A_479] {strides = array<i32>} : memref<80x64xf32, #tpu.memory_space<vmem>>, vector<16xf32>,
        %bitcast3A_481 = vector.bitcast %get3A_480 : vector<16xf32> to vector<32xbf16>
        %get3A_482 = arith.index_cast %add3A_477 : i32 to index
        %get3A_483 = arith.constant 32 : index
        %get3A_484 = tpu.vector_load %arg11[%get3A_482, %get3A_483] {strides = array<i32>} : memref<80x64xf32, #tpu.memory_space<vmem>>, vector<16xf32>,
        %bitcast3A_485 = vector.bitcast %get3A_484 : vector<16xf32> to vector<32xbf16>
        %mul3A_486 = arith.mulf %bitcast3A_481, %bitcast3A_485 : vector<32xbf16>
        %add3A_487 = arith.addf %add3A_295, %mul3A_486 : vector<32xbf16>
        %add3A_488 = arith.constant 2 : i32
        %add3A_489 = arith.addi %mul3A_97, %add3A_488 : i32
        %get3A_490 = arith.index_cast %add3A_489 : i32 to index
        %get3A_491 = arith.constant 32 : index
        %get3A_492 = tpu.vector_load %arg10[%get3A_490, %get3A_491] {strides = array<i32>} : memref<80x64xf32, #tpu.memory_space<vmem>>, vector<16xf32>,
        %bitcast3A_493 = vector.bitcast %get3A_492 : vector<16xf32> to vector<32xbf16>
        %get3A_494 = arith.index_cast %add3A_489 : i32 to index
        %get3A_495 = arith.constant 32 : index
        %get3A_496 = tpu.vector_load %arg11[%get3A_494, %get3A_495] {strides = array<i32>} : memref<80x64xf32, #tpu.memory_space<vmem>>, vector<16xf32>,
        %bitcast3A_497 = vector.bitcast %get3A_496 : vector<16xf32> to vector<32xbf16>
        %mul3A_498 = arith.mulf %bitcast3A_493, %bitcast3A_497 : vector<32xbf16>
        %add3A_499 = arith.addf %add3A_307, %mul3A_498 : vector<32xbf16>
        %add3A_500 = arith.constant 3 : i32
        %add3A_501 = arith.addi %mul3A_97, %add3A_500 : i32
        %get3A_502 = arith.index_cast %add3A_501 : i32 to index
        %get3A_503 = arith.constant 32 : index
        %get3A_504 = tpu.vector_load %arg10[%get3A_502, %get3A_503] {strides = array<i32>} : memref<80x64xf32, #tpu.memory_space<vmem>>, vector<16xf32>,
        %bitcast3A_505 = vector.bitcast %get3A_504 : vector<16xf32> to vector<32xbf16>
        %get3A_506 = arith.index_cast %add3A_501 : i32 to index
        %get3A_507 = arith.constant 32 : index
        %get3A_508 = tpu.vector_load %arg11[%get3A_506, %get3A_507] {strides = array<i32>} : memref<80x64xf32, #tpu.memory_space<vmem>>, vector<16xf32>,
        %bitcast3A_509 = vector.bitcast %get3A_508 : vector<16xf32> to vector<32xbf16>
        %mul3A_510 = arith.mulf %bitcast3A_505, %bitcast3A_509 : vector<32xbf16>
        %add3A_511 = arith.addf %add3A_319, %mul3A_510 : vector<32xbf16>
        %add3A_512 = arith.constant 4 : i32
        %add3A_513 = arith.addi %mul3A_97, %add3A_512 : i32
        %get3A_514 = arith.index_cast %add3A_513 : i32 to index
        %get3A_515 = arith.constant 32 : index
        %get3A_516 = tpu.vector_load %arg10[%get3A_514, %get3A_515] {strides = array<i32>} : memref<80x64xf32, #tpu.memory_space<vmem>>, vector<16xf32>,
        %bitcast3A_517 = vector.bitcast %get3A_516 : vector<16xf32> to vector<32xbf16>
        %get3A_518 = arith.index_cast %add3A_513 : i32 to index
        %get3A_519 = arith.constant 32 : index
        %get3A_520 = tpu.vector_load %arg11[%get3A_518, %get3A_519] {strides = array<i32>} : memref<80x64xf32, #tpu.memory_space<vmem>>, vector<16xf32>,
        %bitcast3A_521 = vector.bitcast %get3A_520 : vector<16xf32> to vector<32xbf16>
        %mul3A_522 = arith.mulf %bitcast3A_517, %bitcast3A_521 : vector<32xbf16>
        %add3A_523 = arith.addf %add3A_331, %mul3A_522 : vector<32xbf16>
        %add3A_524 = arith.constant 5 : i32
        %add3A_525 = arith.addi %mul3A_97, %add3A_524 : i32
        %get3A_526 = arith.index_cast %add3A_525 : i32 to index
        %get3A_527 = arith.constant 32 : index
        %get3A_528 = tpu.vector_load %arg10[%get3A_526, %get3A_527] {strides = array<i32>} : memref<80x64xf32, #tpu.memory_space<vmem>>, vector<16xf32>,
        %bitcast3A_529 = vector.bitcast %get3A_528 : vector<16xf32> to vector<32xbf16>
        %get3A_530 = arith.index_cast %add3A_525 : i32 to index
        %get3A_531 = arith.constant 32 : index
        %get3A_532 = tpu.vector_load %arg11[%get3A_530, %get3A_531] {strides = array<i32>} : memref<80x64xf32, #tpu.memory_space<vmem>>, vector<16xf32>,
        %bitcast3A_533 = vector.bitcast %get3A_532 : vector<16xf32> to vector<32xbf16>
        %mul3A_534 = arith.mulf %bitcast3A_529, %bitcast3A_533 : vector<32xbf16>
        %add3A_535 = arith.addf %add3A_343, %mul3A_534 : vector<32xbf16>
        %add3A_536 = arith.constant 6 : i32
        %add3A_537 = arith.addi %mul3A_97, %add3A_536 : i32
        %get3A_538 = arith.index_cast %add3A_537 : i32 to index
        %get3A_539 = arith.constant 32 : index
        %get3A_540 = tpu.vector_load %arg10[%get3A_538, %get3A_539] {strides = array<i32>} : memref<80x64xf32, #tpu.memory_space<vmem>>, vector<16xf32>,
        %bitcast3A_541 = vector.bitcast %get3A_540 : vector<16xf32> to vector<32xbf16>
        %get3A_542 = arith.index_cast %add3A_537 : i32 to index
        %get3A_543 = arith.constant 32 : index
        %get3A_544 = tpu.vector_load %arg11[%get3A_542, %get3A_543] {strides = array<i32>} : memref<80x64xf32, #tpu.memory_space<vmem>>, vector<16xf32>,
        %bitcast3A_545 = vector.bitcast %get3A_544 : vector<16xf32> to vector<32xbf16>
        %mul3A_546 = arith.mulf %bitcast3A_541, %bitcast3A_545 : vector<32xbf16>
        %add3A_547 = arith.addf %add3A_355, %mul3A_546 : vector<32xbf16>
        %add3A_548 = arith.constant 7 : i32
        %add3A_549 = arith.addi %mul3A_97, %add3A_548 : i32
        %get3A_550 = arith.index_cast %add3A_549 : i32 to index
        %get3A_551 = arith.constant 32 : index
        %get3A_552 = tpu.vector_load %arg10[%get3A_550, %get3A_551] {strides = array<i32>} : memref<80x64xf32, #tpu.memory_space<vmem>>, vector<16xf32>,
        %bitcast3A_553 = vector.bitcast %get3A_552 : vector<16xf32> to vector<32xbf16>
        %get3A_554 = arith.index_cast %add3A_549 : i32 to index
        %get3A_555 = arith.constant 32 : index
        %get3A_556 = tpu.vector_load %arg11[%get3A_554, %get3A_555] {strides = array<i32>} : memref<80x64xf32, #tpu.memory_space<vmem>>, vector<16xf32>,
        %bitcast3A_557 = vector.bitcast %get3A_556 : vector<16xf32> to vector<32xbf16>
        %mul3A_558 = arith.mulf %bitcast3A_553, %bitcast3A_557 : vector<32xbf16>
        %add3A_559 = arith.addf %add3A_367, %mul3A_558 : vector<32xbf16>
        %add3A_560 = arith.constant 8 : i32
        %add3A_561 = arith.addi %mul3A_97, %add3A_560 : i32
        %get3A_562 = arith.index_cast %add3A_561 : i32 to index
        %get3A_563 = arith.constant 32 : index
        %get3A_564 = tpu.vector_load %arg10[%get3A_562, %get3A_563] {strides = array<i32>} : memref<80x64xf32, #tpu.memory_space<vmem>>, vector<16xf32>,
        %bitcast3A_565 = vector.bitcast %get3A_564 : vector<16xf32> to vector<32xbf16>
        %get3A_566 = arith.index_cast %add3A_561 : i32 to index
        %get3A_567 = arith.constant 32 : index
        %get3A_568 = tpu.vector_load %arg11[%get3A_566, %get3A_567] {strides = array<i32>} : memref<80x64xf32, #tpu.memory_space<vmem>>, vector<16xf32>,
        %bitcast3A_569 = vector.bitcast %get3A_568 : vector<16xf32> to vector<32xbf16>
        %mul3A_570 = arith.mulf %bitcast3A_565, %bitcast3A_569 : vector<32xbf16>
        %add3A_571 = arith.addf %add3A_379, %mul3A_570 : vector<32xbf16>
        %add3A_572 = arith.constant 9 : i32
        %add3A_573 = arith.addi %mul3A_97, %add3A_572 : i32
        %get3A_574 = arith.index_cast %add3A_573 : i32 to index
        %get3A_575 = arith.constant 32 : index
        %get3A_576 = tpu.vector_load %arg10[%get3A_574, %get3A_575] {strides = array<i32>} : memref<80x64xf32, #tpu.memory_space<vmem>>, vector<16xf32>,
        %bitcast3A_577 = vector.bitcast %get3A_576 : vector<16xf32> to vector<32xbf16>
        %get3A_578 = arith.index_cast %add3A_573 : i32 to index
        %get3A_579 = arith.constant 32 : index
        %get3A_580 = tpu.vector_load %arg11[%get3A_578, %get3A_579] {strides = array<i32>} : memref<80x64xf32, #tpu.memory_space<vmem>>, vector<16xf32>,
        %bitcast3A_581 = vector.bitcast %get3A_580 : vector<16xf32> to vector<32xbf16>
        %mul3A_582 = arith.mulf %bitcast3A_577, %bitcast3A_581 : vector<32xbf16>
        %add3A_583 = arith.addf %add3A_391, %mul3A_582 : vector<32xbf16>
        %add3A_584 = arith.constant 10 : i32
        %add3A_585 = arith.addi %mul3A_97, %add3A_584 : i32
        %get3A_586 = arith.index_cast %add3A_585 : i32 to index
        %get3A_587 = arith.constant 32 : index
        %get3A_588 = tpu.vector_load %arg10[%get3A_586, %get3A_587] {strides = array<i32>} : memref<80x64xf32, #tpu.memory_space<vmem>>, vector<16xf32>,
        %bitcast3A_589 = vector.bitcast %get3A_588 : vector<16xf32> to vector<32xbf16>
        %get3A_590 = arith.index_cast %add3A_585 : i32 to index
        %get3A_591 = arith.constant 32 : index
        %get3A_592 = tpu.vector_load %arg11[%get3A_590, %get3A_591] {strides = array<i32>} : memref<80x64xf32, #tpu.memory_space<vmem>>, vector<16xf32>,
        %bitcast3A_593 = vector.bitcast %get3A_592 : vector<16xf32> to vector<32xbf16>
        %mul3A_594 = arith.mulf %bitcast3A_589, %bitcast3A_593 : vector<32xbf16>
        %add3A_595 = arith.addf %add3A_403, %mul3A_594 : vector<32xbf16>
        %add3A_596 = arith.constant 11 : i32
        %add3A_597 = arith.addi %mul3A_97, %add3A_596 : i32
        %get3A_598 = arith.index_cast %add3A_597 : i32 to index
        %get3A_599 = arith.constant 32 : index
        %get3A_600 = tpu.vector_load %arg10[%get3A_598, %get3A_599] {strides = array<i32>} : memref<80x64xf32, #tpu.memory_space<vmem>>, vector<16xf32>,
        %bitcast3A_601 = vector.bitcast %get3A_600 : vector<16xf32> to vector<32xbf16>
        %get3A_602 = arith.index_cast %add3A_597 : i32 to index
        %get3A_603 = arith.constant 32 : index
        %get3A_604 = tpu.vector_load %arg11[%get3A_602, %get3A_603] {strides = array<i32>} : memref<80x64xf32, #tpu.memory_space<vmem>>, vector<16xf32>,
        %bitcast3A_605 = vector.bitcast %get3A_604 : vector<16xf32> to vector<32xbf16>
        %mul3A_606 = arith.mulf %bitcast3A_601, %bitcast3A_605 : vector<32xbf16>
        %add3A_607 = arith.addf %add3A_415, %mul3A_606 : vector<32xbf16>
        %add3A_608 = arith.constant 12 : i32
        %add3A_609 = arith.addi %mul3A_97, %add3A_608 : i32
        %get3A_610 = arith.index_cast %add3A_609 : i32 to index
        %get3A_611 = arith.constant 32 : index
        %get3A_612 = tpu.vector_load %arg10[%get3A_610, %get3A_611] {strides = array<i32>} : memref<80x64xf32, #tpu.memory_space<vmem>>, vector<16xf32>,
        %bitcast3A_613 = vector.bitcast %get3A_612 : vector<16xf32> to vector<32xbf16>
        %get3A_614 = arith.index_cast %add3A_609 : i32 to index
        %get3A_615 = arith.constant 32 : index
        %get3A_616 = tpu.vector_load %arg11[%get3A_614, %get3A_615] {strides = array<i32>} : memref<80x64xf32, #tpu.memory_space<vmem>>, vector<16xf32>,
        %bitcast3A_617 = vector.bitcast %get3A_616 : vector<16xf32> to vector<32xbf16>
        %mul3A_618 = arith.mulf %bitcast3A_613, %bitcast3A_617 : vector<32xbf16>
        %add3A_619 = arith.addf %add3A_427, %mul3A_618 : vector<32xbf16>
        %add3A_620 = arith.constant 13 : i32
        %add3A_621 = arith.addi %mul3A_97, %add3A_620 : i32
        %get3A_622 = arith.index_cast %add3A_621 : i32 to index
        %get3A_623 = arith.constant 32 : index
        %get3A_624 = tpu.vector_load %arg10[%get3A_622, %get3A_623] {strides = array<i32>} : memref<80x64xf32, #tpu.memory_space<vmem>>, vector<16xf32>,
        %bitcast3A_625 = vector.bitcast %get3A_624 : vector<16xf32> to vector<32xbf16>
        %get3A_626 = arith.index_cast %add3A_621 : i32 to index
        %get3A_627 = arith.constant 32 : index
        %get3A_628 = tpu.vector_load %arg11[%get3A_626, %get3A_627] {strides = array<i32>} : memref<80x64xf32, #tpu.memory_space<vmem>>, vector<16xf32>,
        %bitcast3A_629 = vector.bitcast %get3A_628 : vector<16xf32> to vector<32xbf16>
        %mul3A_630 = arith.mulf %bitcast3A_625, %bitcast3A_629 : vector<32xbf16>
        %add3A_631 = arith.addf %add3A_439, %mul3A_630 : vector<32xbf16>
        %add3A_632 = arith.constant 14 : i32
        %add3A_633 = arith.addi %mul3A_97, %add3A_632 : i32
        %get3A_634 = arith.index_cast %add3A_633 : i32 to index
        %get3A_635 = arith.constant 32 : index
        %get3A_636 = tpu.vector_load %arg10[%get3A_634, %get3A_635] {strides = array<i32>} : memref<80x64xf32, #tpu.memory_space<vmem>>, vector<16xf32>,
        %bitcast3A_637 = vector.bitcast %get3A_636 : vector<16xf32> to vector<32xbf16>
        %get3A_638 = arith.index_cast %add3A_633 : i32 to index
        %get3A_639 = arith.constant 32 : index
        %get3A_640 = tpu.vector_load %arg11[%get3A_638, %get3A_639] {strides = array<i32>} : memref<80x64xf32, #tpu.memory_space<vmem>>, vector<16xf32>,
        %bitcast3A_641 = vector.bitcast %get3A_640 : vector<16xf32> to vector<32xbf16>
        %mul3A_642 = arith.mulf %bitcast3A_637, %bitcast3A_641 : vector<32xbf16>
        %add3A_643 = arith.addf %add3A_451, %mul3A_642 : vector<32xbf16>
        %add3A_644 = arith.constant 15 : i32
        %add3A_645 = arith.addi %mul3A_97, %add3A_644 : i32
        %get3A_646 = arith.index_cast %add3A_645 : i32 to index
        %get3A_647 = arith.constant 32 : index
        %get3A_648 = tpu.vector_load %arg10[%get3A_646, %get3A_647] {strides = array<i32>} : memref<80x64xf32, #tpu.memory_space<vmem>>, vector<16xf32>,
        %bitcast3A_649 = vector.bitcast %get3A_648 : vector<16xf32> to vector<32xbf16>
        %get3A_650 = arith.index_cast %add3A_645 : i32 to index
        %get3A_651 = arith.constant 32 : index
        %get3A_652 = tpu.vector_load %arg11[%get3A_650, %get3A_651] {strides = array<i32>} : memref<80x64xf32, #tpu.memory_space<vmem>>, vector<16xf32>,
        %bitcast3A_653 = vector.bitcast %get3A_652 : vector<16xf32> to vector<32xbf16>
        %mul3A_654 = arith.mulf %bitcast3A_649, %bitcast3A_653 : vector<32xbf16>
        %add3A_655 = arith.addf %add3A_463, %mul3A_654 : vector<32xbf16>
        %add3A_656 = arith.constant 0 : i32
        %add3A_657 = arith.addi %mul3A_97, %add3A_656 : i32
        %get3A_658 = arith.index_cast %add3A_657 : i32 to index
        %get3A_659 = arith.constant 48 : index
        %get3A_660 = tpu.vector_load %arg10[%get3A_658, %get3A_659] {strides = array<i32>} : memref<80x64xf32, #tpu.memory_space<vmem>>, vector<16xf32>,
        %bitcast3A_661 = vector.bitcast %get3A_660 : vector<16xf32> to vector<32xbf16>
        %get3A_662 = arith.index_cast %add3A_657 : i32 to index
        %get3A_663 = arith.constant 48 : index
        %get3A_664 = tpu.vector_load %arg11[%get3A_662, %get3A_663] {strides = array<i32>} : memref<80x64xf32, #tpu.memory_space<vmem>>, vector<16xf32>,
        %bitcast3A_665 = vector.bitcast %get3A_664 : vector<16xf32> to vector<32xbf16>
        %mul3A_666 = arith.mulf %bitcast3A_661, %bitcast3A_665 : vector<32xbf16>
        %add3A_667 = arith.addf %add3A_475, %mul3A_666 : vector<32xbf16>
        %add3A_668 = arith.constant 1 : i32
        %add3A_669 = arith.addi %mul3A_97, %add3A_668 : i32
        %get3A_670 = arith.index_cast %add3A_669 : i32 to index
        %get3A_671 = arith.constant 48 : index
        %get3A_672 = tpu.vector_load %arg10[%get3A_670, %get3A_671] {strides = array<i32>} : memref<80x64xf32, #tpu.memory_space<vmem>>, vector<16xf32>,
        %bitcast3A_673 = vector.bitcast %get3A_672 : vector<16xf32> to vector<32xbf16>
        %get3A_674 = arith.index_cast %add3A_669 : i32 to index
        %get3A_675 = arith.constant 48 : index
        %get3A_676 = tpu.vector_load %arg11[%get3A_674, %get3A_675] {strides = array<i32>} : memref<80x64xf32, #tpu.memory_space<vmem>>, vector<16xf32>,
        %bitcast3A_677 = vector.bitcast %get3A_676 : vector<16xf32> to vector<32xbf16>
        %mul3A_678 = arith.mulf %bitcast3A_673, %bitcast3A_677 : vector<32xbf16>
        %add3A_679 = arith.addf %add3A_487, %mul3A_678 : vector<32xbf16>
        %add3A_680 = arith.constant 2 : i32
        %add3A_681 = arith.addi %mul3A_97, %add3A_680 : i32
        %get3A_682 = arith.index_cast %add3A_681 : i32 to index
        %get3A_683 = arith.constant 48 : index
        %get3A_684 = tpu.vector_load %arg10[%get3A_682, %get3A_683] {strides = array<i32>} : memref<80x64xf32, #tpu.memory_space<vmem>>, vector<16xf32>,
        %bitcast3A_685 = vector.bitcast %get3A_684 : vector<16xf32> to vector<32xbf16>
        %get3A_686 = arith.index_cast %add3A_681 : i32 to index
        %get3A_687 = arith.constant 48 : index
        %get3A_688 = tpu.vector_load %arg11[%get3A_686, %get3A_687] {strides = array<i32>} : memref<80x64xf32, #tpu.memory_space<vmem>>, vector<16xf32>,
        %bitcast3A_689 = vector.bitcast %get3A_688 : vector<16xf32> to vector<32xbf16>
        %mul3A_690 = arith.mulf %bitcast3A_685, %bitcast3A_689 : vector<32xbf16>
        %add3A_691 = arith.addf %add3A_499, %mul3A_690 : vector<32xbf16>
        %add3A_692 = arith.constant 3 : i32
        %add3A_693 = arith.addi %mul3A_97, %add3A_692 : i32
        %get3A_694 = arith.index_cast %add3A_693 : i32 to index
        %get3A_695 = arith.constant 48 : index
        %get3A_696 = tpu.vector_load %arg10[%get3A_694, %get3A_695] {strides = array<i32>} : memref<80x64xf32, #tpu.memory_space<vmem>>, vector<16xf32>,
        %bitcast3A_697 = vector.bitcast %get3A_696 : vector<16xf32> to vector<32xbf16>
        %get3A_698 = arith.index_cast %add3A_693 : i32 to index
        %get3A_699 = arith.constant 48 : index
        %get3A_700 = tpu.vector_load %arg11[%get3A_698, %get3A_699] {strides = array<i32>} : memref<80x64xf32, #tpu.memory_space<vmem>>, vector<16xf32>,
        %bitcast3A_701 = vector.bitcast %get3A_700 : vector<16xf32> to vector<32xbf16>
        %mul3A_702 = arith.mulf %bitcast3A_697, %bitcast3A_701 : vector<32xbf16>
        %add3A_703 = arith.addf %add3A_511, %mul3A_702 : vector<32xbf16>
        %add3A_704 = arith.constant 4 : i32
        %add3A_705 = arith.addi %mul3A_97, %add3A_704 : i32
        %get3A_706 = arith.index_cast %add3A_705 : i32 to index
        %get3A_707 = arith.constant 48 : index
        %get3A_708 = tpu.vector_load %arg10[%get3A_706, %get3A_707] {strides = array<i32>} : memref<80x64xf32, #tpu.memory_space<vmem>>, vector<16xf32>,
        %bitcast3A_709 = vector.bitcast %get3A_708 : vector<16xf32> to vector<32xbf16>
        %get3A_710 = arith.index_cast %add3A_705 : i32 to index
        %get3A_711 = arith.constant 48 : index
        %get3A_712 = tpu.vector_load %arg11[%get3A_710, %get3A_711] {strides = array<i32>} : memref<80x64xf32, #tpu.memory_space<vmem>>, vector<16xf32>,
        %bitcast3A_713 = vector.bitcast %get3A_712 : vector<16xf32> to vector<32xbf16>
        %mul3A_714 = arith.mulf %bitcast3A_709, %bitcast3A_713 : vector<32xbf16>
        %add3A_715 = arith.addf %add3A_523, %mul3A_714 : vector<32xbf16>
        %add3A_716 = arith.constant 5 : i32
        %add3A_717 = arith.addi %mul3A_97, %add3A_716 : i32
        %get3A_718 = arith.index_cast %add3A_717 : i32 to index
        %get3A_719 = arith.constant 48 : index
        %get3A_720 = tpu.vector_load %arg10[%get3A_718, %get3A_719] {strides = array<i32>} : memref<80x64xf32, #tpu.memory_space<vmem>>, vector<16xf32>,
        %bitcast3A_721 = vector.bitcast %get3A_720 : vector<16xf32> to vector<32xbf16>
        %get3A_722 = arith.index_cast %add3A_717 : i32 to index
        %get3A_723 = arith.constant 48 : index
        %get3A_724 = tpu.vector_load %arg11[%get3A_722, %get3A_723] {strides = array<i32>} : memref<80x64xf32, #tpu.memory_space<vmem>>, vector<16xf32>,
        %bitcast3A_725 = vector.bitcast %get3A_724 : vector<16xf32> to vector<32xbf16>
        %mul3A_726 = arith.mulf %bitcast3A_721, %bitcast3A_725 : vector<32xbf16>
        %add3A_727 = arith.addf %add3A_535, %mul3A_726 : vector<32xbf16>
        %add3A_728 = arith.constant 6 : i32
        %add3A_729 = arith.addi %mul3A_97, %add3A_728 : i32
        %get3A_730 = arith.index_cast %add3A_729 : i32 to index
        %get3A_731 = arith.constant 48 : index
        %get3A_732 = tpu.vector_load %arg10[%get3A_730, %get3A_731] {strides = array<i32>} : memref<80x64xf32, #tpu.memory_space<vmem>>, vector<16xf32>,
        %bitcast3A_733 = vector.bitcast %get3A_732 : vector<16xf32> to vector<32xbf16>
        %get3A_734 = arith.index_cast %add3A_729 : i32 to index
        %get3A_735 = arith.constant 48 : index
        %get3A_736 = tpu.vector_load %arg11[%get3A_734, %get3A_735] {strides = array<i32>} : memref<80x64xf32, #tpu.memory_space<vmem>>, vector<16xf32>,
        %bitcast3A_737 = vector.bitcast %get3A_736 : vector<16xf32> to vector<32xbf16>
        %mul3A_738 = arith.mulf %bitcast3A_733, %bitcast3A_737 : vector<32xbf16>
        %add3A_739 = arith.addf %add3A_547, %mul3A_738 : vector<32xbf16>
        %add3A_740 = arith.constant 7 : i32
        %add3A_741 = arith.addi %mul3A_97, %add3A_740 : i32
        %get3A_742 = arith.index_cast %add3A_741 : i32 to index
        %get3A_743 = arith.constant 48 : index
        %get3A_744 = tpu.vector_load %arg10[%get3A_742, %get3A_743] {strides = array<i32>} : memref<80x64xf32, #tpu.memory_space<vmem>>, vector<16xf32>,
        %bitcast3A_745 = vector.bitcast %get3A_744 : vector<16xf32> to vector<32xbf16>
        %get3A_746 = arith.index_cast %add3A_741 : i32 to index
        %get3A_747 = arith.constant 48 : index
        %get3A_748 = tpu.vector_load %arg11[%get3A_746, %get3A_747] {strides = array<i32>} : memref<80x64xf32, #tpu.memory_space<vmem>>, vector<16xf32>,
        %bitcast3A_749 = vector.bitcast %get3A_748 : vector<16xf32> to vector<32xbf16>
        %mul3A_750 = arith.mulf %bitcast3A_745, %bitcast3A_749 : vector<32xbf16>
        %add3A_751 = arith.addf %add3A_559, %mul3A_750 : vector<32xbf16>
        %add3A_752 = arith.constant 8 : i32
        %add3A_753 = arith.addi %mul3A_97, %add3A_752 : i32
        %get3A_754 = arith.index_cast %add3A_753 : i32 to index
        %get3A_755 = arith.constant 48 : index
        %get3A_756 = tpu.vector_load %arg10[%get3A_754, %get3A_755] {strides = array<i32>} : memref<80x64xf32, #tpu.memory_space<vmem>>, vector<16xf32>,
        %bitcast3A_757 = vector.bitcast %get3A_756 : vector<16xf32> to vector<32xbf16>
        %get3A_758 = arith.index_cast %add3A_753 : i32 to index
        %get3A_759 = arith.constant 48 : index
        %get3A_760 = tpu.vector_load %arg11[%get3A_758, %get3A_759] {strides = array<i32>} : memref<80x64xf32, #tpu.memory_space<vmem>>, vector<16xf32>,
        %bitcast3A_761 = vector.bitcast %get3A_760 : vector<16xf32> to vector<32xbf16>
        %mul3A_762 = arith.mulf %bitcast3A_757, %bitcast3A_761 : vector<32xbf16>
        %add3A_763 = arith.addf %add3A_571, %mul3A_762 : vector<32xbf16>
        %add3A_764 = arith.constant 9 : i32
        %add3A_765 = arith.addi %mul3A_97, %add3A_764 : i32
        %get3A_766 = arith.index_cast %add3A_765 : i32 to index
        %get3A_767 = arith.constant 48 : index
        %get3A_768 = tpu.vector_load %arg10[%get3A_766, %get3A_767] {strides = array<i32>} : memref<80x64xf32, #tpu.memory_space<vmem>>, vector<16xf32>,
        %bitcast3A_769 = vector.bitcast %get3A_768 : vector<16xf32> to vector<32xbf16>
        %get3A_770 = arith.index_cast %add3A_765 : i32 to index
        %get3A_771 = arith.constant 48 : index
        %get3A_772 = tpu.vector_load %arg11[%get3A_770, %get3A_771] {strides = array<i32>} : memref<80x64xf32, #tpu.memory_space<vmem>>, vector<16xf32>,
        %bitcast3A_773 = vector.bitcast %get3A_772 : vector<16xf32> to vector<32xbf16>
        %mul3A_774 = arith.mulf %bitcast3A_769, %bitcast3A_773 : vector<32xbf16>
        %add3A_775 = arith.addf %add3A_583, %mul3A_774 : vector<32xbf16>
        %add3A_776 = arith.constant 10 : i32
        %add3A_777 = arith.addi %mul3A_97, %add3A_776 : i32
        %get3A_778 = arith.index_cast %add3A_777 : i32 to index
        %get3A_779 = arith.constant 48 : index
        %get3A_780 = tpu.vector_load %arg10[%get3A_778, %get3A_779] {strides = array<i32>} : memref<80x64xf32, #tpu.memory_space<vmem>>, vector<16xf32>,
        %bitcast3A_781 = vector.bitcast %get3A_780 : vector<16xf32> to vector<32xbf16>
        %get3A_782 = arith.index_cast %add3A_777 : i32 to index
        %get3A_783 = arith.constant 48 : index
        %get3A_784 = tpu.vector_load %arg11[%get3A_782, %get3A_783] {strides = array<i32>} : memref<80x64xf32, #tpu.memory_space<vmem>>, vector<16xf32>,
        %bitcast3A_785 = vector.bitcast %get3A_784 : vector<16xf32> to vector<32xbf16>
        %mul3A_786 = arith.mulf %bitcast3A_781, %bitcast3A_785 : vector<32xbf16>
        %add3A_787 = arith.addf %add3A_595, %mul3A_786 : vector<32xbf16>
        %add3A_788 = arith.constant 11 : i32
        %add3A_789 = arith.addi %mul3A_97, %add3A_788 : i32
        %get3A_790 = arith.index_cast %add3A_789 : i32 to index
        %get3A_791 = arith.constant 48 : index
        %get3A_792 = tpu.vector_load %arg10[%get3A_790, %get3A_791] {strides = array<i32>} : memref<80x64xf32, #tpu.memory_space<vmem>>, vector<16xf32>,
        %bitcast3A_793 = vector.bitcast %get3A_792 : vector<16xf32> to vector<32xbf16>
        %get3A_794 = arith.index_cast %add3A_789 : i32 to index
        %get3A_795 = arith.constant 48 : index
        %get3A_796 = tpu.vector_load %arg11[%get3A_794, %get3A_795] {strides = array<i32>} : memref<80x64xf32, #tpu.memory_space<vmem>>, vector<16xf32>,
        %bitcast3A_797 = vector.bitcast %get3A_796 : vector<16xf32> to vector<32xbf16>
        %mul3A_798 = arith.mulf %bitcast3A_793, %bitcast3A_797 : vector<32xbf16>
        %add3A_799 = arith.addf %add3A_607, %mul3A_798 : vector<32xbf16>
        %add3A_800 = arith.constant 12 : i32
        %add3A_801 = arith.addi %mul3A_97, %add3A_800 : i32
        %get3A_802 = arith.index_cast %add3A_801 : i32 to index
        %get3A_803 = arith.constant 48 : index
        %get3A_804 = tpu.vector_load %arg10[%get3A_802, %get3A_803] {strides = array<i32>} : memref<80x64xf32, #tpu.memory_space<vmem>>, vector<16xf32>,
        %bitcast3A_805 = vector.bitcast %get3A_804 : vector<16xf32> to vector<32xbf16>
        %get3A_806 = arith.index_cast %add3A_801 : i32 to index
        %get3A_807 = arith.constant 48 : index
        %get3A_808 = tpu.vector_load %arg11[%get3A_806, %get3A_807] {strides = array<i32>} : memref<80x64xf32, #tpu.memory_space<vmem>>, vector<16xf32>,
        %bitcast3A_809 = vector.bitcast %get3A_808 : vector<16xf32> to vector<32xbf16>
        %mul3A_810 = arith.mulf %bitcast3A_805, %bitcast3A_809 : vector<32xbf16>
        %add3A_811 = arith.addf %add3A_619, %mul3A_810 : vector<32xbf16>
        %add3A_812 = arith.constant 13 : i32
        %add3A_813 = arith.addi %mul3A_97, %add3A_812 : i32
        %get3A_814 = arith.index_cast %add3A_813 : i32 to index
        %get3A_815 = arith.constant 48 : index
        %get3A_816 = tpu.vector_load %arg10[%get3A_814, %get3A_815] {strides = array<i32>} : memref<80x64xf32, #tpu.memory_space<vmem>>, vector<16xf32>,
        %bitcast3A_817 = vector.bitcast %get3A_816 : vector<16xf32> to vector<32xbf16>
        %get3A_818 = arith.index_cast %add3A_813 : i32 to index
        %get3A_819 = arith.constant 48 : index
        %get3A_820 = tpu.vector_load %arg11[%get3A_818, %get3A_819] {strides = array<i32>} : memref<80x64xf32, #tpu.memory_space<vmem>>, vector<16xf32>,
        %bitcast3A_821 = vector.bitcast %get3A_820 : vector<16xf32> to vector<32xbf16>
        %mul3A_822 = arith.mulf %bitcast3A_817, %bitcast3A_821 : vector<32xbf16>
        %add3A_823 = arith.addf %add3A_631, %mul3A_822 : vector<32xbf16>
        %add3A_824 = arith.constant 14 : i32
        %add3A_825 = arith.addi %mul3A_97, %add3A_824 : i32
        %get3A_826 = arith.index_cast %add3A_825 : i32 to index
        %get3A_827 = arith.constant 48 : index
        %get3A_828 = tpu.vector_load %arg10[%get3A_826, %get3A_827] {strides = array<i32>} : memref<80x64xf32, #tpu.memory_space<vmem>>, vector<16xf32>,
        %bitcast3A_829 = vector.bitcast %get3A_828 : vector<16xf32> to vector<32xbf16>
        %get3A_830 = arith.index_cast %add3A_825 : i32 to index
        %get3A_831 = arith.constant 48 : index
        %get3A_832 = tpu.vector_load %arg11[%get3A_830, %get3A_831] {strides = array<i32>} : memref<80x64xf32, #tpu.memory_space<vmem>>, vector<16xf32>,
        %bitcast3A_833 = vector.bitcast %get3A_832 : vector<16xf32> to vector<32xbf16>
        %mul3A_834 = arith.mulf %bitcast3A_829, %bitcast3A_833 : vector<32xbf16>
        %add3A_835 = arith.addf %add3A_643, %mul3A_834 : vector<32xbf16>
        %add3A_836 = arith.constant 15 : i32
        %add3A_837 = arith.addi %mul3A_97, %add3A_836 : i32
        %get3A_838 = arith.index_cast %add3A_837 : i32 to index
        %get3A_839 = arith.constant 48 : index
        %get3A_840 = tpu.vector_load %arg10[%get3A_838, %get3A_839] {strides = array<i32>} : memref<80x64xf32, #tpu.memory_space<vmem>>, vector<16xf32>,
        %bitcast3A_841 = vector.bitcast %get3A_840 : vector<16xf32> to vector<32xbf16>
        %get3A_842 = arith.index_cast %add3A_837 : i32 to index
        %get3A_843 = arith.constant 48 : index
        %get3A_844 = tpu.vector_load %arg11[%get3A_842, %get3A_843] {strides = array<i32>} : memref<80x64xf32, #tpu.memory_space<vmem>>, vector<16xf32>,
        %bitcast3A_845 = vector.bitcast %get3A_844 : vector<16xf32> to vector<32xbf16>
        %mul3A_846 = arith.mulf %bitcast3A_841, %bitcast3A_845 : vector<32xbf16>
        %add3A_847 = arith.addf %add3A_655, %mul3A_846 : vector<32xbf16>
        %unpack3A = tpu.unpack_subelements %add3A_667, 0 {pack_format = #tpu.pack_format<interleaved>} : vector<32xbf16> -> vector<16xf32>
        %unpack3A_848 = tpu.unpack_subelements %add3A_667, 1 {pack_format = #tpu.pack_format<interleaved>} : vector<32xbf16> -> vector<16xf32>
        %add3A_849 = arith.constant 0 : i32
        %add3A_850 = vector.broadcast %add3A_849 : i32 to vector<16xi32>
        %add3A_851 = arith.addi %iota3A, %add3A_850 : vector<16xi32>
        %and3A = arith.constant 15 : i32
        %and3A_852 = vector.broadcast %and3A : i32 to vector<16xi32>
        %and3A_853 = arith.andi %add3A_851, %and3A_852 : vector<16xi32>
        %add3A_854 = arith.constant 0 : i32
        %add3A_855 = vector.broadcast %add3A_854 : i32 to vector<16xi32>
        %add3A_856 = arith.addi %add3A_855, %and3A_853 : vector<16xi32>
        %add3A_857 = arith.addf %unpack3A, %unpack3A_848 : vector<16xf32>
        tpu.vector_store_idx %arg12[%add3A_856], %add3A_857 : memref<256xf32, #tpu.memory_space<vmem>>[vector<16xi32>], vector<16xf32>,
        %unpack3A_858 = tpu.unpack_subelements %add3A_679, 0 {pack_format = #tpu.pack_format<interleaved>} : vector<32xbf16> -> vector<16xf32>
        %unpack3A_859 = tpu.unpack_subelements %add3A_679, 1 {pack_format = #tpu.pack_format<interleaved>} : vector<32xbf16> -> vector<16xf32>
        %add3A_860 = arith.constant 1 : i32
        %add3A_861 = vector.broadcast %add3A_860 : i32 to vector<16xi32>
        %add3A_862 = arith.addi %iota3A, %add3A_861 : vector<16xi32>
        %and3A_863 = arith.constant 15 : i32
        %and3A_864 = vector.broadcast %and3A_863 : i32 to vector<16xi32>
        %and3A_865 = arith.andi %add3A_862, %and3A_864 : vector<16xi32>
        %add3A_866 = arith.constant 16 : i32
        %add3A_867 = vector.broadcast %add3A_866 : i32 to vector<16xi32>
        %add3A_868 = arith.addi %add3A_867, %and3A_865 : vector<16xi32>
        %add3A_869 = arith.addf %unpack3A_858, %unpack3A_859 : vector<16xf32>
        tpu.vector_store_idx %arg12[%add3A_868], %add3A_869 : memref<256xf32, #tpu.memory_space<vmem>>[vector<16xi32>], vector<16xf32>,
        %unpack3A_870 = tpu.unpack_subelements %add3A_691, 0 {pack_format = #tpu.pack_format<interleaved>} : vector<32xbf16> -> vector<16xf32>
        %unpack3A_871 = tpu.unpack_subelements %add3A_691, 1 {pack_format = #tpu.pack_format<interleaved>} : vector<32xbf16> -> vector<16xf32>
        %add3A_872 = arith.constant 2 : i32
        %add3A_873 = vector.broadcast %add3A_872 : i32 to vector<16xi32>
        %add3A_874 = arith.addi %iota3A, %add3A_873 : vector<16xi32>
        %and3A_875 = arith.constant 15 : i32
        %and3A_876 = vector.broadcast %and3A_875 : i32 to vector<16xi32>
        %and3A_877 = arith.andi %add3A_874, %and3A_876 : vector<16xi32>
        %add3A_878 = arith.constant 32 : i32
        %add3A_879 = vector.broadcast %add3A_878 : i32 to vector<16xi32>
        %add3A_880 = arith.addi %add3A_879, %and3A_877 : vector<16xi32>
        %add3A_881 = arith.addf %unpack3A_870, %unpack3A_871 : vector<16xf32>
        tpu.vector_store_idx %arg12[%add3A_880], %add3A_881 : memref<256xf32, #tpu.memory_space<vmem>>[vector<16xi32>], vector<16xf32>,
        %unpack3A_882 = tpu.unpack_subelements %add3A_703, 0 {pack_format = #tpu.pack_format<interleaved>} : vector<32xbf16> -> vector<16xf32>
        %unpack3A_883 = tpu.unpack_subelements %add3A_703, 1 {pack_format = #tpu.pack_format<interleaved>} : vector<32xbf16> -> vector<16xf32>
        %add3A_884 = arith.constant 3 : i32
        %add3A_885 = vector.broadcast %add3A_884 : i32 to vector<16xi32>
        %add3A_886 = arith.addi %iota3A, %add3A_885 : vector<16xi32>
        %and3A_887 = arith.constant 15 : i32
        %and3A_888 = vector.broadcast %and3A_887 : i32 to vector<16xi32>
        %and3A_889 = arith.andi %add3A_886, %and3A_888 : vector<16xi32>
        %add3A_890 = arith.constant 48 : i32
        %add3A_891 = vector.broadcast %add3A_890 : i32 to vector<16xi32>
        %add3A_892 = arith.addi %add3A_891, %and3A_889 : vector<16xi32>
        %add3A_893 = arith.addf %unpack3A_882, %unpack3A_883 : vector<16xf32>
        tpu.vector_store_idx %arg12[%add3A_892], %add3A_893 : memref<256xf32, #tpu.memory_space<vmem>>[vector<16xi32>], vector<16xf32>,
        %unpack3A_894 = tpu.unpack_subelements %add3A_715, 0 {pack_format = #tpu.pack_format<interleaved>} : vector<32xbf16> -> vector<16xf32>
        %unpack3A_895 = tpu.unpack_subelements %add3A_715, 1 {pack_format = #tpu.pack_format<interleaved>} : vector<32xbf16> -> vector<16xf32>
        %add3A_896 = arith.constant 4 : i32
        %add3A_897 = vector.broadcast %add3A_896 : i32 to vector<16xi32>
        %add3A_898 = arith.addi %iota3A, %add3A_897 : vector<16xi32>
        %and3A_899 = arith.constant 15 : i32
        %and3A_900 = vector.broadcast %and3A_899 : i32 to vector<16xi32>
        %and3A_901 = arith.andi %add3A_898, %and3A_900 : vector<16xi32>
        %add3A_902 = arith.constant 64 : i32
        %add3A_903 = vector.broadcast %add3A_902 : i32 to vector<16xi32>
        %add3A_904 = arith.addi %add3A_903, %and3A_901 : vector<16xi32>
        %add3A_905 = arith.addf %unpack3A_894, %unpack3A_895 : vector<16xf32>
        tpu.vector_store_idx %arg12[%add3A_904], %add3A_905 : memref<256xf32, #tpu.memory_space<vmem>>[vector<16xi32>], vector<16xf32>,
        %unpack3A_906 = tpu.unpack_subelements %add3A_727, 0 {pack_format = #tpu.pack_format<interleaved>} : vector<32xbf16> -> vector<16xf32>
        %unpack3A_907 = tpu.unpack_subelements %add3A_727, 1 {pack_format = #tpu.pack_format<interleaved>} : vector<32xbf16> -> vector<16xf32>
        %add3A_908 = arith.constant 5 : i32
        %add3A_909 = vector.broadcast %add3A_908 : i32 to vector<16xi32>
        %add3A_910 = arith.addi %iota3A, %add3A_909 : vector<16xi32>
        %and3A_911 = arith.constant 15 : i32
        %and3A_912 = vector.broadcast %and3A_911 : i32 to vector<16xi32>
        %and3A_913 = arith.andi %add3A_910, %and3A_912 : vector<16xi32>
        %add3A_914 = arith.constant 80 : i32
        %add3A_915 = vector.broadcast %add3A_914 : i32 to vector<16xi32>
        %add3A_916 = arith.addi %add3A_915, %and3A_913 : vector<16xi32>
        %add3A_917 = arith.addf %unpack3A_906, %unpack3A_907 : vector<16xf32>
        tpu.vector_store_idx %arg12[%add3A_916], %add3A_917 : memref<256xf32, #tpu.memory_space<vmem>>[vector<16xi32>], vector<16xf32>,
        %unpack3A_918 = tpu.unpack_subelements %add3A_739, 0 {pack_format = #tpu.pack_format<interleaved>} : vector<32xbf16> -> vector<16xf32>
        %unpack3A_919 = tpu.unpack_subelements %add3A_739, 1 {pack_format = #tpu.pack_format<interleaved>} : vector<32xbf16> -> vector<16xf32>
        %add3A_920 = arith.constant 6 : i32
        %add3A_921 = vector.broadcast %add3A_920 : i32 to vector<16xi32>
        %add3A_922 = arith.addi %iota3A, %add3A_921 : vector<16xi32>
        %and3A_923 = arith.constant 15 : i32
        %and3A_924 = vector.broadcast %and3A_923 : i32 to vector<16xi32>
        %and3A_925 = arith.andi %add3A_922, %and3A_924 : vector<16xi32>
        %add3A_926 = arith.constant 96 : i32
        %add3A_927 = vector.broadcast %add3A_926 : i32 to vector<16xi32>
        %add3A_928 = arith.addi %add3A_927, %and3A_925 : vector<16xi32>
        %add3A_929 = arith.addf %unpack3A_918, %unpack3A_919 : vector<16xf32>
        tpu.vector_store_idx %arg12[%add3A_928], %add3A_929 : memref<256xf32, #tpu.memory_space<vmem>>[vector<16xi32>], vector<16xf32>,
        %unpack3A_930 = tpu.unpack_subelements %add3A_751, 0 {pack_format = #tpu.pack_format<interleaved>} : vector<32xbf16> -> vector<16xf32>
        %unpack3A_931 = tpu.unpack_subelements %add3A_751, 1 {pack_format = #tpu.pack_format<interleaved>} : vector<32xbf16> -> vector<16xf32>
        %add3A_932 = arith.constant 7 : i32
        %add3A_933 = vector.broadcast %add3A_932 : i32 to vector<16xi32>
        %add3A_934 = arith.addi %iota3A, %add3A_933 : vector<16xi32>
        %and3A_935 = arith.constant 15 : i32
        %and3A_936 = vector.broadcast %and3A_935 : i32 to vector<16xi32>
        %and3A_937 = arith.andi %add3A_934, %and3A_936 : vector<16xi32>
        %add3A_938 = arith.constant 112 : i32
        %add3A_939 = vector.broadcast %add3A_938 : i32 to vector<16xi32>
        %add3A_940 = arith.addi %add3A_939, %and3A_937 : vector<16xi32>
        %add3A_941 = arith.addf %unpack3A_930, %unpack3A_931 : vector<16xf32>
        tpu.vector_store_idx %arg12[%add3A_940], %add3A_941 : memref<256xf32, #tpu.memory_space<vmem>>[vector<16xi32>], vector<16xf32>,
        %unpack3A_942 = tpu.unpack_subelements %add3A_763, 0 {pack_format = #tpu.pack_format<interleaved>} : vector<32xbf16> -> vector<16xf32>
        %unpack3A_943 = tpu.unpack_subelements %add3A_763, 1 {pack_format = #tpu.pack_format<interleaved>} : vector<32xbf16> -> vector<16xf32>
        %add3A_944 = arith.constant 8 : i32
        %add3A_945 = vector.broadcast %add3A_944 : i32 to vector<16xi32>
        %add3A_946 = arith.addi %iota3A, %add3A_945 : vector<16xi32>
        %and3A_947 = arith.constant 15 : i32
        %and3A_948 = vector.broadcast %and3A_947 : i32 to vector<16xi32>
        %and3A_949 = arith.andi %add3A_946, %and3A_948 : vector<16xi32>
        %add3A_950 = arith.constant 128 : i32
        %add3A_951 = vector.broadcast %add3A_950 : i32 to vector<16xi32>
        %add3A_952 = arith.addi %add3A_951, %and3A_949 : vector<16xi32>
        %add3A_953 = arith.addf %unpack3A_942, %unpack3A_943 : vector<16xf32>
        tpu.vector_store_idx %arg12[%add3A_952], %add3A_953 : memref<256xf32, #tpu.memory_space<vmem>>[vector<16xi32>], vector<16xf32>,
        %unpack3A_954 = tpu.unpack_subelements %add3A_775, 0 {pack_format = #tpu.pack_format<interleaved>} : vector<32xbf16> -> vector<16xf32>
        %unpack3A_955 = tpu.unpack_subelements %add3A_775, 1 {pack_format = #tpu.pack_format<interleaved>} : vector<32xbf16> -> vector<16xf32>
        %add3A_956 = arith.constant 9 : i32
        %add3A_957 = vector.broadcast %add3A_956 : i32 to vector<16xi32>
        %add3A_958 = arith.addi %iota3A, %add3A_957 : vector<16xi32>
        %and3A_959 = arith.constant 15 : i32
        %and3A_960 = vector.broadcast %and3A_959 : i32 to vector<16xi32>
        %and3A_961 = arith.andi %add3A_958, %and3A_960 : vector<16xi32>
        %add3A_962 = arith.constant 144 : i32
        %add3A_963 = vector.broadcast %add3A_962 : i32 to vector<16xi32>
        %add3A_964 = arith.addi %add3A_963, %and3A_961 : vector<16xi32>
        %add3A_965 = arith.addf %unpack3A_954, %unpack3A_955 : vector<16xf32>
        tpu.vector_store_idx %arg12[%add3A_964], %add3A_965 : memref<256xf32, #tpu.memory_space<vmem>>[vector<16xi32>], vector<16xf32>,
        %unpack3A_966 = tpu.unpack_subelements %add3A_787, 0 {pack_format = #tpu.pack_format<interleaved>} : vector<32xbf16> -> vector<16xf32>
        %unpack3A_967 = tpu.unpack_subelements %add3A_787, 1 {pack_format = #tpu.pack_format<interleaved>} : vector<32xbf16> -> vector<16xf32>
        %add3A_968 = arith.constant 10 : i32
        %add3A_969 = vector.broadcast %add3A_968 : i32 to vector<16xi32>
        %add3A_970 = arith.addi %iota3A, %add3A_969 : vector<16xi32>
        %and3A_971 = arith.constant 15 : i32
        %and3A_972 = vector.broadcast %and3A_971 : i32 to vector<16xi32>
        %and3A_973 = arith.andi %add3A_970, %and3A_972 : vector<16xi32>
        %add3A_974 = arith.constant 160 : i32
        %add3A_975 = vector.broadcast %add3A_974 : i32 to vector<16xi32>
        %add3A_976 = arith.addi %add3A_975, %and3A_973 : vector<16xi32>
        %add3A_977 = arith.addf %unpack3A_966, %unpack3A_967 : vector<16xf32>
        tpu.vector_store_idx %arg12[%add3A_976], %add3A_977 : memref<256xf32, #tpu.memory_space<vmem>>[vector<16xi32>], vector<16xf32>,
        %unpack3A_978 = tpu.unpack_subelements %add3A_799, 0 {pack_format = #tpu.pack_format<interleaved>} : vector<32xbf16> -> vector<16xf32>
        %unpack3A_979 = tpu.unpack_subelements %add3A_799, 1 {pack_format = #tpu.pack_format<interleaved>} : vector<32xbf16> -> vector<16xf32>
        %add3A_980 = arith.constant 11 : i32
        %add3A_981 = vector.broadcast %add3A_980 : i32 to vector<16xi32>
        %add3A_982 = arith.addi %iota3A, %add3A_981 : vector<16xi32>
        %and3A_983 = arith.constant 15 : i32
        %and3A_984 = vector.broadcast %and3A_983 : i32 to vector<16xi32>
        %and3A_985 = arith.andi %add3A_982, %and3A_984 : vector<16xi32>
        %add3A_986 = arith.constant 176 : i32
        %add3A_987 = vector.broadcast %add3A_986 : i32 to vector<16xi32>
        %add3A_988 = arith.addi %add3A_987, %and3A_985 : vector<16xi32>
        %add3A_989 = arith.addf %unpack3A_978, %unpack3A_979 : vector<16xf32>
        tpu.vector_store_idx %arg12[%add3A_988], %add3A_989 : memref<256xf32, #tpu.memory_space<vmem>>[vector<16xi32>], vector<16xf32>,
        %unpack3A_990 = tpu.unpack_subelements %add3A_811, 0 {pack_format = #tpu.pack_format<interleaved>} : vector<32xbf16> -> vector<16xf32>
        %unpack3A_991 = tpu.unpack_subelements %add3A_811, 1 {pack_format = #tpu.pack_format<interleaved>} : vector<32xbf16> -> vector<16xf32>
        %add3A_992 = arith.constant 12 : i32
        %add3A_993 = vector.broadcast %add3A_992 : i32 to vector<16xi32>
        %add3A_994 = arith.addi %iota3A, %add3A_993 : vector<16xi32>
        %and3A_995 = arith.constant 15 : i32
        %and3A_996 = vector.broadcast %and3A_995 : i32 to vector<16xi32>
        %and3A_997 = arith.andi %add3A_994, %and3A_996 : vector<16xi32>
        %add3A_998 = arith.constant 192 : i32
        %add3A_999 = vector.broadcast %add3A_998 : i32 to vector<16xi32>
        %add3A_1000 = arith.addi %add3A_999, %and3A_997 : vector<16xi32>
        %add3A_1001 = arith.addf %unpack3A_990, %unpack3A_991 : vector<16xf32>
        tpu.vector_store_idx %arg12[%add3A_1000], %add3A_1001 : memref<256xf32, #tpu.memory_space<vmem>>[vector<16xi32>], vector<16xf32>,
        %unpack3A_1002 = tpu.unpack_subelements %add3A_823, 0 {pack_format = #tpu.pack_format<interleaved>} : vector<32xbf16> -> vector<16xf32>
        %unpack3A_1003 = tpu.unpack_subelements %add3A_823, 1 {pack_format = #tpu.pack_format<interleaved>} : vector<32xbf16> -> vector<16xf32>
        %add3A_1004 = arith.constant 13 : i32
        %add3A_1005 = vector.broadcast %add3A_1004 : i32 to vector<16xi32>
        %add3A_1006 = arith.addi %iota3A, %add3A_1005 : vector<16xi32>
        %and3A_1007 = arith.constant 15 : i32
        %and3A_1008 = vector.broadcast %and3A_1007 : i32 to vector<16xi32>
        %and3A_1009 = arith.andi %add3A_1006, %and3A_1008 : vector<16xi32>
        %add3A_1010 = arith.constant 208 : i32
        %add3A_1011 = vector.broadcast %add3A_1010 : i32 to vector<16xi32>
        %add3A_1012 = arith.addi %add3A_1011, %and3A_1009 : vector<16xi32>
        %add3A_1013 = arith.addf %unpack3A_1002, %unpack3A_1003 : vector<16xf32>
        tpu.vector_store_idx %arg12[%add3A_1012], %add3A_1013 : memref<256xf32, #tpu.memory_space<vmem>>[vector<16xi32>], vector<16xf32>,
        %unpack3A_1014 = tpu.unpack_subelements %add3A_835, 0 {pack_format = #tpu.pack_format<interleaved>} : vector<32xbf16> -> vector<16xf32>
        %unpack3A_1015 = tpu.unpack_subelements %add3A_835, 1 {pack_format = #tpu.pack_format<interleaved>} : vector<32xbf16> -> vector<16xf32>
        %add3A_1016 = arith.constant 14 : i32
        %add3A_1017 = vector.broadcast %add3A_1016 : i32 to vector<16xi32>
        %add3A_1018 = arith.addi %iota3A, %add3A_1017 : vector<16xi32>
        %and3A_1019 = arith.constant 15 : i32
        %and3A_1020 = vector.broadcast %and3A_1019 : i32 to vector<16xi32>
        %and3A_1021 = arith.andi %add3A_1018, %and3A_1020 : vector<16xi32>
        %add3A_1022 = arith.constant 224 : i32
        %add3A_1023 = vector.broadcast %add3A_1022 : i32 to vector<16xi32>
        %add3A_1024 = arith.addi %add3A_1023, %and3A_1021 : vector<16xi32>
        %add3A_1025 = arith.addf %unpack3A_1014, %unpack3A_1015 : vector<16xf32>
        tpu.vector_store_idx %arg12[%add3A_1024], %add3A_1025 : memref<256xf32, #tpu.memory_space<vmem>>[vector<16xi32>], vector<16xf32>,
        %unpack3A_1026 = tpu.unpack_subelements %add3A_847, 0 {pack_format = #tpu.pack_format<interleaved>} : vector<32xbf16> -> vector<16xf32>
        %unpack3A_1027 = tpu.unpack_subelements %add3A_847, 1 {pack_format = #tpu.pack_format<interleaved>} : vector<32xbf16> -> vector<16xf32>
        %add3A_1028 = arith.constant 15 : i32
        %add3A_1029 = vector.broadcast %add3A_1028 : i32 to vector<16xi32>
        %add3A_1030 = arith.addi %iota3A, %add3A_1029 : vector<16xi32>
        %and3A_1031 = arith.constant 15 : i32
        %and3A_1032 = vector.broadcast %and3A_1031 : i32 to vector<16xi32>
        %and3A_1033 = arith.andi %add3A_1030, %and3A_1032 : vector<16xi32>
        %add3A_1034 = arith.constant 240 : i32
        %add3A_1035 = vector.broadcast %add3A_1034 : i32 to vector<16xi32>
        %add3A_1036 = arith.addi %add3A_1035, %and3A_1033 : vector<16xi32>
        %add3A_1037 = arith.addf %unpack3A_1026, %unpack3A_1027 : vector<16xf32>
        tpu.vector_store_idx %arg12[%add3A_1036], %add3A_1037 : memref<256xf32, #tpu.memory_space<vmem>>[vector<16xi32>], vector<16xf32>,
        %add3A_1038 = arith.constant 0 : i32
        %add3A_1039 = vector.broadcast %add3A_1038 : i32 to vector<16xi32>
        %add3A_1040 = arith.addi %add3A_1039, %iota3A : vector<16xi32>
        %and3A_1041 = arith.constant 15 : i32
        %and3A_1042 = vector.broadcast %and3A_1041 : i32 to vector<16xi32>
        %and3A_1043 = arith.andi %add3A_1040, %and3A_1042 : vector<16xi32>
        %add3A_1044 = arith.addi %mul3A_9, %and3A_1043 : vector<16xi32>
        %gather3A = tpu.vector_load_idx %arg12[%add3A_1044] : memref<256xf32, #tpu.memory_space<vmem>>[vector<16xi32>], vector<16xf32>,
        %add3A_1045 = arith.constant 1 : i32
        %add3A_1046 = vector.broadcast %add3A_1045 : i32 to vector<16xi32>
        %add3A_1047 = arith.addi %add3A_1046, %iota3A : vector<16xi32>
        %and3A_1048 = arith.constant 15 : i32
        %and3A_1049 = vector.broadcast %and3A_1048 : i32 to vector<16xi32>
        %and3A_1050 = arith.andi %add3A_1047, %and3A_1049 : vector<16xi32>
        %add3A_1051 = arith.addi %mul3A_9, %and3A_1050 : vector<16xi32>
        %gather3A_1052 = tpu.vector_load_idx %arg12[%add3A_1051] : memref<256xf32, #tpu.memory_space<vmem>>[vector<16xi32>], vector<16xf32>,
        %add3A_1053 = arith.constant 2 : i32
        %add3A_1054 = vector.broadcast %add3A_1053 : i32 to vector<16xi32>
        %add3A_1055 = arith.addi %add3A_1054, %iota3A : vector<16xi32>
        %and3A_1056 = arith.constant 15 : i32
        %and3A_1057 = vector.broadcast %and3A_1056 : i32 to vector<16xi32>
        %and3A_1058 = arith.andi %add3A_1055, %and3A_1057 : vector<16xi32>
        %add3A_1059 = arith.addi %mul3A_9, %and3A_1058 : vector<16xi32>
        %gather3A_1060 = tpu.vector_load_idx %arg12[%add3A_1059] : memref<256xf32, #tpu.memory_space<vmem>>[vector<16xi32>], vector<16xf32>,
        %add3A_1061 = arith.constant 3 : i32
        %add3A_1062 = vector.broadcast %add3A_1061 : i32 to vector<16xi32>
        %add3A_1063 = arith.addi %add3A_1062, %iota3A : vector<16xi32>
        %and3A_1064 = arith.constant 15 : i32
        %and3A_1065 = vector.broadcast %and3A_1064 : i32 to vector<16xi32>
        %and3A_1066 = arith.andi %add3A_1063, %and3A_1065 : vector<16xi32>
        %add3A_1067 = arith.addi %mul3A_9, %and3A_1066 : vector<16xi32>
        %gather3A_1068 = tpu.vector_load_idx %arg12[%add3A_1067] : memref<256xf32, #tpu.memory_space<vmem>>[vector<16xi32>], vector<16xf32>,
        %add3A_1069 = arith.constant 4 : i32
        %add3A_1070 = vector.broadcast %add3A_1069 : i32 to vector<16xi32>
        %add3A_1071 = arith.addi %add3A_1070, %iota3A : vector<16xi32>
        %and3A_1072 = arith.constant 15 : i32
        %and3A_1073 = vector.broadcast %and3A_1072 : i32 to vector<16xi32>
        %and3A_1074 = arith.andi %add3A_1071, %and3A_1073 : vector<16xi32>
        %add3A_1075 = arith.addi %mul3A_9, %and3A_1074 : vector<16xi32>
        %gather3A_1076 = tpu.vector_load_idx %arg12[%add3A_1075] : memref<256xf32, #tpu.memory_space<vmem>>[vector<16xi32>], vector<16xf32>,
        %add3A_1077 = arith.constant 5 : i32
        %add3A_1078 = vector.broadcast %add3A_1077 : i32 to vector<16xi32>
        %add3A_1079 = arith.addi %add3A_1078, %iota3A : vector<16xi32>
        %and3A_1080 = arith.constant 15 : i32
        %and3A_1081 = vector.broadcast %and3A_1080 : i32 to vector<16xi32>
        %and3A_1082 = arith.andi %add3A_1079, %and3A_1081 : vector<16xi32>
        %add3A_1083 = arith.addi %mul3A_9, %and3A_1082 : vector<16xi32>
        %gather3A_1084 = tpu.vector_load_idx %arg12[%add3A_1083] : memref<256xf32, #tpu.memory_space<vmem>>[vector<16xi32>], vector<16xf32>,
        %add3A_1085 = arith.constant 6 : i32
        %add3A_1086 = vector.broadcast %add3A_1085 : i32 to vector<16xi32>
        %add3A_1087 = arith.addi %add3A_1086, %iota3A : vector<16xi32>
        %and3A_1088 = arith.constant 15 : i32
        %and3A_1089 = vector.broadcast %and3A_1088 : i32 to vector<16xi32>
        %and3A_1090 = arith.andi %add3A_1087, %and3A_1089 : vector<16xi32>
        %add3A_1091 = arith.addi %mul3A_9, %and3A_1090 : vector<16xi32>
        %gather3A_1092 = tpu.vector_load_idx %arg12[%add3A_1091] : memref<256xf32, #tpu.memory_space<vmem>>[vector<16xi32>], vector<16xf32>,
        %add3A_1093 = arith.constant 7 : i32
        %add3A_1094 = vector.broadcast %add3A_1093 : i32 to vector<16xi32>
        %add3A_1095 = arith.addi %add3A_1094, %iota3A : vector<16xi32>
        %and3A_1096 = arith.constant 15 : i32
        %and3A_1097 = vector.broadcast %and3A_1096 : i32 to vector<16xi32>
        %and3A_1098 = arith.andi %add3A_1095, %and3A_1097 : vector<16xi32>
        %add3A_1099 = arith.addi %mul3A_9, %and3A_1098 : vector<16xi32>
        %gather3A_1100 = tpu.vector_load_idx %arg12[%add3A_1099] : memref<256xf32, #tpu.memory_space<vmem>>[vector<16xi32>], vector<16xf32>,
        %add3A_1101 = arith.constant 8 : i32
        %add3A_1102 = vector.broadcast %add3A_1101 : i32 to vector<16xi32>
        %add3A_1103 = arith.addi %add3A_1102, %iota3A : vector<16xi32>
        %and3A_1104 = arith.constant 15 : i32
        %and3A_1105 = vector.broadcast %and3A_1104 : i32 to vector<16xi32>
        %and3A_1106 = arith.andi %add3A_1103, %and3A_1105 : vector<16xi32>
        %add3A_1107 = arith.addi %mul3A_9, %and3A_1106 : vector<16xi32>
        %gather3A_1108 = tpu.vector_load_idx %arg12[%add3A_1107] : memref<256xf32, #tpu.memory_space<vmem>>[vector<16xi32>], vector<16xf32>,
        %add3A_1109 = arith.constant 9 : i32
        %add3A_1110 = vector.broadcast %add3A_1109 : i32 to vector<16xi32>
        %add3A_1111 = arith.addi %add3A_1110, %iota3A : vector<16xi32>
        %and3A_1112 = arith.constant 15 : i32
        %and3A_1113 = vector.broadcast %and3A_1112 : i32 to vector<16xi32>
        %and3A_1114 = arith.andi %add3A_1111, %and3A_1113 : vector<16xi32>
        %add3A_1115 = arith.addi %mul3A_9, %and3A_1114 : vector<16xi32>
        %gather3A_1116 = tpu.vector_load_idx %arg12[%add3A_1115] : memref<256xf32, #tpu.memory_space<vmem>>[vector<16xi32>], vector<16xf32>,
        %add3A_1117 = arith.constant 10 : i32
        %add3A_1118 = vector.broadcast %add3A_1117 : i32 to vector<16xi32>
        %add3A_1119 = arith.addi %add3A_1118, %iota3A : vector<16xi32>
        %and3A_1120 = arith.constant 15 : i32
        %and3A_1121 = vector.broadcast %and3A_1120 : i32 to vector<16xi32>
        %and3A_1122 = arith.andi %add3A_1119, %and3A_1121 : vector<16xi32>
        %add3A_1123 = arith.addi %mul3A_9, %and3A_1122 : vector<16xi32>
        %gather3A_1124 = tpu.vector_load_idx %arg12[%add3A_1123] : memref<256xf32, #tpu.memory_space<vmem>>[vector<16xi32>], vector<16xf32>,
        %add3A_1125 = arith.constant 11 : i32
        %add3A_1126 = vector.broadcast %add3A_1125 : i32 to vector<16xi32>
        %add3A_1127 = arith.addi %add3A_1126, %iota3A : vector<16xi32>
        %and3A_1128 = arith.constant 15 : i32
        %and3A_1129 = vector.broadcast %and3A_1128 : i32 to vector<16xi32>
        %and3A_1130 = arith.andi %add3A_1127, %and3A_1129 : vector<16xi32>
        %add3A_1131 = arith.addi %mul3A_9, %and3A_1130 : vector<16xi32>
        %gather3A_1132 = tpu.vector_load_idx %arg12[%add3A_1131] : memref<256xf32, #tpu.memory_space<vmem>>[vector<16xi32>], vector<16xf32>,
        %add3A_1133 = arith.constant 12 : i32
        %add3A_1134 = vector.broadcast %add3A_1133 : i32 to vector<16xi32>
        %add3A_1135 = arith.addi %add3A_1134, %iota3A : vector<16xi32>
        %and3A_1136 = arith.constant 15 : i32
        %and3A_1137 = vector.broadcast %and3A_1136 : i32 to vector<16xi32>
        %and3A_1138 = arith.andi %add3A_1135, %and3A_1137 : vector<16xi32>
        %add3A_1139 = arith.addi %mul3A_9, %and3A_1138 : vector<16xi32>
        %gather3A_1140 = tpu.vector_load_idx %arg12[%add3A_1139] : memref<256xf32, #tpu.memory_space<vmem>>[vector<16xi32>], vector<16xf32>,
        %add3A_1141 = arith.constant 13 : i32
        %add3A_1142 = vector.broadcast %add3A_1141 : i32 to vector<16xi32>
        %add3A_1143 = arith.addi %add3A_1142, %iota3A : vector<16xi32>
        %and3A_1144 = arith.constant 15 : i32
        %and3A_1145 = vector.broadcast %and3A_1144 : i32 to vector<16xi32>
        %and3A_1146 = arith.andi %add3A_1143, %and3A_1145 : vector<16xi32>
        %add3A_1147 = arith.addi %mul3A_9, %and3A_1146 : vector<16xi32>
        %gather3A_1148 = tpu.vector_load_idx %arg12[%add3A_1147] : memref<256xf32, #tpu.memory_space<vmem>>[vector<16xi32>], vector<16xf32>,
        %add3A_1149 = arith.constant 14 : i32
        %add3A_1150 = vector.broadcast %add3A_1149 : i32 to vector<16xi32>
        %add3A_1151 = arith.addi %add3A_1150, %iota3A : vector<16xi32>
        %and3A_1152 = arith.constant 15 : i32
        %and3A_1153 = vector.broadcast %and3A_1152 : i32 to vector<16xi32>
        %and3A_1154 = arith.andi %add3A_1151, %and3A_1153 : vector<16xi32>
        %add3A_1155 = arith.addi %mul3A_9, %and3A_1154 : vector<16xi32>
        %gather3A_1156 = tpu.vector_load_idx %arg12[%add3A_1155] : memref<256xf32, #tpu.memory_space<vmem>>[vector<16xi32>], vector<16xf32>,
        %add3A_1157 = arith.constant 15 : i32
        %add3A_1158 = vector.broadcast %add3A_1157 : i32 to vector<16xi32>
        %add3A_1159 = arith.addi %add3A_1158, %iota3A : vector<16xi32>
        %and3A_1160 = arith.constant 15 : i32
        %and3A_1161 = vector.broadcast %and3A_1160 : i32 to vector<16xi32>
        %and3A_1162 = arith.andi %add3A_1159, %and3A_1161 : vector<16xi32>
        %add3A_1163 = arith.addi %mul3A_9, %and3A_1162 : vector<16xi32>
        %gather3A_1164 = tpu.vector_load_idx %arg12[%add3A_1163] : memref<256xf32, #tpu.memory_space<vmem>>[vector<16xi32>], vector<16xf32>,
        %add3A_1165 = arith.addf %gather3A, %gather3A_1052 : vector<16xf32>
        %add3A_1166 = arith.addf %gather3A_1060, %gather3A_1068 : vector<16xf32>
        %add3A_1167 = arith.addf %gather3A_1076, %gather3A_1084 : vector<16xf32>
        %add3A_1168 = arith.addf %gather3A_1092, %gather3A_1100 : vector<16xf32>
        %add3A_1169 = arith.addf %gather3A_1108, %gather3A_1116 : vector<16xf32>
        %add3A_1170 = arith.addf %gather3A_1124, %gather3A_1132 : vector<16xf32>
        %add3A_1171 = arith.addf %gather3A_1140, %gather3A_1148 : vector<16xf32>
        %add3A_1172 = arith.addf %gather3A_1156, %gather3A_1164 : vector<16xf32>
        %add3A_1173 = arith.addf %add3A_1165, %add3A_1166 : vector<16xf32>
        %add3A_1174 = arith.addf %add3A_1167, %add3A_1168 : vector<16xf32>
        %add3A_1175 = arith.addf %add3A_1169, %add3A_1170 : vector<16xf32>
        %add3A_1176 = arith.addf %add3A_1171, %add3A_1172 : vector<16xf32>
        %add3A_1177 = arith.addf %add3A_1173, %add3A_1174 : vector<16xf32>
        %add3A_1178 = arith.addf %add3A_1175, %add3A_1176 : vector<16xf32>
        %add3A_1179 = arith.addf %add3A_1177, %add3A_1178 : vector<16xf32>
        %mul3A_1180 = arith.mulf %broadcast_in_dim3A, %add3A_1179 : vector<16xf32>
        %max3A = arith.constant 0.000000e+00 : f32
        %max3A_1181 = vector.broadcast %max3A : f32 to vector<16xf32>
        %max3A_1182 = arith.maximumf %mul3A_1180, %max3A_1181 : vector<16xf32>
        %abs3A = math.absf %mul3A_1180 : vector<16xf32>
        %neg3A = arith.constant 0.000000e+00 : f32
        %neg3A_1183 = vector.broadcast %neg3A : f32 to vector<16xf32>
        %neg3A_1184 = arith.subf %neg3A_1183, %abs3A : vector<16xf32>
        %exp3A = math.exp %neg3A_1184 : vector<16xf32>
        %add3A_1185 = arith.constant 2.000000e+00 : f32
        %add3A_1186 = vector.broadcast %add3A_1185 : f32 to vector<16xf32>
        %add3A_1187 = arith.addf %exp3A, %add3A_1186 : vector<16xf32>
        %div3A = arith.divf %exp3A, %add3A_1187 : vector<16xf32>
        %mul3A_1188 = arith.mulf %div3A, %div3A : vector<16xf32>
        %mul3A_1189 = arith.constant 0.111111112 : f32
        %mul3A_1190 = vector.broadcast %mul3A_1189 : f32 to vector<16xf32>
        %mul3A_1191 = arith.mulf %mul3A_1188, %mul3A_1190 : vector<16xf32>
        %add3A_1192 = arith.constant 0.142857149 : f32
        %add3A_1193 = vector.broadcast %add3A_1192 : f32 to vector<16xf32>
        %add3A_1194 = arith.addf %add3A_1193, %mul3A_1191 : vector<16xf32>
        %mul3A_1195 = arith.mulf %mul3A_1188, %add3A_1194 : vector<16xf32>
        %add3A_1196 = arith.constant 2.000000e-01 : f32
        %add3A_1197 = vector.broadcast %add3A_1196 : f32 to vector<16xf32>
        %add3A_1198 = arith.addf %add3A_1197, %mul3A_1195 : vector<16xf32>
        %mul3A_1199 = arith.mulf %mul3A_1188, %add3A_1198 : vector<16xf32>
        %add3A_1200 = arith.constant 0.333333343 : f32
        %add3A_1201 = vector.broadcast %add3A_1200 : f32 to vector<16xf32>
        %add3A_1202 = arith.addf %add3A_1201, %mul3A_1199 : vector<16xf32>
        %mul3A_1203 = arith.mulf %mul3A_1188, %add3A_1202 : vector<16xf32>
        %add3A_1204 = arith.constant 1.000000e+00 : f32
        %add3A_1205 = vector.broadcast %add3A_1204 : f32 to vector<16xf32>
        %add3A_1206 = arith.addf %add3A_1205, %mul3A_1203 : vector<16xf32>
        %mul3A_1207 = arith.constant 2.000000e+00 : f32
        %mul3A_1208 = vector.broadcast %mul3A_1207 : f32 to vector<16xf32>
        %mul3A_1209 = arith.mulf %mul3A_1208, %div3A : vector<16xf32>
        %mul3A_1210 = arith.mulf %mul3A_1209, %add3A_1206 : vector<16xf32>
        %add3A_1211 = arith.addf %max3A_1182, %mul3A_1210 : vector<16xf32>
        %add3A_1212 = arith.addf %scan3A_95, %add3A_1211 : vector<16xf32>
        scf.yield %add3A_1212 : vector<16xf32>
      }
      %scan3A_93 = arith.constant 5 : i32
      scf.yield %scan3A_92 : vector<16xf32>
    }
    %scan3A_29 = arith.constant 125 : i32
    %mul3A_30 = arith.constant 1.562500e-06 : f32
    %mul3A_31 = vector.broadcast %mul3A_30 : f32 to vector<16xf32>
    %mul3A_32 = arith.mulf %scan3A_28, %mul3A_31 : vector<16xf32>
    %swap3A = arith.constant 0 : index
    %swap3A_33 = tpu.vector_load %arg13[%swap3A] {strides = array<i32>} : memref<16xf32, #tpu.memory_space<vmem>>, vector<16xf32>,
    tpu.vector_store %arg13[%swap3A], %mul3A_32 {strides = array<i32>} : memref<16xf32, #tpu.memory_space<vmem>>, vector<16xf32>,
    "tpu.region"() ({
      %run_scoped3A = tpu.sem_alloc : memref<!tpu.dma_semaphore, #tpu.memory_space<semaphore_mem>>
      %dma_start3A_34 = arith.constant 0 : i32
      %dma_start3A_35 = tpu.memref_slice %arg5[%add3A, %dma_start3A_34] : memref<32x16xf32, #tpu.memory_space<hbm>> -> memref<1x16xf32, #tpu.memory_space<hbm>>
      %dma_start3A_36 = tpu.memref_squeeze %dma_start3A_35 : memref<1x16xf32, #tpu.memory_space<hbm>> -> memref<16xf32, #tpu.memory_space<hbm>>
      %dma_start3A_37 = arith.constant 0 : i32
      %dma_start3A_38 = tpu.memref_slice %arg5[%add3A, %dma_start3A_37] : memref<32x16xf32, #tpu.memory_space<hbm>> -> memref<1x16xf32, #tpu.memory_space<hbm>>
      %dma_start3A_39 = tpu.memref_squeeze %dma_start3A_38 : memref<1x16xf32, #tpu.memory_space<hbm>> -> memref<16xf32, #tpu.memory_space<hbm>>
      tpu.enqueue_dma source(%arg13 : memref<16xf32, #tpu.memory_space<vmem>>) target(%dma_start3A_39 : memref<16xf32, #tpu.memory_space<hbm>>) target_semaphore(%run_scoped3A : memref<!tpu.dma_semaphore, #tpu.memory_space<semaphore_mem>>)
      %dma_wait3A = arith.constant 0 : i32
      %dma_wait3A_40 = tpu.memref_slice %arg5[%add3A, %dma_wait3A] : memref<32x16xf32, #tpu.memory_space<hbm>> -> memref<1x16xf32, #tpu.memory_space<hbm>>
      %dma_wait3A_41 = tpu.memref_squeeze %dma_wait3A_40 : memref<1x16xf32, #tpu.memory_space<hbm>> -> memref<16xf32, #tpu.memory_space<hbm>>
      %dma_wait3A_42 = arith.constant 0 : i32
      %dma_wait3A_43 = tpu.memref_slice %arg5[%add3A, %dma_wait3A_42] : memref<32x16xf32, #tpu.memory_space<hbm>> -> memref<1x16xf32, #tpu.memory_space<hbm>>
      %dma_wait3A_44 = tpu.memref_squeeze %dma_wait3A_43 : memref<1x16xf32, #tpu.memory_space<hbm>> -> memref<16xf32, #tpu.memory_space<hbm>>
      tpu.wait_dma2 semaphore(%run_scoped3A : memref<!tpu.dma_semaphore, #tpu.memory_space<semaphore_mem>>) src(%arg13 : memref<16xf32, #tpu.memory_space<vmem>>) dst(%dma_wait3A_44 : memref<16xf32, #tpu.memory_space<hbm>>)
      tpu.yield
    }) : () -> ()
    return
  }
}

</mosaic_0001>

<sc_bundles>
// kernel: kernel.3.cloned.1.call-start
scs
__scs_entry_jumppad:
0x0: {  	(pc) =	sbr.rel $0x88, $3  }
0x1: {  	(tag) =	ssettag $0x0;
	lr =	simm.s32 $0x1  }
0x2: {  	[smem:$0x3F9F] =	sst lr;
	_ =	strace $0xD0000000  }
0x3: {  	_ = 	snop  }
0x4: {  	_ = 	snop  }
0x5: {  	_ = 	snop  }
0x6: {  	_ = 	snop  }
0x7: {  	_ = 	snop  }
__scs_overlays_trampoline_lowered:
0x8: {  	[smem:$0x3FAE] =	sst s0  }
0x9: {  	[smem:$0x3FAF] =	sst s1  }
0xa: {  	[smem:$0x3FB0] =	sst s2  }
0xb: {  	[smem:$0x3FB1] =	sst s3  }
0xc: {  	[smem:$0x3FB2] =	sst s4  }
0xd: {  	[smem:$0x3FB3] =	sst s5  }
0xe: {  	[smem:$0x3FB4] =	sst s6  }
0xf: {  	[smem:$0x3FB5] =	sst s7  }
0x10: {  	[smem:$0x3FB6] =	sst s8  }
0x11: {  	[smem:$0x3FB7] =	sst s9;
	s0 =	simm.s32 @!p0 $0x0  }
0x12: {  	s1 =	sld [smem:$0x3F9D];
	s0 =	simm.s32 @p0 $0x1  }
0x13: {  	[smem:$0x3FB8] =	sst s0;
	s0 =	simm.s32 @!p1 $0x0  }
0x14: {  	s2 =	sld [smem:$0x3F9C];
	s0 =	simm.s32 @p1 $0x1  }
0x15: {  	[smem:$0x3FB9] =	sst s0;
	s0 =	simm.s32 @!p2 $0x0  }
0x16: {  	s3 =	sld [smem:$0x3FDB];
	s0 =	simm.s32 @p2 $0x1  }
0x17: {  	s4 =	simm.s32 $0x1BF5;
	[smem:$0x3FBB] =	sst s0  }
0x18: {  	s0 =	sld [smem:$0x3F9E];
	_ =	swait.ge [sflag:s4], $0x0  }
0x19: {  	s7 =	sld [smem:$0x3F9F]  }
0x1a: {  	s8 =	sadd.s32 $0xFFFFE003, lr  }
0x1b: {  	s9 =	sadd.s32 $0xFFFFFEF7, lr;
	s5 =	simm.s32 $0xFFFFFFFF;
	p2 =	slt.u32 s8, $0xFFFFF086  }
0x1c: {  	p1 =	slt.u32 s9, $0xF7A;
	s5 =	simm.s32 @!p2 $0x0  }
0x1d: {  	s5 =	simm.s32 @p1 $0x1;
	p0 =	seq.s32 s7, s2  }
0x1e: {  	s7 =	smul.u32 @!p0 $0xF7A, s2;
	p2 =	seq.s32 @!p0 s5, $0x0  }
0x1f: {  	s9 =	smul.u32 $0xF7A, s1;
	s8 =	simm.s32 @!p0 $0x1BF5;
	p2 =	por !p2, p0  }
0x20: {  	[sflag:s8] =	ssyncset.s32 @!p0 $0xFFFFF086;
	s6 =	sadd.s32 @!p0 s3, s7;
	s7 =	simm.s32 @!p0 $0x108  }
0x21: {  	s3 =	sadd.s32 s3, s9;
	s6 =	sadd.s32 @!p0 $0x88, s6;
	s7 =	simm.s32 @p2 $0x1082  }
0x22: {  	[simem:s7], [sflag:s8] =	dma.local @!p0 [hbm:s6], $0xF7A  }
0x23: {  	s9 =	sor.u32 $0xD0000000, s2;
	s6 =	simm.s32 $0x108;
	_ =	swait.ge @!p0 [sflag:s8], $0x0  }
0x24: {  	s3 =	sadd.s32 $0x88, s3;
	s6 =	simm.s32 @!p1 $0x1082;
	[sflag:s4] =	ssyncset.s32 $0xFFFFF086  }
0x25: {  	[simem:s6], [sflag:s4] =	dma.local [hbm:s3], $0xF7A  }
0x26: {  	[smem:$0x3F9F] =	sst s1;
	(tag) =	ssettag s2;
	_ =	strace s9  }
0x27: {  	s1 =	sld [smem:$0x3FAF]  }
0x28: {  	s2 =	sld [smem:$0x3FB0]  }
0x29: {  	s4 =	sld [smem:$0x3FB2]  }
0x2a: {  	p0 =	seq.s32 s5, $0x0;
	s5 =	sld [smem:$0x3FB3]  }
0x2b: {  	s6 =	sld [smem:$0x3FB4]  }
0x2c: {  	s7 =	sld [smem:$0x3FB5]  }
0x2d: {  	s3 =	simm.s32 $0x108;
	s8 =	sld [smem:$0x3FB6]  }
0x2e: {  	s3 =	simm.s32 @!p0 $0x1082;
	s9 =	sld [smem:$0x3FB7]  }
0x2f: {  	lr =	sadd.s32 s0, s3;
	s0 =	sld [smem:$0x3FAE]  }
0x30: {  	s3 =	sld [smem:$0x3FB1]  }
0x31: {  	[smem:$0x3FBA] =	sst s10  }
0x32: {  	s10 =	sld [smem:$0x3FB8];
	_ =	sdelay $0x3  }
0x33: {  	p0 =	seq.s32 s10, $0x1;
	s10 =	sld [smem:$0x3FBA];
	_ =	sdelay $0x3  }
0x34: {  	[smem:$0x3FBA] =	sst s10  }
0x35: {  	s10 =	sld [smem:$0x3FB9];
	_ =	sdelay $0x3  }
0x36: {  	p1 =	seq.s32 s10, $0x1;
	s10 =	sld [smem:$0x3FBA];
	_ =	sdelay $0x3  }
0x37: {  	[smem:$0x3FBA] =	sst s10  }
0x38: {  	s10 =	sld [smem:$0x3FBB]  }
0x39: {  	_ = 	snop;
	(pc) =	sbr.ind lr, $3  }
0x3a: {  	_ = 	snop  }
0x3b: {  	_ = 	snop  }
0x3c: {  	p2 =	seq.s32 s10, $0x1;
	s10 =	sld [smem:$0x3FBA]  }
0x3d: {  	_ =	shalt  }
0x3e: {  	_ =	shalt  }
0x3f: {  	_ =	shalt  }
0x40: {  	_ =	shalt  }
0x41: {  	_ =	shalt  }
0x42: {  	_ =	shalt  }
0x43: {  	_ =	shalt  }
0x44: {  	_ =	shalt  }
0x45: {  	_ =	shalt  }
0x46: {  	_ =	shalt  }
0x47: {  	_ =	shalt  }
0x48: {  	_ =	shalt  }
0x49: {  	_ =	shalt  }
0x4a: {  	_ =	shalt  }
0x4b: {  	_ =	shalt  }
0x4c: {  	_ =	shalt  }
0x4d: {  	_ =	shalt  }
0x4e: {  	_ =	shalt  }
0x4f: {  	_ =	shalt  }
0x50: {  	_ =	shalt  }
0x51: {  	_ =	shalt  }
0x52: {  	_ =	shalt  }
0x53: {  	_ =	shalt  }
0x54: {  	_ =	shalt  }
0x55: {  	_ =	shalt  }
0x56: {  	_ =	shalt  }
0x57: {  	_ =	shalt  }
0x58: {  	_ =	shalt  }
0x59: {  	_ =	shalt  }
0x5a: {  	_ =	shalt  }
0x5b: {  	_ =	shalt  }
0x5c: {  	_ =	shalt  }
0x5d: {  	_ =	shalt  }
0x5e: {  	_ =	shalt  }
0x5f: {  	_ =	shalt  }
0x60: {  	_ =	shalt  }
0x61: {  	_ =	shalt  }
0x62: {  	_ =	shalt  }
0x63: {  	_ =	shalt  }
0x64: {  	_ =	shalt  }
0x65: {  	_ =	shalt  }
0x66: {  	_ =	shalt  }
0x67: {  	_ =	shalt  }
0x68: {  	_ =	shalt  }
0x69: {  	_ =	shalt  }
0x6a: {  	_ =	shalt  }
0x6b: {  	_ =	shalt  }
0x6c: {  	_ =	shalt  }
0x6d: {  	_ =	shalt  }
0x6e: {  	_ =	shalt  }
0x6f: {  	_ =	shalt  }
0x70: {  	_ =	shalt  }
0x71: {  	_ =	shalt  }
0x72: {  	_ =	shalt  }
0x73: {  	_ =	shalt  }
0x74: {  	_ =	shalt  }
0x75: {  	_ =	shalt  }
0x76: {  	_ =	shalt  }
0x77: {  	_ =	shalt  }
0x78: {  	_ =	shalt  }
0x79: {  	_ =	shalt  }
0x7a: {  	_ =	shalt  }
0x7b: {  	_ =	shalt  }
0x7c: {  	_ =	shalt  }
0x7d: {  	_ =	shalt  }
0x7e: {  	_ =	shalt  }
0x7f: {  	_ =	shalt  }
0x80: {  	_ =	shalt  }
0x81: {  	_ =	shalt  }
0x82: {  	_ =	shalt  }
0x83: {  	_ =	shalt  }
0x84: {  	_ =	shalt  }
0x85: {  	_ =	shalt  }
0x86: {  	_ =	shalt  }
0x87: {  	_ =	shalt  }
.Lfunc_end0:
.L_simem_size_0:
called_computation_lowered:
.L_overlay_start_0:
0x88: {  	s2 =	sld [smem:$0x3FD9]  }
0x89: {  	s3 =	sld [smem:$0x3FFE];
	_ =	sdelay $0x1  }
0x8a: {  	s1 =	srdreg.scid  }
0x8b: {  	s0 =	sand.u32 $0x1, s1  }
0x8c: {  	s16 =	sshll.u32 s0, $0xA;
	s2 =	sadd.s32 s3, s2  }
0x8d: {  	s2 =	sadd.s32 s2, s16  }
0x8e: {  	[smem:$0x3FC6] =	sst s2  }
0x8f: {  	_ = 	snop  }
0x90: {  	(tm) =	ssettm $0x1  }
0x91: {  	s17 =	sld [smem:$0x3FFB];
	_ =	sdelay $0x3  }
0x92: {  	_ =	strace s17  }
0x93: {  	s2 =	sld [smem:$0x3FFC];
	_ =	sdelay $0x3  }
0x94: {  	_ =	strace s2  }
0x95: {  	s2 =	sld [smem:$0x3FFD];
	_ =	sdelay $0x3  }
0x96: {  	_ =	strace s2  }
0x97: {  	_ =	strace $0x8FFFFFFF  }
0x98: {  	s18 =	sld [smem:$0x3FDB];
	_ =	sdelay $0x1  }
0x99: {  	s19 =	simm.s32 $_scs_section_size  }
0x9a: {  	s4 =	simm.s32 $_size__tile_overlayer_lowered;
	s5 =	simm.s32 $_tile_overlayer_lowered  }
0x9b: {  	s22 =	simm.s32 $0x1BFF;
	s21 =	sshll.u32 s5, $0x1;
	s2 =	sadd.s32 s19, s18  }
0x9c: {  	s6 =	simm.s32 $0x0;
	s20 =	sshll.u32 s4, $0x1;
	s4 =	sadd.s32 s21, s2  }
0x9d: {  	[timem:s6], [sflag:s22] =	dma.local [hbm:s4], s20  }
0x9e: {  	_ =	swait.ge [sflag:s22], s20  }
0x9f: {  	s3 =	ssub.s32 $0x0, s20;
	[sflag:s22] =	ssyncset.done $0x0  }
0xa0: {  	[sflag:s22] =	ssyncadd.s32 s3;
	_ =	sdelay $0x1  }
0xa1: {  	s23 =	simm.s32 $0x1B8B  }
0xa2: {  	_ =	swait.ge [sflag:s23], $0x1  }
0xa3: {  	[sflag:s23] =	ssyncset.done $0x0  }
0xa4: {  	s25 =	simm.s32 $0x1B8E;
	s24 =	sld [smem:$0x3FFE];
	[sflag:s23] =	ssyncadd.s32 $0xFFFFFFFF  }
0xa5: {  	s26 =	simm.s32 $execute0_lowered;
	[smem:$0x3FD2] =	sst s25  }
0xa6: {  	s4 =	sshll.u32 s26, $0x1;
	_ =	strace $0x80000046;
	[dreg:$0x1] =	wrdreg $0xFFFFFFFF  }
0xa7: {  	s28 =	simm.s32 $_size_execute0_lowered;
	s2 =	sadd.s32 s2, s4;
	[dreg:$0x0] =	wrdreg $0x0  }
0xa8: {  	s4 =	sshll.u32 s28, $0x1;
	[dreg:$0x2] =	wrdreg s2  }
0xa9: {  	[dreg:$0x3] =	wrdreg s4  }
0xaa: {  	[dreg:$0x4] =	wrdreg $0xC0  }
0xab: {  	_ =	task [dreg:s6], $0x5FFFF  }
0xac: {  	[dreg:$0x1] =	wrdreg $0xFFFFFFFF  }
0xad: {  	[dreg:$0x0] =	wrdreg $0x60  }
0xae: {  	[dreg:$0x2] =	wrdreg s24  }
0xaf: {  	[dreg:$0x3] =	wrdreg $0xED500  }
0xb0: {  	[dreg:$0x4] =	wrdreg $0x9  }
0xb1: {  	_ =	task.clear_ibuf [dreg:s6], $0x5FFFF;
	_ =	strace $0x90000046  }
0xb2: {  	s29 =	simm.s32 $0x9;
	_ =	strace $0x80000048  }
0xb3: {  	_ =	swait.ge [sflag:s29], $0x1  }
0xb4: {  	[sflag:s29] =	ssyncadd.s32 $0xFFFFFFFF  }
0xb5: {  	_ =	strace $0x90000048  }
0xb6: {  	_ =	sfence  }
0xb7: {  	s30 =	sld [smem:$0x0];
	_ =	sdelay $0x2  }
0xb8: {  	s31 =	sshll.u32 s1, $0xD;
	s1 =	sshrl.u32 s1, $0x2  }
0xb9: {  	s3 =	sand.u32 $0x4000, s31;
	s1 =	sadd.s32 s1, s30  }
0xba: {  	s0 =	sor.u32 s3, s0;
	s1 =	sshll.u32 s1, $0x11  }
0xbb: {  	s0 =	sor.u32 s1, s0  }
0xbc: {  	s0 =	sadd.s32 $0x8F2B, s0  }
0xbd: {  	[sflag:s0] =	ssyncadd.remote.s32 $0x1  }
0xbe: {  	_ =	sfence.sel $0xFFFF  }
0xbf: {  	[dreg:$0x0] =	wrdreg $0xFFFFFFFF;
	(pc) =	sbr.abs _section_cstart, $3  }
0xc0: {  	[dreg:$0x1] =	wrdreg $0xFFFFFFFF  }
0xc1: {  	_ =	task.clear_ibuf [dreg:s6], $0x2FFFF;
	_ =	strace $0x9FFFFFFF  }
0xc2: {  	(tm) =	ssettm $0x7FFFFFFF  }
0xc3: {  	_ =	shalt  }
tec
execute0_lowered:
.L_overlay_start_1:
0x0: {  	(tag) =	ssettag $0x1  }
0x1: {  	v0 =	vimm.s32 $0x1C1B1A19;
	v1 =	vimm.s32 $0x101F1E1D;
	vm0 =	vcmask $0x1F10  }
0x2: {  	v43 =	vimm.s32 $0x14131211;
	v2 =	vimm.s32 $0x18171615;
	v3 =	vimm.s32 $0x2D2C2B2A  }
0x3: {  	v4 =	vimm.s32 $0x21202F2E;
	v5 =	vimm.s32 $0x25242322;
	v6 =	vimm.s32 $0x29282726  }
0x4: {  	v7 =	vimm.s32 $0x3E3D3C3B;
	v8 =	vimm.s32 $0x3231303F;
	v48 =	vimm.s32 $0x36353433  }
0x5: {  	v49 =	vimm.s32 $0x3A393837;
	v50 =	vimm.s32 $0x4F4E4D4C;
	v51 =	vimm.s32 $0x43424140  }
0x6: {  	v52 =	vimm.s32 $0x47464544;
	v53 =	vimm.s32 $0x4B4A4948;
	v56 =	vimm.s32 $0x505F5E5D  }
0x7: {  	v57 =	vimm.s32 $0x54535251;
	v60 =	vimm.s32 $0x58575655;
	v61 =	vimm.s32 $0x5C5B5A59  }
0x8: {  	v62 =	vimm.s32 $0x61606F6E;
	v63 =	vimm.s32 $0x65646362;
	v9 =	vimm.s32 $0x69686766  }
0x9: {  	v10 =	vimm.s32 $0x6D6C6B6A;
	v11 =	vimm.s32 $0x7271707F;
	v12 =	vimm.s32 $0x76757473  }
0xa: {  	v13 =	vimm.s32 $0x7A797877;
	v14 =	vimm.s32 $0x7E7D7C7B;
	v15 =	vimm.s32 $0x83828180  }
0xb: {  	v16 =	vimm.s32 $0x87868584;
	v17 =	vimm.s32 $0x8B8A8988;
	v18 =	vimm.s32 $0x8F8E8D8C  }
0xc: {  	v21 =	vimm.s32 $0x94939291;
	v22 =	vimm.s32 $0x98979695;
	v25 =	vimm.s32 $0x9C9B9A99  }
0xd: {  	v26 =	vimm.s32 $0x909F9E9D;
	v27 =	vimm.s32 $0xA5A4A3A2;
	v28 =	vimm.s32 $0xA9A8A7A6  }
0xe: {  	v32 =	vimm.s32 $0xBEBDBCBB;
	v33 =	vimm.s32 $0xB2B1B0BF;
	v34 =	vimm.s32 $0xC7C6C5C4  }
0xf: {  	v35 =	vimm.s32 $0xCBCAC9C8;
	v36 =	vimm.s32 $0xCFCECDCC;
	v0 =	vunpack.c.0.s8.s32 v0  }
0x10: {  	v1 =	vunpack.c.0.s8.s32 v1;
	v2 =	vunpack.c.0.s8.s32 v2;
	v3 =	vunpack.c.0.s8.s32 v3  }
0x11: {  	v4 =	vunpack.c.0.s8.s32 v4;
	v5 =	vunpack.c.0.s8.s32 v5;
	v6 =	vunpack.c.0.s8.s32 v6  }
0x12: {  	v44 =	vunpack.c.0.s8.s32 v7;
	v45 =	vunpack.c.0.s8.s32 v8;
	v54 =	vunpack.c.0.s8.s32 v52  }
0x13: {  	v55 =	vunpack.c.0.s8.s32 v53;
	v58 =	vunpack.c.0.s8.s32 v57;
	v7 =	vunpack.c.0.s8.s32 v62  }
0x14: {  	v8 =	vunpack.c.0.s8.s32 v63;
	v9 =	vunpack.c.0.s8.s32 v9;
	v10 =	vunpack.c.0.s8.s32 v10  }
0x15: {  	v19 =	vunpack.c.0.s8.s32 v17;
	v20 =	vunpack.c.0.s8.s32 v18;
	v23 =	vunpack.c.0.s8.s32 v22  }
0x16: {  	v52 =	vimm.s32 $0xE9E8E7E6;
	v53 =	vimm.s32 $0xEDECEBEA;
	v17 =	vimm.s32 $0xE1E0EFEE  }
0x17: {  	v18 =	vimm.s32 $0xE5E4E3E2;
	v57 =	vimm.s32 $0xF2F1F0FF;
	v62 =	vimm.s32 $0x78675645  }
0x18: {  	v17 =	vunpack.c.0.s8.s32 v17;
	v18 =	vunpack.c.0.s8.s32 v18;
	v0 =	vsel vm0, v1, v0  }
0x19: {  	v1 =	vunpack.c.0.s8.s32 v43;
	v46 =	vsel vm0, v4, v3;
	v47 =	vsel vm0, v6, v5  }
0x1a: {  	v3 =	vunpack.c.0.s8.s32 v48;
	v4 =	vunpack.c.0.s8.s32 v49;
	v5 =	vunpack.c.0.s8.s32 v50  }
0x1b: {  	v6 =	vunpack.c.0.s8.s32 v51;
	v48 =	vimm.s32 $0xDCDBDAD9;
	v50 =	vimm.s32 $0xD0DFDEDD  }
0x1c: {  	v51 =	vimm.s32 $0xD4D3D2D1;
	v38 =	vcombine.low v47, v46;
	v47 =	vimm.s32 $0xD8D7D6D5  }
0x1d: {  	v1 =	vsel vm0, v2, v1;
	v2 =	vsel vm0, v45, v44;
	v3 =	vsel vm0, v4, v3  }
0x1e: {  	v5 =	vsel vm0, v6, v5;
	v4 =	vsel vm0, v55, v54;
	v6 =	vunpack.c.0.s8.s32 v56  }
0x1f: {  	v44 =	vimm.s32 $0xC3C2C1C0;
	v45 =	vunpack.c.0.s8.s32 v36;
	v37 =	vcombine.low v1, v0  }
0x20: {  	v55 =	vsel vm0, v18, v17;
	v39 =	vcombine.low v3, v2;
	v40 =	vcombine.low v4, v5  }
0x21: {  	v5 =	vunpack.c.0.s8.s32 v60;
	v0 =	vunpack.c.0.s8.s32 v11;
	v1 =	vunpack.c.0.s8.s32 v12  }
0x22: {  	v2 =	vsel vm0, v8, v7;
	v12 =	vsel vm0, v10, v9;
	v7 =	vunpack.c.0.s8.s32 v13  }
0x23: {  	s0 =	stileid.u32;
	v8 =	vunpack.c.0.s8.s32 v14;
	v9 =	vunpack.c.0.s8.s32 v15;
	v10 =	vunpack.c.0.s8.s32 v16  }
0x24: {  	s1 =	simm.f32 $-1.000000000e+00;
	p0 =	slt.u32 s0, $0x8;
	v11 =	vunpack.c.0.s8.s32 v27;
	v13 =	vimm.s32 $0xADACABAA;
	v14 =	vimm.s32 $0xA1A0AFAE  }
0x25: {  	s1 =	simm.s32 @!p0 $0x3F800000;
	v15 =	vimm.s32 $0xB6B5B4B3;
	v16 =	vimm.s32 $0xBAB9B8B7;
	v46 =	vunpack.c.0.s8.s32 v44  }
0x26: {  	v60 =	vimm.s32 $0xF0EFDECD;
	v27 =	vimm.s32 $0xBEAD9C8B;
	v44 =	vimm.s32 $0x37261504  }
0x27: {  	v4 =	vmov s1;
	v59 =	vsel vm0, v58, v6;
	v6 =	vunpack.c.0.s8.s32 v61  }
0x28: {  	v42 =	vcombine.low v12, v2;
	v12 =	vunpack.c.0.s8.s32 v28;
	v13 =	vunpack.c.0.s8.s32 v13  }
0x29: {  	v14 =	vunpack.c.0.s8.s32 v14;
	v15 =	vunpack.c.0.s8.s32 v15;
	v16 =	vunpack.c.0.s8.s32 v16  }
0x2a: {  	v58 =	vimm.s32 $0xF6F5F4F3;
	v18 =	vunpack.c.0.s8.s32 v60;
	v61 =	vimm.s32 $0x34231201  }
0x2b: {  	v2 =	vimm.s32 $0xF1E0DFCE;
	v28 =	vunpack.c.0.s8.s32 v27;
	v60 =	vimm.s32 $0xF6E5D4C3  }
0x2c: {  	v7 =	vsel vm0, v8, v7;
	v9 =	vsel vm0, v10, v9;
	v8 =	vsel vm0, v20, v19  }
0x2d: {  	v10 =	vunpack.c.0.s8.s32 v21;
	v19 =	vimm.s32 $0xFAF9F8F7;
	v20 =	vimm.s32 $0xFEFDFCFB  }
0x2e: {  	v63 =	vunpack.c.0.s8.s32 v61;
	v61 =	vimm.s32 $0x7E6D5C4B;
	v5 =	vsel vm0, v6, v5  }
0x2f: {  	v6 =	vsel vm0, v1, v0;
	v9 =	vcombine.low v8, v9;
	v8 =	vunpack.c.0.s8.s32 v25  }
0x30: {  	v29 =	vsel vm0, v12, v11;
	v30 =	vsel vm0, v14, v13;
	v31 =	vsel vm0, v16, v15  }
0x31: {  	v12 =	vunpack.c.0.s8.s32 v33;
	v13 =	vunpack.c.0.s8.s32 v34;
	v14 =	vunpack.c.0.s8.s32 v35  }
0x32: {  	v15 =	vsel vm0, v46, v45;
	v16 =	vunpack.c.0.s8.s32 v48;
	v19 =	vunpack.c.0.s8.s32 v19  }
0x33: {  	v20 =	vunpack.c.0.s8.s32 v20;
	v0 =	vunpack.c.0.s8.s32 v62;
	v1 =	vimm.s32 $0xBDAC9B8A  }
0x34: {  	v25 =	vimm.s32 $0x35241302;
	v45 =	vimm.s32 $0x7B6A5948;
	v46 =	vimm.s32 $0xB0AF9E8D  }
0x35: {  	v48 =	vimm.s32 $0x38271605;
	v27 =	vunpack.c.0.s8.s32 v61;
	v62 =	vimm.s32 $0xB3A29180  }
0x36: {  	v61 =	vimm.s32 $0x302F1E0D;
	v41 =	vcombine.low v5, v59;
	v43 =	vcombine.low v7, v6  }
0x37: {  	v24 =	vsel vm0, v23, v10;
	v10 =	vunpack.c.0.s8.s32 v26;
	v11 =	vcombine.low v30, v29  }
0x38: {  	v59 =	vimm.s32 $0xBCAB9A89;
	v21 =	vunpack.c.0.s8.s32 v1;
	v26 =	vimm.s32 $0x79685746  }
0x39: {  	v29 =	vimm.s32 $0xF2E1D0CF;
	v30 =	vimm.s32 $0x36251403;
	v13 =	vsel vm0, v14, v13  }
0x3a: {  	v14 =	vunpack.c.0.s8.s32 v47;
	v56 =	vsel vm0, v20, v19;
	v17 =	vunpack.c.0.s8.s32 v59  }
0x3b: {  	v19 =	vsel vm0, v0, v63;
	v20 =	vunpack.c.0.s8.s32 v2;
	v22 =	vunpack.c.0.s8.s32 v29  }
0x3c: {  	v47 =	vimm.s32 $0xF4E3D2C1;
	v63 =	vunpack.c.0.s8.s32 v62;
	v62 =	vimm.s32 $0x74635241  }
0x3d: {  	v8 =	vsel vm0, v10, v8;
	v13 =	vcombine.low v15, v13;
	v15 =	vunpack.c.0.s8.s32 v52  }
0x3e: {  	v52 =	vimm.s32 $0xB1A09F8E;
	v10 =	vcombine.low v8, v24;
	v8 =	vunpack.c.0.s8.s32 v32  }
0x3f: {  	v49 =	vsel vm0, v16, v14;
	v14 =	vunpack.c.0.s8.s32 v51;
	v16 =	vunpack.c.0.s8.s32 v53  }
0x40: {  	v17 =	vsel vm0, v18, v17;
	v3 =	vsel vm0, v20, v21;
	v21 =	vunpack.c.0.s8.s32 v30  }
0x41: {  	v32 =	vimm.s32 $0xBFAE9D8C;
	v24 =	vimm.s32 $0xF3E2D1C0;
	v34 =	vsel vm0, v22, v28  }
0x42: {  	v22 =	vunpack.c.0.s8.s32 v47;
	v53 =	vimm.s32 $0xF5E4D3C2;
	v28 =	vimm.s32 $0xF7E6D5C4  }
0x43: {  	v30 =	vimm.s32 $0x3B2A1908;
	v18 =	vcombine.low v19, v17;
	v17 =	vunpack.c.0.s8.s32 v26  }
0x44: {  	v33 =	vunpack.c.0.s8.s32 v32;
	v24 =	vunpack.c.0.s8.s32 v24;
	v26 =	vunpack.c.0.s8.s32 v60  }
0x45: {  	v28 =	vunpack.c.0.s8.s32 v28;
	v7 =	vunpack.c.0.s8.s32 v30;
	v32 =	vimm.s32 $0xB4A39281  }
0x46: {  	v30 =	vimm.s32 $0x3E2D1C0B;
	v60 =	vimm.s32 $0xFCEBDAC9;
	v8 =	vsel vm0, v12, v8  }
0x47: {  	v54 =	vsel vm0, v16, v15;
	v16 =	vunpack.c.0.s8.s32 v58;
	v58 =	vimm.s32 $0xB2A1908F  }
0x48: {  	v30 =	vunpack.c.0.s8.s32 v30;
	v12 =	vcombine.low v8, v31;
	v8 =	vunpack.c.0.s8.s32 v50  }
0x49: {  	v15 =	vcombine.low v55, v54;
	v31 =	vimm.s32 $0x7A695847;
	v36 =	vsel vm0, v24, v33  }
0x4a: {  	v50 =	vunpack.c.0.s8.s32 v48;
	v54 =	vunpack.c.0.s8.s32 v52;
	v24 =	vunpack.c.0.s8.s32 v53  }
0x4b: {  	v59 =	vunpack.c.0.s8.s32 v58;
	v2 =	vsel vm0, v28, v63;
	v33 =	vimm.s32 $0xF8E7D6C5  }
0x4c: {  	v48 =	vimm.s32 $0x3D2C1B0A;
	v58 =	vimm.s32 $0x73625140;
	v63 =	vunpack.c.0.s8.s32 v61  }
0x4d: {  	v18 =	vand.u32 $0xFF, v18;
	v23 =	vunpack.c.0.s8.s32 v31;
	v31 =	vimm.s32 $0x7F6E5D4C  }
0x4e: {  	v8 =	vsel vm0, v14, v8;
	v55 =	vsel vm0, v24, v54;
	v0 =	vsel vm0, v26, v59  }
0x4f: {  	v26 =	vunpack.c.0.s8.s32 v33;
	v33 =	vimm.s32 $0xFBEAD9C8;
	v59 =	vimm.s32 $0xB8A79685  }
0x50: {  	v14 =	vcombine.low v8, v49;
	v8 =	vunpack.c.0.s8.s32 v57;
	v35 =	vsel vm0, v23, v21  }
0x51: {  	v21 =	vunpack.c.0.s8.s32 v46;
	v49 =	vimm.s32 $0x7C6B5A49;
	v57 =	vimm.s32 $0x7D6C5B4A  }
0x52: {  	v46 =	vimm.s32 $0xF9E8D7C6;
	v53 =	vunpack.c.0.s8.s32 v33;
	v20 =	vcombine.low v35, v34  }
0x53: {  	v51 =	vunpack.c.0.s8.s32 v49;
	v34 =	vimm.s32 $0x3C2B1A09;
	v35 =	vimm.s32 $0x706F5E4D  }
0x54: {  	v28 =	vunpack.c.0.s8.s32 v46;
	v49 =	vimm.s32 $0x71605F4E;
	v8 =	vsel vm0, v16, v8  }
0x55: {  	v46 =	vand.u32 $0xFF, v12;
	v16 =	vcombine.low v8, v56;
	v8 =	vunpack.c.0.s8.s32 v25  }
0x56: {  	v22 =	vsel vm0, v22, v21;
	v56 =	vimm.s32 $0x39281706;
	v25 =	vimm.s32 $0x3A291807  }
0x57: {  	v20 =	vand.u32 $0xFF, v20;
	v25 =	vunpack.c.0.s8.s32 v25;
	v8 =	vsel vm0, v17, v8  }
0x58: {  	s4 =	rddreg [dreg:$0x0];
	v17 =	vunpack.c.0.s8.s32 v45;
	v45 =	vimm.s32 $0xB5A49382;
	v16 =	vand.u32 $0xFF, v16  }
0x59: {  	s2 =	rddreg [dreg:$0x1];
	s3 =	simm.s32 $0x0;
	v19 =	vcombine.low v8, v3;
	v8 =	vunpack.c.0.s8.s32 v44;
	v1 =	vsel vm0, v27, v25  }
0x5a: {  	[smem:$0x7FF] =	sst s3;
	v25 =	vunpack.c.0.s8.s32 v32;
	v44 =	vunpack.c.0.s8.s32 v35;
	v32 =	vimm.s32 $0xB7A69584  }
0x5b: {  	s1 =	rddreg [dreg:$0x2];
	_ =	strace $0x80000047;
	[tilespmem:$0x1FE10] =	vst v38;
	v24 =	vcombine.low v1, v0;
	v52 =	vunpack.c.0.s8.s32 v32;
	v0 =	vunpack.c.0.s8.s32 v62  }
0x5c: {  	[tilespmem:$0x1FE70] =	vst v4;
	v1 =	vimm.s32 $0xB9A89786;
	v8 =	vsel vm0, v17, v8;
	v17 =	vsel vm0, v51, v50  }
0x5d: {  	[tilespmem:$0x1FE00] =	vst v37;
	v25 =	vsel vm0, v26, v25;
	v26 =	vunpack.c.0.s8.s32 v45;
	v50 =	vimm.s32 $0xB6A59483  }
0x5e: {  	[tilespmem:$0x1FE20] =	vst v39;
	v51 =	vimm.s32 $0xFAE9D8C7;
	v45 =	vand.u32 $0xFF, v10;
	v19 =	vand.u32 $0xFF, v19  }
0x5f: {  	[tilespmem:$0x1FE30] =	vst v40;
	v21 =	vcombine.low v8, v36;
	v22 =	vcombine.low v17, v22;
	v8 =	vunpack.c.0.s8.s32 v56  }
0x60: {  	[tilespmem:$0x1FE50] =	vst v42;
	v17 =	vunpack.c.0.s8.s32 v57;
	v36 =	vunpack.c.0.s8.s32 v34;
	v56 =	vsel vm0, v53, v52  }
0x61: {  	[tilespmem:$0x1FE40] =	vst v41;
	v57 =	vimm.s32 $0x3F2E1D0C;
	v52 =	vimm.s32 $0xFEEDDCCB;
	v53 =	vlaneseq.u32  }
0x62: {  	[tilespmem:$0x1FE60] =	vst v43;
	v24 =	vand.u32 $0xFF, v24;
	v47 =	vsel vm0, v28, v26;
	v26 =	vunpack.c.0.s8.s32 v50  }
0x63: {  	[tilespmem:$0x1FF10] =	vst v18;
	v28 =	vunpack.c.0.s8.s32 v51;
	v51 =	vimm.s32 $0xBAA99887;
	v8 =	vsel vm0, v17, v8  }
0x64: {  	[tilespmem:$0x1FEB0] =	vst v46;
	v17 =	vunpack.c.0.s8.s32 v31;
	v27 =	vsel vm0, v44, v36;
	v31 =	vimm.s32 $0x7261504F  }
0x65: {  	[tilespmem:$0x1FF30] =	vst v20;
	v44 =	vand.u32 $0xFF, v9;
	v21 =	vand.u32 $0xFF, v21;
	v22 =	vand.u32 $0xFF, v22  }
0x66: {  	[tilespmem:$0x1FEF0] =	vst v16;
	v23 =	vcombine.low v8, v55;
	v27 =	vcombine.low v27, v25;
	v25 =	vunpack.c.0.s8.s32 v49  }
0x67: {  	[tilespmem:$0x1FE90] =	vst v45;
	v31 =	vunpack.c.0.s8.s32 v31;
	v54 =	vsel vm0, v28, v26;
	v49 =	vimm.s32 $0x75645342  }
0x68: {  	[tilespmem:$0x1FF20] =	vst v19;
	v26 =	vunpack.c.0.s8.s32 v59;
	v17 =	vsel vm0, v17, v7;
	v50 =	vunpack.c.0.s8.s32 v49  }
0x69: {  	[tilespmem:$0x1FF70] =	vst v24;
	v49 =	vand.u32 $0xFF, v15;
	v29 =	vcombine.low v17, v2;
	v17 =	vunpack.c.0.s8.s32 v48  }
0x6a: {  	[tilespmem:$0x1FE80] =	vst v44;
	v55 =	vsel vm0, v31, v30;
	v30 =	vunpack.c.0.s8.s32 v60;
	v2 =	vimm.s32 $0xFDECDBCA  }
0x6b: {  	[tilespmem:$0x1FF40] =	vst v21;
	v31 =	vunpack.c.0.s8.s32 v52;
	v23 =	vand.u32 $0xFF, v23;
	v27 =	vand.u32 $0xFF, v27  }
0x6c: {  	[tilespmem:$0x1FF50] =	vst v22;
	v28 =	vcombine.low v55, v54;
	v3 =	vunpack.c.0.s8.s32 v2;
	v54 =	vimm.s32 $0x3221100F  }
0x6d: {  	[tilespmem:$0x1FEE0] =	vst v49;
	v55 =	vimm.s32 $0x76655443;
	v17 =	vsel vm0, v25, v17;
	v25 =	vunpack.c.0.s8.s32 v58  }
0x6e: {  	s5 =	srdreg.scid;
	[tilespmem:$0x1FF60] =	vst v23;
	v26 =	vsel vm0, v30, v26;
	v30 =	vunpack.c.0.s8.s32 v1;
	v58 =	vand.u32 $0xFF, v29  }
0x6f: {  	s13 =	simm.s32 $0x50;
	s14 =	simm.s32 $0x9C40;
	s15 =	simm.s32 $0xB040;
	[tilespmem:$0x1FF90] =	vst v27;
	v33 =	vcombine.low v17, v47;
	v17 =	vunpack.c.0.s8.s32 v57;
	v47 =	vimm.s32 $0x31201F0E  }
0x70: {  	s16 =	simm.s32 $0xC440;
	s17 =	simm.s32 $0xD840;
	s18 =	simm.s32 $0x1;
	v57 =	vmul.u32 $0x11, v53;
	v28 =	vand.u32 $0xFF, v28;
	[tilespmem:$0x1FF80] =	vst v58;
	v30 =	vsel vm0, v3, v30  }
0x71: {  	s19 =	simm.s32 $0x2;
	s20 =	simm.s32 $0xEC40;
	s21 =	simm.s32 $0x3;
	v48 =	vunpack.c.0.s8.s32 v47;
	v47 =	vand.u32 $0xFF, v13;
	[tilespmem:$0x1FFB0] =	vst v28;
	v17 =	vsel vm0, v25, v17  }
0x72: {  	s22 =	simm.s32 $0x4;
	s23 =	simm.s32 $0xED40;
	s24 =	simm.s32 $0x0;
	v25 =	vsel vm0, v0, v63;
	v59 =	vand.u32 $0xFF, v33;
	[tilespmem:$0x1FEC0] =	vst v47;
	v5 =	vcombine.low v17, v56  }
0x73: {  	s6 =	smul.u32 $0x9C40, s0;
	s5 =	sand.u32 $0x1, s5;
	s7 =	sshll.u32 s0, $0x1;
	[tilespmem:$0x1FF00] =	vst v57;
	v34 =	vcombine.low v25, v26;
	v26 =	vunpack.c.0.s8.s32 v51;
	v35 =	vsel vm0, v50, v48  }
0x74: {  	s31 =	sshll.u32 s0, $0x6;
	s7 =	sor.u32 s5, s7;
	s5 =	ssub.s32 $0x2, s5;
	v56 =	vand.u32 $0xFF, v11;
	v17 =	vunpack.c.0.s8.s32 v54;
	v25 =	vunpack.c.0.s8.s32 v55;
	[tilespmem:$0x1FFA0] =	vst v59  }
0x75: {  	s8 =	sshrl.u32 s6, $0x3;
	s9 =	smul.u32 $0x9C4, s7;
	s7 =	sshll.u32 s7, $0x1;
	v48 =	vand.u32 $0xFF, v14;
	v35 =	vcombine.low v35, v30;
	[tilespmem:$0x1FEA0] =	vst v56  }
0x76: {  	s30 =	sshrl.u32 s5, $0x1;
	s12 =	sadd.s32 s6, s2;
	s8 =	sadd.s32 s8, s4;
	[tilespmem:$0x1FED0] =	vst v48;
	v31 =	vsel vm0, v31, v26;
	v36 =	vsel vm0, v25, v17;
	v60 =	vand.u32 $0xFF, v5  }
0x77: {  	s10 =	sadd.s32 s7, s4;
	s11 =	ssub.s32 s5, s30;
	s5 =	sor.u32 $0x1C05, s31;
	v61 =	vand.u32 $0xFF, v34;
	v36 =	vcombine.low v36, v31;
	[tilespmem:$0x1FFC0] =	vst v60  }
0x78: {  	s9 =	sadd.s32 s9, s4;
	s4 =	sadd.s32 $0x600, s8;
	s8 =	sadd.s32 $0x3B400, s10;
	v62 =	vand.u32 $0xFF, v35;
	[tilespmem:$0x1FFD0] =	vst v61  }
0x79: {  	s10 =	sshrl.u32 s12, $0x3;
	s12 =	simm.s32 $0x4E20;
	s6 =	sadd.s32 $0x14000, s9;
	[tilespmem:$0x1FFE0] =	vst v62;
	v63 =	vand.u32 $0xFF, v36  }
0x7a: {  	s7 =	sadd.s32 $0x27A00, s9;
	s9 =	smax.u32 s11, $0x1;
	s11 =	simm.s32 $0x5;
	[tilespmem:$0x1FFF0] =	vst v63  }
.LBB2_1:
0x7b: {  	[spmem:s10], [sflag:s5] =	dma.local [hbm:s4], $0x1388  }
0x7c: {  	_ =	swait.ge [sflag:s11], $0x1388  }
0x7d: {  	[sflag:s11] =	ssyncset.done $0x0  }
0x7e: {  	[sflag:s11] =	ssyncadd.s32 $0xFFFFEC78  }
0x7f: {  	[tilespmem:s3], [sflag:$0x5] =	stream.linear.gather [hbm4b:s6+s3], $0x4E20, $0x38;
	[tilespmem:$0x18990] =	vst v63  }
0x80: {  	_ =	swait.ge [sflag:s11], $0x4E20  }
0x81: {  	[sflag:s11] =	ssyncset.done $0x0  }
0x82: {  	[sflag:s11] =	ssyncadd.s32 $0xFFFFB1E0  }
0x83: {  	[tilespmem:s12], [sflag:$0x5] =	stream.linear.gather [hbm4b:s7+s3], $0x4E20, $0x38;
	[tilespmem:$0x18990] =	vst v63  }
0x84: {  	_ =	swait.ge [sflag:s11], $0x4E20  }
0x85: {  	[sflag:s11] =	ssyncset.done $0x0  }
0x86: {  	[sflag:s11] =	ssyncadd.s32 $0xFFFFB1E0  }
0x87: {  	[bflag:$0x0] =	sbarrier.arrive $0xFFFF  }
0x88: {  	[tilespmem:s14], [sflag:$0x1] =	stream.indirect.gather [spmem:s2], $0x40, s3, s13, $0xb8;
	[tilespmem:$0x18990] =	vst v63  }
0x89: {  	s25 =	simm.s32 $0x0  }
0x8a: {  	v0 =	vimm.f32 $0.0e+00;
	[tilespmem:s15], [sflag:$0x2] =	stream.indirect.gather [spmem:s2], $0x40, s12, s13, $0xb8;
	[tilespmem:$0x18990] =	vst v63  }
.LBB2_2:
0x8b: {  	s26 =	smul.u32 $0xA0, s25;
	_ =	sdelay $0x1  }
0x8c: {  	s28 =	sadd.s32 $0x50, s26  }
0x8d: {  	[tilespmem:s16], [sflag:$0x3] =	stream.indirect.gather [spmem:s2], $0x40, s28, s13, $0xb8;
	[tilespmem:$0x18990] =	vst v63  }
0x8e: {  	s28 =	sadd.s32 $0x4E70, s26  }
0x8f: {  	[tilespmem:s17], [sflag:$0x4] =	stream.indirect.gather [spmem:s2], $0x40, s28, s13, $0xb8;
	[tilespmem:$0x18990] =	vst v63  }
0x90: {  	_ =	swait.ge [sflag:s18], $0x1400  }
0x91: {  	[sflag:s18] =	ssyncset.done $0x0  }
0x92: {  	[sflag:s18] =	ssyncadd.s32 $0xFFFFEC00  }
0x93: {  	_ =	swait.ge [sflag:s19], $0x1400  }
0x94: {  	[sflag:s19] =	ssyncset.done $0x0  }
0x95: {  	s28 =	simm.s32 $0x0;
	[sflag:s19] =	ssyncadd.s32 $0xFFFFEC00  }
.LBB2_3:
0x96: {  	s29 =	sshra.s32 s28, $0x2  }
0x97: {  	v34 =	vld [tilespmem:s29+$0xA010];
	_ =	sdelay $0x4  }
0x98: {  	[tilespmem:$0x1FC30] =	vst v34;
	v34 =	vld [tilespmem:s29+$0x9CA0];
	_ =	sdelay $0x4  }
0x99: {  	[tilespmem:$0x1FC40] =	vst v34;
	v34 =	vld [tilespmem:s29+$0xB0A0]  }
0x9a: {  	v35 =	vld [tilespmem:s29+$0xB040]  }
0x9b: {  	v36 =	vld [tilespmem:s29+$0x9C80]  }
0x9c: {  	v37 =	vld [tilespmem:s29+$0xB080]  }
0x9d: {  	v38 =	vld [tilespmem:s29+$0x9CC0]  }
0x9e: {  	[tilespmem:$0x1FC50] =	vst v34;
	v34 =	vld [tilespmem:s29+$0x9CE0]  }
0x9f: {  	v39 =	vld [tilespmem:s29+$0xB0C0]  }
0xa0: {  	v40 =	vld [tilespmem:s29+$0x9D00]  }
0xa1: {  	v41 =	vld [tilespmem:s29+$0xB100]  }
0xa2: {  	v42 =	vld [tilespmem:s29+$0x9D40]  }
0xa3: {  	[tilespmem:$0x1FC60] =	vst v34;
	v34 =	vld [tilespmem:s29+$0xB0E0]  }
0xa4: {  	v43 =	vld [tilespmem:s29+$0xB140]  }
0xa5: {  	v44 =	vld [tilespmem:s29+$0x9D80]  }
0xa6: {  	v45 =	vld [tilespmem:s29+$0xB180]  }
0xa7: {  	v46 =	vld [tilespmem:s29+$0x9DC0]  }
0xa8: {  	[tilespmem:$0x1FC70] =	vst v34;
	v34 =	vld [tilespmem:s29+$0x9D20]  }
0xa9: {  	v47 =	vld [tilespmem:s29+$0xB1C0]  }
0xaa: {  	v48 =	vld [tilespmem:s29+$0x9E00]  }
0xab: {  	v49 =	vld [tilespmem:s29+$0xB200]  }
0xac: {  	v50 =	vld [tilespmem:s29+$0x9E40]  }
0xad: {  	[tilespmem:$0x1FC80] =	vst v34;
	v34 =	vld [tilespmem:s29+$0xB120]  }
0xae: {  	v51 =	vld [tilespmem:s29+$0xB240]  }
0xaf: {  	v52 =	vld [tilespmem:s29+$0x9E80]  }
0xb0: {  	v53 =	vld [tilespmem:s29+$0xB280]  }
0xb1: {  	v54 =	vld [tilespmem:s29+$0x9EC0]  }
0xb2: {  	[tilespmem:$0x1FC90] =	vst v34;
	v34 =	vld [tilespmem:s29+$0x9D60]  }
0xb3: {  	v55 =	vld [tilespmem:s29+$0xB2C0]  }
0xb4: {  	v56 =	vld [tilespmem:s29+$0x9F00]  }
0xb5: {  	v57 =	vld [tilespmem:s29+$0xB300]  }
0xb6: {  	v58 =	vld [tilespmem:s29+$0x9F40]  }
0xb7: {  	[tilespmem:$0x1FCA0] =	vst v34;
	v34 =	vld [tilespmem:s29+$0xB160]  }
0xb8: {  	v59 =	vld [tilespmem:s29+$0xB340]  }
0xb9: {  	v60 =	vld [tilespmem:s29+$0x9F80]  }
0xba: {  	v61 =	vld [tilespmem:s29+$0xB380]  }
0xbb: {  	v62 =	vld [tilespmem:s29+$0x9FC0]  }
0xbc: {  	[tilespmem:$0x1FCB0] =	vst v34;
	v34 =	vld [tilespmem:s29+$0x9DA0]  }
0xbd: {  	v63 =	vld [tilespmem:s29+$0xB3C0]  }
0xbe: {  	v8 =	vld [tilespmem:s29+$0xA000]  }
0xbf: {  	v1 =	vld [tilespmem:s29+$0x9C50]  }
0xc0: {  	v2 =	vld [tilespmem:s29+$0xB050]  }
0xc1: {  	[tilespmem:$0x1FCC0] =	vst v34;
	v34 =	vld [tilespmem:s29+$0xB1A0]  }
0xc2: {  	v3 =	vld [tilespmem:s29+$0x9C90]  }
0xc3: {  	v4 =	vld [tilespmem:s29+$0xB090]  }
0xc4: {  	v5 =	vld [tilespmem:s29+$0x9CD0]  }
0xc5: {  	v6 =	vld [tilespmem:s29+$0xB0D0]  }
0xc6: {  	[tilespmem:$0x1FCD0] =	vst v34;
	v34 =	vld [tilespmem:s29+$0x9DE0]  }
0xc7: {  	v7 =	vld [tilespmem:s29+$0x9D10]  }
0xc8: {  	v9 =	vld [tilespmem:s29+$0xB110]  }
0xc9: {  	v10 =	vld [tilespmem:s29+$0x9D50]  }
0xca: {  	v11 =	vld [tilespmem:s29+$0xB150]  }
0xcb: {  	[tilespmem:$0x1FCE0] =	vst v34;
	v34 =	vld [tilespmem:s29+$0xB1E0]  }
0xcc: {  	v12 =	vld [tilespmem:s29+$0x9D90]  }
0xcd: {  	v13 =	vld [tilespmem:s29+$0xB190]  }
0xce: {  	v14 =	vld [tilespmem:s29+$0x9DD0]  }
0xcf: {  	v15 =	vld [tilespmem:s29+$0xB1D0]  }
0xd0: {  	[tilespmem:$0x1FCF0] =	vst v34;
	v34 =	vld [tilespmem:s29+$0x9E20]  }
0xd1: {  	v16 =	vld [tilespmem:s29+$0x9E10]  }
0xd2: {  	v17 =	vld [tilespmem:s29+$0xB210]  }
0xd3: {  	v18 =	vld [tilespmem:s29+$0x9E50]  }
0xd4: {  	v19 =	vld [tilespmem:s29+$0xB250]  }
0xd5: {  	[tilespmem:$0x1FD00] =	vst v34;
	v34 =	vld [tilespmem:s29+$0xB220]  }
0xd6: {  	v20 =	vld [tilespmem:s29+$0x9E90]  }
0xd7: {  	v21 =	vld [tilespmem:s29+$0xB290]  }
0xd8: {  	v22 =	vld [tilespmem:s29+$0x9ED0]  }
0xd9: {  	v23 =	vld [tilespmem:s29+$0xB2D0]  }
0xda: {  	[tilespmem:$0x1FD10] =	vst v34;
	v34 =	vld [tilespmem:s29+$0x9E60]  }
0xdb: {  	v24 =	vld [tilespmem:s29+$0x9F10]  }
0xdc: {  	v25 =	vld [tilespmem:s29+$0xB310]  }
0xdd: {  	v32 =	vld [tilespmem:s29+$0x9F50]  }
0xde: {  	v27 =	vld [tilespmem:s29+$0xB350]  }
0xdf: {  	[tilespmem:$0x1FD20] =	vst v34;
	v34 =	vld [tilespmem:s29+$0xB260]  }
0xe0: {  	v26 =	vld [tilespmem:s29+$0x9F90]  }
0xe1: {  	v29 =	vld [tilespmem:s29+$0xB390]  }
0xe2: {  	v30 =	vld [tilespmem:s29+$0x9FD0]  }
0xe3: {  	v31 =	vld [tilespmem:s29+$0xB3D0]  }
0xe4: {  	[tilespmem:$0x1FD30] =	vst v34;
	v34 =	vld [tilespmem:s29+$0x9EA0]  }
0xe5: {  	v33 =	vld [tilespmem:s29+$0xB410]  }
0xe6: {  	v28 =	vld [tilespmem:s29+$0x9C60]  }
0xe7: {  	[tilespmem:$0x1FDF0] =	vst v0;
	v0 =	vld [tilespmem:s29+$0x9C40]  }
0xe8: {  	[tilespmem:$0x1FC20] =	vst v26;
	v26 =	vld [tilespmem:s29+$0xB060]  }
0xe9: {  	[tilespmem:$0x1FD40] =	vst v34;
	v34 =	vld [tilespmem:s29+$0xB2A0]  }
0xea: {  	v36 =	vmul.bf16 v37, v36;
	v37 =	vmul.bf16 v39, v38;
	v38 =	vld [tilespmem:s29+$0xA020]  }
0xeb: {  	v39 =	vmul.bf16 v41, v40;
	v41 =	vld [tilespmem:s29+$0xB420]  }
0xec: {  	v40 =	vmul.bf16 v43, v42;
	v42 =	vmul.bf16 v45, v44;
	v44 =	vld [tilespmem:s29+$0x9C70]  }
0xed: {  	v43 =	vmul.bf16 v47, v46;
	v47 =	vld [tilespmem:s29+$0xB070]  }
0xee: {  	[tilespmem:$0x1FD50] =	vst v34;
	v34 =	vld [tilespmem:s29+$0x9EE0]  }
0xef: {  	v46 =	vmul.bf16 v51, v50;
	v50 =	vld [tilespmem:s29+$0x9CB0]  }
0xf0: {  	v45 =	vmul.bf16 v49, v48;
	v48 =	vmul.bf16 v53, v52;
	v53 =	vld [tilespmem:s29+$0xB0B0]  }
0xf1: {  	v51 =	vmul.bf16 v57, v56;
	v56 =	vld [tilespmem:s29+$0x9CF0]  }
0xf2: {  	v1 =	vmul.bf16 v2, v1;
	v2 =	vld [tilespmem:s29+$0xB0F0]  }
0xf3: {  	v49 =	vmul.bf16 v55, v54;
	[tilespmem:$0x1FD60] =	vst v34;
	v34 =	vld [tilespmem:s29+$0xB2E0]  }
0xf4: {  	v55 =	vmul.bf16 v63, v62;
	v62 =	vmul.bf16 v6, v5;
	v5 =	vld [tilespmem:s29+$0x9D30]  }
0xf5: {  	v57 =	vmul.bf16 v19, v18;
	v18 =	vld [tilespmem:s29+$0xB1B0]  }
0xf6: {  	v52 =	vmul.bf16 v59, v58;
	v58 =	vmul.bf16 v21, v20;
	v20 =	vld [tilespmem:s29+$0x9DF0]  }
0xf7: {  	v59 =	vmul.bf16 v23, v22;
	v22 =	vld [tilespmem:s29+$0xB1F0]  }
0xf8: {  	v54 =	vmul.bf16 v61, v60;
	[tilespmem:$0x1FD70] =	vst v34;
	v34 =	vld [tilespmem:s29+$0x9F20]  }
0xf9: {  	v3 =	vmul.bf16 v4, v3;
	v60 =	vmul.bf16 v25, v24;
	v25 =	vld [tilespmem:s29+$0x9E30]  }
0xfa: {  	v61 =	vmul.bf16 v27, v32;
	v32 =	vld [tilespmem:$0x1FC30]  }
0xfb: {  	v3 =	vadd.bf16 v3, v36;
	v36 =	vmul.bf16 v13, v12;
	v12 =	vld [tilespmem:s29+$0xB170]  }
0xfc: {  	v4 =	vadd.bf16 v62, v37;
	v37 =	vmul.bf16 v15, v14;
	v15 =	vld [tilespmem:s29+$0x9DB0]  }
0xfd: {  	v63 =	vmul.bf16 v9, v7;
	[tilespmem:$0x1FD80] =	vst v34;
	v34 =	vld [tilespmem:s29+$0xB320]  }
0xfe: {  	v14 =	vadd.bf16 v57, v46;
	v46 =	vld [tilespmem:$0x1FEB0]  }
0xff: {  	v6 =	vadd.bf16 v63, v39;
	v39 =	vmul.bf16 v17, v16;
	v16 =	vadd.bf16 v58, v48;
	v48 =	vld [tilespmem:$0x1FED0]  }
0x100: {  	v17 =	vadd.bf16 v59, v49;
	v49 =	vld [tilespmem:$0x1FEE0]  }
0x101: {  	v62 =	vld [tilespmem:$0x1FC20]  }
0x102: {  	[tilespmem:$0x1FD90] =	vst v34;
	v34 =	vld [tilespmem:s29+$0x9F60]  }
0x103: {  	v63 =	vmul.bf16 v31, v30;
	v30 =	vld [tilespmem:s29+$0x9E70]  }
0x104: {  	[tilespmem:$0x1FC10] =	vst v0;
	v0 =	vld [tilespmem:s29+$0xB400]  }
0x105: {  	v9 =	vadd.bf16 v36, v42;
	v42 =	vld [tilespmem:$0x1FE50]  }
0x106: {  	v13 =	vadd.bf16 v39, v45;
	v45 =	vld [tilespmem:$0x1FE90]  }
0x107: {  	[tilespmem:$0x1FDA0] =	vst v34;
	v34 =	vld [tilespmem:s29+$0xB360]  }
0x108: {  	v26 =	vmul.bf16 v26, v28;
	v28 =	vld [tilespmem:s29+$0xB230]  }
0x109: {  	v27 =	vmul.bf16 v33, v32;
	v33 =	vld [tilespmem:$0x1FC40]  }
0x10a: {  	v32 =	vld [tilespmem:s29+$0x9EB0]  }
0x10b: {  	v2 =	vmul.bf16 v2, v56;
	v56 =	vmul.bf16 v18, v15;
	v18 =	vld [tilespmem:$0x1FF10]  }
0x10c: {  	v0 =	vmul.bf16 v0, v8;
	[tilespmem:$0x1FDB0] =	vst v34;
	v34 =	vld [tilespmem:s29+$0x9FA0]  }
0x10d: {  	v8 =	vld [tilespmem:s29+$0xB130]  }
0x10e: {  	v0 =	vadd.bf16 v27, v0;
	v27 =	vld [tilespmem:s29+$0xB270]  }
0x10f: {  	v36 =	vld [tilespmem:$0x1FC60]  }
0x110: {  	v39 =	vld [tilespmem:$0x1FC80]  }
0x111: {  	[tilespmem:$0x1FDC0] =	vst v34;
	v34 =	vld [tilespmem:s29+$0xB3A0]  }
0x112: {  	v19 =	vadd.bf16 v60, v51;
	v23 =	vmul.bf16 v29, v62;
	v51 =	vld [tilespmem:$0x1FCA0]  }
0x113: {  	v21 =	vadd.bf16 v61, v52;
	v52 =	vld [tilespmem:$0x1FCB0]  }
0x114: {  	v23 =	vadd.bf16 v23, v54;
	v54 =	vld [tilespmem:$0x1FCC0]  }
0x115: {  	v24 =	vadd.bf16 v63, v55;
	v55 =	vld [tilespmem:$0x1FCD0]  }
0x116: {  	[tilespmem:$0x1FDD0] =	vst v34;
	v34 =	vld [tilespmem:s29+$0x9FE0]  }
0x117: {  	v57 =	vld [tilespmem:$0x1FCE0]  }
0x118: {  	v58 =	vld [tilespmem:$0x1FCF0]  }
0x119: {  	v59 =	vld [tilespmem:$0x1FD00]  }
0x11a: {  	v60 =	vld [tilespmem:$0x1FD10]  }
0x11b: {  	[tilespmem:$0x1FDE0] =	vst v34;
	v34 =	vld [tilespmem:$0x1FC10]  }
0x11c: {  	v61 =	vld [tilespmem:$0x1FD20]  }
0x11d: {  	v62 =	vld [tilespmem:$0x1FD30]  }
0x11e: {  	v63 =	vld [tilespmem:$0x1FD40]  }
0x11f: {  	v31 =	vmul.bf16 v52, v51;
	v51 =	vld [tilespmem:$0x1FD60]  }
0x120: {  	v52 =	vld [tilespmem:$0x1FD70];
	v34 =	vmul.bf16 v35, v34  }
0x121: {  	v35 =	vld [tilespmem:s29+$0xB3E0]  }
0x122: {  	v1 =	vadd.bf16 v1, v34;
	v34 =	vmul.bf16 v11, v10;
	v10 =	vld [tilespmem:s29+$0x9D70]  }
0x123: {  	v11 =	vadd.bf16 v37, v43;
	v37 =	vld [tilespmem:$0x1FC70]  }
0x124: {  	v43 =	vld [tilespmem:$0x1FE60]  }
0x125: {  	v7 =	vadd.bf16 v34, v40;
	v34 =	vld [tilespmem:$0x1FC50]  }
0x126: {  	v40 =	vld [tilespmem:$0x1FC90]  }
0x127: {  	v7 =	vadd.bf16 v31, v7;
	v31 =	vld [tilespmem:s29+$0x9EF0]  }
0x128: {  	v1 =	vadd.bf16 v26, v1;
	v26 =	vmul.bf16 v37, v36;
	v37 =	vld [tilespmem:s29+$0x9F30]  }
0x129: {  	v36 =	vmul.bf16 v52, v51;
	v52 =	vld [tilespmem:s29+$0xB3B0]  }
0x12a: {  	v51 =	vmul.bf16 v53, v50;
	v53 =	vld [tilespmem:s29+$0x9FF0]  }
0x12b: {  	v29 =	vmul.bf16 v34, v33;
	v34 =	vld [tilespmem:s29+$0xB2B0]  }
0x12c: {  	v4 =	vadd.bf16 v26, v4;
	v26 =	vmul.bf16 v55, v54;
	v54 =	vld [tilespmem:$0x1FD80]  }
0x12d: {  	v55 =	vld [tilespmem:$0x1FD90]  }
0x12e: {  	v33 =	vmul.bf16 v58, v57;
	v57 =	vld [tilespmem:$0x1FDA0]  }
0x12f: {  	v5 =	vmul.bf16 v8, v5;
	v58 =	vld [tilespmem:$0x1FDB0];
	v17 =	vadd.bf16 v36, v17  }
0x130: {  	v36 =	vld [tilespmem:s29+$0x9F70];
	v3 =	vadd.bf16 v29, v3;
	v29 =	vmul.bf16 v40, v39;
	v9 =	vadd.bf16 v26, v9  }
0x131: {  	v11 =	vadd.bf16 v33, v11;
	v26 =	vmul.bf16 v62, v61;
	v40 =	vld [tilespmem:$0x1FD50];
	v62 =	vmul.bf16 v41, v38  }
0x132: {  	v61 =	vld [tilespmem:$0x1FDE0];
	v2 =	vadd.bf16 v2, v4;
	v6 =	vadd.bf16 v29, v6;
	v29 =	vmul.bf16 v60, v59  }
0x133: {  	v14 =	vadd.bf16 v26, v14;
	v59 =	vld [tilespmem:$0x1FDC0];
	v0 =	vadd.bf16 v62, v0;
	v26 =	vmul.bf16 v55, v54  }
0x134: {  	v60 =	vld [tilespmem:$0x1FDD0];
	v3 =	vadd.bf16 v51, v3;
	v39 =	vmul.bf16 v58, v57;
	v54 =	vmul.bf16 v12, v10  }
0x135: {  	v33 =	vld [tilespmem:s29+$0xB2F0];
	v57 =	vmul.bf16 v22, v20;
	v62 =	vmul.bf16 v34, v32;
	v13 =	vadd.bf16 v29, v13  }
0x136: {  	v5 =	vadd.bf16 v5, v6;
	v6 =	vadd.bf16 v56, v9;
	v29 =	vmul.bf16 v40, v63;
	v40 =	vld [tilespmem:s29+$0xB330]  }
0x137: {  	v38 =	vld [tilespmem:$0x1FE10];
	v19 =	vadd.bf16 v26, v19;
	v21 =	vadd.bf16 v39, v21;
	v26 =	vmul.bf16 v35, v61  }
0x138: {  	v63 =	vmul.bf16 v47, v44;
	v39 =	vld [tilespmem:s29+$0x9FB0];
	v4 =	vadd.bf16 v54, v7;
	v9 =	vadd.bf16 v57, v11  }
0x139: {  	v55 =	vld [tilespmem:s29+$0xB3F0];
	v16 =	vadd.bf16 v29, v16;
	v29 =	vmul.bf16 v60, v59;
	v24 =	vadd.bf16 v26, v24  }
0x13a: {  	v35 =	vld [tilespmem:s29+$0xB370];
	v1 =	vadd.bf16 v63, v1;
	v59 =	vmul.bf16 v28, v25;
	v60 =	vmul.bf16 v27, v30  }
0x13b: {  	v63 =	vmul.bf16 v33, v31;
	v23 =	vadd.bf16 v29, v23;
	v34 =	vmul.bf16 v40, v37;
	v37 =	vld [tilespmem:$0x1FE00]  }
0x13c: {  	v51 =	vld [tilespmem:$0x1FE40];
	v44 =	vlaneseq.u32;
	v7 =	vadd.bf16 v59, v13;
	v12 =	vadd.bf16 v60, v14  }
0x13d: {  	v11 =	vadd.bf16 v62, v16;
	v13 =	vadd.bf16 v63, v17;
	v50 =	vmul.bf16 v52, v39;
	v52 =	vld [tilespmem:$0x1FE20]  }
0x13e: {  	v62 =	vunpack.i.u.bf16.f32 v1;
	v1 =	vunpack.i.l.bf16.f32 v1;
	v63 =	vunpack.i.u.bf16.f32 v3;
	v40 =	vld [tilespmem:$0x1FE30]  }
0x13f: {  	v22 =	vld [tilespmem:$0x1FF50];
	v3 =	vunpack.i.l.bf16.f32 v3;
	v35 =	vmul.bf16 v35, v36;
	v1 =	vadd.f32 v1, v62  }
0x140: {  	v58 =	vld [tilespmem:s29+$0xA030];
	v8 =	vmul.bf16 v55, v53;
	v3 =	vadd.f32 v3, v63;
	v53 =	vadd.bf16 v34, v19  }
0x141: {  	v61 =	vld [tilespmem:s29+$0xB430];
	v55 =	vadd.bf16 v35, v21;
	v34 =	vunpack.i.u.bf16.f32 v2;
	v2 =	vunpack.i.l.bf16.f32 v2  }
0x142: {  	[tilespmem:v44+s20+$0x0] =	vst.idx.msk $0xffff, v1;
	v35 =	vld [tilespmem:$0x1FE80];
	v1 =	vadd.f32 v2, v34;
	v2 =	vunpack.i.u.bf16.f32 v5;
	v5 =	vunpack.i.l.bf16.f32 v5  }
0x143: {  	v32 =	vld [tilespmem:$0x1FFE0];
	v2 =	vadd.f32 v5, v2;
	[tilespmem:v37+s20+$0x0] =	vst.idx.msk $0xffff, v3;
	v3 =	vunpack.i.u.bf16.f32 v4;
	v4 =	vunpack.i.l.bf16.f32 v4  }
0x144: {  	v56 =	vld [tilespmem:$0x1FF40];
	v36 =	vunpack.i.l.bf16.f32 v6;
	[tilespmem:v38+s20+$0x0] =	vst.idx.msk $0xffff, v1;
	v1 =	vadd.f32 v4, v3;
	v3 =	vunpack.i.u.bf16.f32 v6  }
0x145: {  	v47 =	vld [tilespmem:$0x1FEC0];
	v37 =	vunpack.i.l.bf16.f32 v9;
	[tilespmem:v52+s20+$0x0] =	vst.idx.msk $0xffff, v2;
	v2 =	vadd.f32 v36, v3;
	v3 =	vunpack.i.u.bf16.f32 v9  }
0x146: {  	v26 =	vld [tilespmem:$0x1FEA0];
	v38 =	vunpack.i.l.bf16.f32 v7;
	[tilespmem:v40+s20+$0x0] =	vst.idx.msk $0xffff, v1;
	v1 =	vadd.f32 v37, v3;
	v3 =	vunpack.i.u.bf16.f32 v7  }
0x147: {  	v54 =	vld [tilespmem:$0x1FF20];
	v39 =	vunpack.i.l.bf16.f32 v12;
	[tilespmem:v51+s20+$0x0] =	vst.idx.msk $0xffff, v2;
	v2 =	vadd.f32 v38, v3;
	v3 =	vunpack.i.u.bf16.f32 v12  }
0x148: {  	v57 =	vld [tilespmem:$0x1FF30];
	v40 =	vunpack.i.l.bf16.f32 v11;
	[tilespmem:v42+s20+$0x0] =	vst.idx.msk $0xffff, v1;
	v1 =	vadd.f32 v39, v3;
	v3 =	vunpack.i.u.bf16.f32 v11  }
0x149: {  	v28 =	vld [tilespmem:$0x1FFB0];
	v15 =	vmul.bf16 v61, v58;
	[tilespmem:v43+s20+$0x0] =	vst.idx.msk $0xffff, v2;
	v2 =	vadd.f32 v40, v3  }
0x14a: {  	v25 =	vld [tilespmem:$0x1FF80];
	v8 =	vadd.bf16 v8, v24;
	v41 =	vunpack.i.l.bf16.f32 v13;
	[tilespmem:v35+s20+$0x0] =	vst.idx.msk $0xffff, v1  }
0x14b: {  	v58 =	vadd.bf16 v50, v23;
	v0 =	vadd.bf16 v15, v0;
	v3 =	vunpack.i.u.bf16.f32 v13;
	[tilespmem:v45+s20+$0x0] =	vst.idx.msk $0xffff, v2;
	v45 =	vld [tilespmem:$0x1FEF0]  }
0x14c: {  	v60 =	vld [tilespmem:$0x1FF00];
	v42 =	vunpack.i.l.bf16.f32 v53;
	v1 =	vadd.f32 v41, v3;
	v3 =	vunpack.i.u.bf16.f32 v53  }
0x14d: {  	v30 =	vld [tilespmem:$0x1FFC0];
	v43 =	vunpack.i.l.bf16.f32 v55;
	v2 =	vadd.f32 v42, v3;
	v3 =	vunpack.i.u.bf16.f32 v55  }
0x14e: {  	v27 =	vld [tilespmem:$0x1FF90];
	v44 =	vunpack.i.l.bf16.f32 v58;
	[tilespmem:v26+s20+$0x0] =	vst.idx.msk $0xffff, v1;
	v1 =	vadd.f32 v43, v3;
	v3 =	vunpack.i.u.bf16.f32 v58  }
0x14f: {  	v33 =	vld [tilespmem:$0x1FFF0];
	[tilespmem:v46+s20+$0x0] =	vst.idx.msk $0xffff, v2;
	v2 =	vadd.f32 v44, v3;
	v3 =	vunpack.i.u.bf16.f32 v8;
	v46 =	vunpack.i.l.bf16.f32 v8  }
0x150: {  	v31 =	vld [tilespmem:$0x1FFD0];
	[tilespmem:v47+s20+$0x0] =	vst.idx.msk $0xffff, v1;
	v1 =	vadd.f32 v46, v3;
	v3 =	vunpack.i.u.bf16.f32 v0;
	v0 =	vunpack.i.l.bf16.f32 v0  }
0x151: {  	v29 =	vld [tilespmem:$0x1FFA0];
	[tilespmem:v48+s20+$0x0] =	vst.idx.msk $0xffff, v2;
	v0 =	vadd.f32 v0, v3  }
0x152: {  	v59 =	vld [tilespmem:$0x1FF60];
	[tilespmem:v49+s20+$0x0] =	vst.idx.msk $0xffff, v1  }
0x153: {  	v61 =	vld [tilespmem:$0x1FF70];
	[tilespmem:v45+s20+$0x0] =	vst.idx.msk $0xffff, v0  }
0x154: {  	v0 =	vld.idx.msk [tilespmem:v60+s20+$0x0], $0xffff  }
0x155: {  	v1 =	vld.idx.msk [tilespmem:v18+s20+$0x0], $0xffff  }
0x156: {  	v2 =	vld.idx.msk [tilespmem:v54+s20+$0x0], $0xffff  }
0x157: {  	v3 =	vld.idx.msk [tilespmem:v57+s20+$0x0], $0xffff  }
0x158: {  	v47 =	vld.idx.msk [tilespmem:v56+s20+$0x0], $0xffff  }
0x159: {  	v48 =	vld.idx.msk [tilespmem:v22+s20+$0x0], $0xffff  }
0x15a: {  	v49 =	vld.idx.msk [tilespmem:v59+s20+$0x0], $0xffff  }
0x15b: {  	v50 =	vld.idx.msk [tilespmem:v61+s20+$0x0], $0xffff  }
0x15c: {  	v51 =	vld.idx.msk [tilespmem:v25+s20+$0x0], $0xffff  }
0x15d: {  	v52 =	vld.idx.msk [tilespmem:v27+s20+$0x0], $0xffff  }
0x15e: {  	v53 =	vld.idx.msk [tilespmem:v29+s20+$0x0], $0xffff  }
0x15f: {  	v54 =	vld.idx.msk [tilespmem:v28+s20+$0x0], $0xffff  }
0x160: {  	v55 =	vld.idx.msk [tilespmem:v30+s20+$0x0], $0xffff  }
0x161: {  	v56 =	vld.idx.msk [tilespmem:v31+s20+$0x0], $0xffff  }
0x162: {  	v57 =	vld.idx.msk [tilespmem:v32+s20+$0x0], $0xffff  }
0x163: {  	v58 =	vld.idx.msk [tilespmem:v33+s20+$0x0], $0xffff;
	_ =	sdelay $0x1  }
0x164: {  	v0 =	vadd.f32 v1, v0;
	v1 =	vadd.f32 v3, v2  }
0x165: {  	v2 =	vadd.f32 v48, v47;
	v3 =	vadd.f32 v50, v49  }
0x166: {  	v59 =	vadd.f32 v52, v51;
	v60 =	vadd.f32 v54, v53  }
0x167: {  	v61 =	vadd.f32 v56, v55;
	v62 =	vadd.f32 v58, v57  }
0x168: {  	v0 =	vadd.f32 v1, v0;
	v1 =	vadd.f32 v3, v2  }
0x169: {  	v2 =	vadd.f32 v60, v59;
	v3 =	vadd.f32 v62, v61  }
0x16a: {  	v63 =	vld [tilespmem:$0x1FE70]  }
0x16b: {  	v0 =	vadd.f32 v1, v0;
	v1 =	vadd.f32 v3, v2;
	_ =	sdelay $0x1  }
0x16c: {  	v0 =	vadd.f32 v1, v0;
	_ =	sdelay $0x1  }
0x16d: {  	v0 =	vmul.f32 v0, v63;
	_ =	sdelay $0x1  }
0x16e: {  	v1 =	vand.u32 $0x7FFFFFFF, v0  }
0x16f: {  	v1 =	vsub.f32 $0.0e+00, v1;
	_ =	sdelay $0x1  }
0x170: {  	v1 =	vmul.f32 $1.442695020e+00, v1;
	_ =	sdelay $0x1  }
0x171: {  	(erf) = vpow2.f32 v1;
	_ =	sdelay $0x8  }
0x172: {  	v1 =	vpop (erf)  }
0x173: {  	v2 =	vadd.f32 $2.000000000e+00, v1;
	_ =	sdelay $0x1  }
0x174: {  	(erf) = vrcp.f32 v2;
	_ =	sdelay $0x8  }
0x175: {  	v2 =	vpop (erf)  }
0x176: {  	v1 =	vmul.f32 v2, v1;
	_ =	sdelay $0x1  }
0x177: {  	v2 =	vmul.f32 v1, v1;
	_ =	sdelay $0x1  }
0x178: {  	v3 =	vmul.f32 $1.111111120e-01, v2;
	_ =	sdelay $0x1  }
0x179: {  	v3 =	vadd.f32 $1.428571490e-01, v3;
	_ =	sdelay $0x1  }
0x17a: {  	v3 =	vmul.f32 v3, v2;
	_ =	sdelay $0x1  }
0x17b: {  	v3 =	vadd.f32 $2.000000030e-01, v3;
	_ =	sdelay $0x1  }
0x17c: {  	v3 =	vmul.f32 v3, v2;
	_ =	sdelay $0x1  }
0x17d: {  	v3 =	vadd.f32 $3.333333430e-01, v3;
	_ =	sdelay $0x1  }
0x17e: {  	v2 =	vmul.f32 v3, v2;
	_ =	sdelay $0x1  }
0x17f: {  	v1 =	vadd.f32 v1, v1;
	v2 =	vadd.f32 $1.000000000e+00, v2;
	_ =	sdelay $0x1  }
0x180: {  	v1 =	vmul.f32 v2, v1  }
0x181: {  	v0 =	vmax.f32 v0, $0.0e+00  }
0x182: {  	v0 =	vadd.f32 v1, v0;
	v1 =	vld [tilespmem:$0x1FDF0];
	_ =	sdelay $0x2  }
0x183: {  	p0 =	sne.s32 s28, $0x4000  }
.Ltmp0:
0x184: {  	_ = 	snop;
	(pc) =	sbr.rel @p0 .LBB2_3-.Ltmp0, $3  }
0x185: {  	v1 =	vadd.f32 v0, v1;
	_ =	sdelay $0x1  }
0x186: {  	[tilespmem:$0x1FDF0] =	vst v1  }
0x187: {  	s28 =	sadd.s32 $0x1000, s28;
	v0 =	vld [tilespmem:$0x1FDF0]  }
0x188: {  	p0 =	seq.s32 s25, $0x7C  }
0x189: {  	s28 =	sadd.s32 @!p0 $0xA0, s26;
	s29 =	simm.s32 @!p0 $0x50;
	s30 =	simm.s32 @!p0 $0x9C40  }
0x18a: {  	[tilespmem:s30], [sflag:$0x1] =	stream.indirect.gather @!p0 [spmem:s2], $0x40, s28, s29, $0xb8;
	[tilespmem:$0x18990] =	vst v63  }
0x18b: {  	s26 =	sadd.s32 @!p0 $0x4EC0, s26;
	s28 =	simm.s32 @!p0 $0xB040  }
0x18c: {  	[tilespmem:s28], [sflag:$0x2] =	stream.indirect.gather @!p0 [spmem:s2], $0x40, s26, s29, $0xb8;
	[tilespmem:$0x18990] =	vst v63  }
0x18d: {  	_ =	swait.ge [sflag:s21], $0x1400  }
0x18e: {  	[sflag:s21] =	ssyncset.done $0x0  }
0x18f: {  	[sflag:s21] =	ssyncadd.s32 $0xFFFFEC00  }
0x190: {  	_ =	swait.ge [sflag:s22], $0x1400  }
0x191: {  	[sflag:s22] =	ssyncset.done $0x0  }
0x192: {  	s26 =	simm.s32 $0x0;
	[sflag:s22] =	ssyncadd.s32 $0xFFFFEC00  }
.LBB2_5:
0x193: {  	s28 =	sshra.s32 s26, $0x2  }
0x194: {  	v58 =	vld [tilespmem:s28+$0xC4A0];
	_ =	sdelay $0x4  }
0x195: {  	[tilespmem:$0x1FA50] =	vst v58;
	v58 =	vld [tilespmem:s28+$0xD8A0];
	_ =	sdelay $0x4  }
0x196: {  	[tilespmem:$0x1FA60] =	vst v58;
	v58 =	vld [tilespmem:s28+$0xC4E0]  }
0x197: {  	v1 =	vld [tilespmem:s28+$0xD840]  }
0x198: {  	v3 =	vld [tilespmem:s28+$0xD880]  }
0x199: {  	v4 =	vld [tilespmem:s28+$0xC4C0]  }
0x19a: {  	v5 =	vld [tilespmem:s28+$0xD8C0]  }
0x19b: {  	[tilespmem:$0x1FA70] =	vst v58;
	v58 =	vld [tilespmem:s28+$0xD8E0]  }
0x19c: {  	v6 =	vld [tilespmem:s28+$0xC500]  }
0x19d: {  	v7 =	vld [tilespmem:s28+$0xD900]  }
0x19e: {  	v8 =	vld [tilespmem:s28+$0xC540]  }
0x19f: {  	v9 =	vld [tilespmem:s28+$0xD940]  }
0x1a0: {  	[tilespmem:$0x1FA80] =	vst v58;
	v58 =	vld [tilespmem:s28+$0xC520]  }
0x1a1: {  	v10 =	vld [tilespmem:s28+$0xC580]  }
0x1a2: {  	v11 =	vld [tilespmem:s28+$0xD980]  }
0x1a3: {  	v12 =	vld [tilespmem:s28+$0xC5C0]  }
0x1a4: {  	v13 =	vld [tilespmem:s28+$0xD9C0]  }
0x1a5: {  	[tilespmem:$0x1FA90] =	vst v58;
	v58 =	vld [tilespmem:s28+$0xD920]  }
0x1a6: {  	v14 =	vld [tilespmem:s28+$0xC600]  }
0x1a7: {  	v15 =	vld [tilespmem:s28+$0xDA00]  }
0x1a8: {  	v16 =	vld [tilespmem:s28+$0xC640]  }
0x1a9: {  	v17 =	vld [tilespmem:s28+$0xDA40]  }
0x1aa: {  	[tilespmem:$0x1FAA0] =	vst v58;
	v58 =	vld [tilespmem:s28+$0xC560]  }
0x1ab: {  	v18 =	vld [tilespmem:s28+$0xC680]  }
0x1ac: {  	v19 =	vld [tilespmem:s28+$0xDA80]  }
0x1ad: {  	v20 =	vld [tilespmem:s28+$0xC6C0]  }
0x1ae: {  	v21 =	vld [tilespmem:s28+$0xDAC0]  }
0x1af: {  	[tilespmem:$0x1FAB0] =	vst v58;
	v58 =	vld [tilespmem:s28+$0xD960]  }
0x1b0: {  	v22 =	vld [tilespmem:s28+$0xC700]  }
0x1b1: {  	v23 =	vld [tilespmem:s28+$0xDB00]  }
0x1b2: {  	v24 =	vld [tilespmem:s28+$0xC740]  }
0x1b3: {  	v25 =	vld [tilespmem:s28+$0xDB40]  }
0x1b4: {  	[tilespmem:$0x1FAC0] =	vst v58;
	v58 =	vld [tilespmem:s28+$0xC5A0]  }
0x1b5: {  	v26 =	vld [tilespmem:s28+$0xC780]  }
0x1b6: {  	v27 =	vld [tilespmem:s28+$0xDB80]  }
0x1b7: {  	v28 =	vld [tilespmem:s28+$0xC7C0]  }
0x1b8: {  	v29 =	vld [tilespmem:s28+$0xDBC0]  }
0x1b9: {  	[tilespmem:$0x1FAD0] =	vst v58;
	v58 =	vld [tilespmem:s28+$0xD9A0]  }
0x1ba: {  	v30 =	vld [tilespmem:s28+$0xC800]  }
0x1bb: {  	v31 =	vld [tilespmem:s28+$0xDC00]  }
0x1bc: {  	v32 =	vld [tilespmem:s28+$0xC450]  }
0x1bd: {  	v33 =	vld [tilespmem:s28+$0xD850]  }
0x1be: {  	[tilespmem:$0x1FAE0] =	vst v58;
	v58 =	vld [tilespmem:s28+$0xC5E0]  }
0x1bf: {  	v34 =	vld [tilespmem:s28+$0xC490]  }
0x1c0: {  	v35 =	vld [tilespmem:s28+$0xD890]  }
0x1c1: {  	v36 =	vld [tilespmem:s28+$0xC4D0]  }
0x1c2: {  	v37 =	vld [tilespmem:s28+$0xD8D0]  }
0x1c3: {  	[tilespmem:$0x1FAF0] =	vst v58;
	v58 =	vld [tilespmem:s28+$0xD9E0]  }
0x1c4: {  	v38 =	vld [tilespmem:s28+$0xC510]  }
0x1c5: {  	v39 =	vld [tilespmem:s28+$0xD910]  }
0x1c6: {  	v40 =	vld [tilespmem:s28+$0xC550]  }
0x1c7: {  	v41 =	vld [tilespmem:s28+$0xD950]  }
0x1c8: {  	[tilespmem:$0x1FB00] =	vst v58;
	v58 =	vld [tilespmem:s28+$0xC620]  }
0x1c9: {  	v42 =	vld [tilespmem:s28+$0xC590]  }
0x1ca: {  	v43 =	vld [tilespmem:s28+$0xD990]  }
0x1cb: {  	v44 =	vld [tilespmem:s28+$0xC5D0]  }
0x1cc: {  	v45 =	vld [tilespmem:s28+$0xD9D0]  }
0x1cd: {  	[tilespmem:$0x1FB10] =	vst v58;
	v58 =	vld [tilespmem:s28+$0xDA20]  }
0x1ce: {  	v46 =	vld [tilespmem:s28+$0xC610]  }
0x1cf: {  	v47 =	vld [tilespmem:s28+$0xDA10]  }
0x1d0: {  	v48 =	vld [tilespmem:s28+$0xC650]  }
0x1d1: {  	v49 =	vld [tilespmem:s28+$0xDA50]  }
0x1d2: {  	[tilespmem:$0x1FB20] =	vst v58;
	v58 =	vld [tilespmem:s28+$0xC660]  }
0x1d3: {  	v50 =	vld [tilespmem:s28+$0xC690]  }
0x1d4: {  	v51 =	vld [tilespmem:s28+$0xDA90]  }
0x1d5: {  	v52 =	vld [tilespmem:s28+$0xC6D0]  }
0x1d6: {  	v53 =	vld [tilespmem:s28+$0xDAD0]  }
0x1d7: {  	[tilespmem:$0x1FB30] =	vst v58;
	v58 =	vld [tilespmem:s28+$0xDA60]  }
0x1d8: {  	v54 =	vld [tilespmem:s28+$0xC710]  }
0x1d9: {  	v55 =	vld [tilespmem:s28+$0xDB10]  }
0x1da: {  	v56 =	vld [tilespmem:s28+$0xC750]  }
0x1db: {  	v57 =	vld [tilespmem:s28+$0xDB50]  }
0x1dc: {  	[tilespmem:$0x1FB40] =	vst v58;
	v58 =	vld [tilespmem:s28+$0xC6A0]  }
0x1dd: {  	v59 =	vld [tilespmem:s28+$0xDB90]  }
0x1de: {  	v60 =	vld [tilespmem:s28+$0xC7D0]  }
0x1df: {  	v61 =	vld [tilespmem:s28+$0xDBD0]  }
0x1e0: {  	v62 =	vld [tilespmem:s28+$0xC810]  }
0x1e1: {  	[tilespmem:$0x1FB50] =	vst v58;
	v58 =	vld [tilespmem:s28+$0xDAA0]  }
0x1e2: {  	v63 =	vld [tilespmem:s28+$0xDC10]  }
0x1e3: {  	v2 =	vld [tilespmem:s28+$0xC460]  }
0x1e4: {  	[tilespmem:$0x1FDF0] =	vst v0;
	v0 =	vld [tilespmem:s28+$0xC440]  }
0x1e5: {  	v4 =	vmul.bf16 v5, v4;
	v5 =	vld [tilespmem:s28+$0xC820]  }
0x1e6: {  	[tilespmem:$0x1FB60] =	vst v58;
	v58 =	vld [tilespmem:s28+$0xC6E0]  }
0x1e7: {  	v6 =	vmul.bf16 v7, v6;
	v7 =	vmul.bf16 v9, v8;
	v8 =	vld [tilespmem:s28+$0xDC20]  }
0x1e8: {  	v9 =	vmul.bf16 v11, v10;
	v11 =	vld [tilespmem:s28+$0xC470]  }
0x1e9: {  	v10 =	vmul.bf16 v13, v12;
	v12 =	vmul.bf16 v15, v14;
	v14 =	vld [tilespmem:s28+$0xD870]  }
0x1ea: {  	v13 =	vmul.bf16 v17, v16;
	v17 =	vld [tilespmem:s28+$0xC4B0]  }
0x1eb: {  	[tilespmem:$0x1FB70] =	vst v58;
	v58 =	vld [tilespmem:s28+$0xDAE0]  }
0x1ec: {  	v16 =	vmul.bf16 v21, v20;
	v20 =	vld [tilespmem:s28+$0xD8B0]  }
0x1ed: {  	v15 =	vmul.bf16 v19, v18;
	v18 =	vmul.bf16 v23, v22;
	v23 =	vld [tilespmem:s28+$0xC4F0]  }
0x1ee: {  	v21 =	vmul.bf16 v27, v26;
	v26 =	vld [tilespmem:s28+$0xD8F0]  }
0x1ef: {  	v22 =	vmul.bf16 v29, v28;
	v29 =	vld [tilespmem:s28+$0xC530]  }
0x1f0: {  	[tilespmem:$0x1FB80] =	vst v58;
	v58 =	vld [tilespmem:s28+$0xC720]  }
0x1f1: {  	v34 =	vmul.bf16 v35, v34;
	v35 =	vmul.bf16 v37, v36;
	v28 =	vld [tilespmem:s28+$0xC570]  }
0x1f2: {  	v37 =	vmul.bf16 v41, v40;
	v40 =	vmul.bf16 v47, v46;
	v47 =	vld [tilespmem:$0x1FEC0]  }
0x1f3: {  	v46 =	vld [tilespmem:$0x1FEB0]  }
0x1f4: {  	v41 =	vmul.bf16 v49, v48;
	v49 =	vld [tilespmem:$0x1FEE0]  }
0x1f5: {  	[tilespmem:$0x1FB90] =	vst v58;
	v58 =	vld [tilespmem:s28+$0xDB20]  }
0x1f6: {  	v48 =	vld [tilespmem:$0x1FED0]  }
0x1f7: {  	v33 =	vmul.bf16 v33, v32;
	v32 =	vld [tilespmem:s28+$0xC5F0]  }
0x1f8: {  	[tilespmem:$0x1FA20] =	vst v0;
	v0 =	vld [tilespmem:s28+$0xC480]  }
0x1f9: {  	v19 =	vmul.bf16 v25, v24;
	v25 =	vld [tilespmem:s28+$0xDA70]  }
0x1fa: {  	v36 =	vmul.bf16 v39, v38;
	[tilespmem:$0x1FBA0] =	vst v58;
	v58 =	vld [tilespmem:s28+$0xC760]  }
0x1fb: {  	v38 =	vmul.bf16 v43, v42;
	v43 =	vmul.bf16 v53, v52;
	v53 =	vld [tilespmem:$0x1FA50]  }
0x1fc: {  	v4 =	vadd.bf16 v35, v4;
	v35 =	vld [tilespmem:s28+$0xD9B0]  }
0x1fd: {  	[tilespmem:$0x1FA30] =	vst v0;
	v0 =	vld [tilespmem:s28+$0xC790]  }
0x1fe: {  	v7 =	vadd.bf16 v37, v7;
	v37 =	vld [tilespmem:s28+$0xC630]  }
0x1ff: {  	v39 =	vmul.bf16 v45, v44;
	[tilespmem:$0x1FBB0] =	vst v58;
	v58 =	vld [tilespmem:s28+$0xDB60]  }
0x200: {  	v6 =	vadd.bf16 v36, v6;
	v36 =	vld [tilespmem:s28+$0xC670]  }
0x201: {  	v10 =	vadd.bf16 v39, v10;
	v39 =	vld [tilespmem:s28+$0xC6B0]  }
0x202: {  	[tilespmem:$0x1FA40] =	vst v0;
	v0 =	vld [tilespmem:s28+$0xD860]  }
0x203: {  	v13 =	vadd.bf16 v41, v13;
	v41 =	vld [tilespmem:s28+$0xDAB0]  }
0x204: {  	[tilespmem:$0x1FBC0] =	vst v58;
	v58 =	vld [tilespmem:s28+$0xC7A0]  }
0x205: {  	v16 =	vadd.bf16 v43, v16;
	v43 =	vld [tilespmem:s28+$0xC730]  }
0x206: {  	v44 =	vmul.bf16 v55, v54;
	v54 =	vld [tilespmem:$0x1FA60]  }
0x207: {  	v0 =	vmul.bf16 v0, v2;
	v2 =	vld [tilespmem:s28+$0xDA30]  }
0x208: {  	v42 =	vmul.bf16 v51, v50;
	v50 =	vld [tilespmem:$0x1FA40]  }
0x209: {  	[tilespmem:$0x1FBD0] =	vst v58;
	v58 =	vld [tilespmem:s28+$0xDBA0]  }
0x20a: {  	v55 =	vld [tilespmem:$0x1FA80]  }
0x20b: {  	v45 =	vmul.bf16 v57, v56;
	v56 =	vld [tilespmem:$0x1FA90]  }
0x20c: {  	v2 =	vmul.bf16 v2, v37;
	v37 =	vld [tilespmem:$0x1FE00]  }
0x20d: {  	v57 =	vld [tilespmem:$0x1FAA0]  }
0x20e: {  	[tilespmem:$0x1FBE0] =	vst v58;
	v58 =	vld [tilespmem:s28+$0xC7E0]  }
0x20f: {  	v27 =	vmul.bf16 v59, v50;
	v59 =	vld [tilespmem:$0x1FAC0]  }
0x210: {  	v51 =	vmul.bf16 v61, v60;
	v60 =	vld [tilespmem:$0x1FAD0]  }
0x211: {  	v61 =	vld [tilespmem:$0x1FAE0]  }
0x212: {  	v52 =	vmul.bf16 v63, v62;
	v62 =	vld [tilespmem:$0x1FAF0]  }
0x213: {  	[tilespmem:$0x1FBF0] =	vst v58;
	v58 =	vld [tilespmem:$0x1FA20]  }
0x214: {  	v63 =	vld [tilespmem:$0x1FB00]  }
0x215: {  	v18 =	vadd.bf16 v44, v18;
	v44 =	vld [tilespmem:$0x1FB10]  }
0x216: {  	v19 =	vadd.bf16 v45, v19;
	v45 =	vld [tilespmem:$0x1FB20]  }
0x217: {  	v50 =	vld [tilespmem:$0x1FB30]  }
0x218: {  	v1 =	vmul.bf16 v1, v58;
	v58 =	vld [tilespmem:s28+$0xDBE0]  }
0x219: {  	v22 =	vadd.bf16 v51, v22;
	v51 =	vld [tilespmem:$0x1FB40]  }
0x21a: {  	v21 =	vadd.bf16 v27, v21;
	v27 =	vmul.bf16 v54, v53;
	v53 =	vld [tilespmem:$0x1FB60];
	v1 =	vadd.bf16 v33, v1  }
0x21b: {  	v54 =	vld [tilespmem:$0x1FB70]  }
0x21c: {  	v0 =	vadd.bf16 v0, v1;
	v1 =	vld [tilespmem:$0x1FA70]  }
0x21d: {  	[tilespmem:$0x1FC00] =	vst v58;
	v58 =	vld [tilespmem:$0x1FA30]  }
0x21e: {  	v12 =	vadd.bf16 v40, v12;
	v40 =	vmul.bf16 v63, v62;
	v62 =	vld [tilespmem:$0x1FBF0]  }
0x21f: {  	v33 =	vld [tilespmem:s28+$0xC5B0]  }
0x220: {  	v63 =	vld [tilespmem:$0x1FC00]  }
0x221: {  	v1 =	vmul.bf16 v55, v1;
	v55 =	vld [tilespmem:$0x1FB80]  }
0x222: {  	v3 =	vmul.bf16 v3, v58;
	v58 =	vmul.bf16 v31, v30;
	v31 =	vld [tilespmem:s28+$0xD930]  }
0x223: {  	v30 =	vld [tilespmem:s28+$0xD970]  }
0x224: {  	v1 =	vadd.bf16 v1, v4;
	v4 =	vmul.bf16 v61, v60;
	v60 =	vld [tilespmem:$0x1FBD0]  }
0x225: {  	v61 =	vld [tilespmem:$0x1FBE0]  }
0x226: {  	v3 =	vadd.bf16 v34, v3;
	v34 =	vld [tilespmem:s28+$0xD9F0]  }
0x227: {  	v9 =	vadd.bf16 v38, v9;
	v24 =	vadd.bf16 v52, v58;
	v58 =	vld [tilespmem:$0x1FAB0]  }
0x228: {  	v52 =	vld [tilespmem:$0x1FB50]  }
0x229: {  	v4 =	vadd.bf16 v4, v9;
	v9 =	vadd.bf16 v40, v10;
	v40 =	vld [tilespmem:s28+$0xDAF0]  }
0x22a: {  	v10 =	vmul.bf16 v51, v50;
	v50 =	vmul.bf16 v14, v11;
	v11 =	vld [tilespmem:s28+$0xC7B0]  }
0x22b: {  	v51 =	vmul.bf16 v26, v23;
	v26 =	vld [tilespmem:$0x1FEA0]  }
0x22c: {  	v3 =	vadd.bf16 v27, v3;
	v27 =	vmul.bf16 v57, v56;
	v56 =	vld [tilespmem:$0x1FB90]  }
0x22d: {  	v5 =	vmul.bf16 v8, v5;
	v57 =	vld [tilespmem:$0x1FBA0]  }
0x22e: {  	v15 =	vadd.bf16 v42, v15;
	v42 =	vmul.bf16 v55, v54;
	v54 =	vld [tilespmem:s28+$0xC7F0]  }
0x22f: {  	v17 =	vmul.bf16 v20, v17;
	v5 =	vadd.bf16 v5, v24;
	v55 =	vmul.bf16 v30, v28;
	v30 =	vld [tilespmem:$0x1FFC0]  }
0x230: {  	v10 =	vadd.bf16 v10, v13;
	v28 =	vld [tilespmem:$0x1FFB0];
	v6 =	vadd.bf16 v27, v6;
	v27 =	vmul.bf16 v45, v44  }
0x231: {  	v0 =	vadd.bf16 v50, v0;
	v1 =	vadd.bf16 v51, v1;
	v38 =	vmul.bf16 v59, v58;
	v58 =	vld [tilespmem:$0x1FBB0]  }
0x232: {  	v16 =	vadd.bf16 v42, v16;
	v59 =	vld [tilespmem:$0x1FBC0];
	v12 =	vadd.bf16 v27, v12;
	v27 =	vmul.bf16 v53, v52  }
0x233: {  	v45 =	vld [tilespmem:s28+$0xDB30];
	v3 =	vadd.bf16 v17, v3;
	v53 =	vmul.bf16 v31, v29;
	v7 =	vadd.bf16 v38, v7  }
0x234: {  	v52 =	vld [tilespmem:s28+$0xDBB0];
	v13 =	vmul.bf16 v57, v56;
	v57 =	vmul.bf16 v35, v33;
	v15 =	vadd.bf16 v27, v15  }
0x235: {  	v38 =	vld [tilespmem:s28+$0xC6F0];
	v27 =	vmul.bf16 v61, v60;
	v6 =	vadd.bf16 v53, v6;
	v60 =	vmul.bf16 v25, v36  }
0x236: {  	v56 =	vld [tilespmem:s28+$0xDBF0];
	v2 =	vadd.bf16 v2, v12;
	v36 =	vlaneseq.u32;
	v13 =	vadd.bf16 v13, v18  }
0x237: {  	v50 =	vld [tilespmem:$0x1FE50];
	v7 =	vadd.bf16 v55, v7;
	v4 =	vadd.bf16 v57, v4;
	v44 =	vmul.bf16 v59, v58  }
0x238: {  	v42 =	vld [tilespmem:s28+$0xC770];
	v21 =	vadd.bf16 v27, v21;
	v58 =	vmul.bf16 v34, v32;
	v10 =	vadd.bf16 v60, v10  }
0x239: {  	v61 =	vld [tilespmem:s28+$0xDC30];
	v34 =	vmul.bf16 v45, v43;
	v11 =	vmul.bf16 v52, v11;
	v18 =	vadd.bf16 v44, v19  }
0x23a: {  	v59 =	vld [tilespmem:s28+$0xC830];
	v19 =	vmul.bf16 v63, v62;
	v8 =	vadd.bf16 v58, v9;
	v62 =	vmul.bf16 v41, v39  }
0x23b: {  	v44 =	vld [tilespmem:s28+$0xDB70];
	v63 =	vmul.bf16 v40, v38;
	v52 =	vmul.bf16 v56, v54;
	v13 =	vadd.bf16 v34, v13  }
0x23c: {  	v38 =	vld [tilespmem:$0x1FE10];
	v34 =	vunpack.i.u.bf16.f32 v1;
	v11 =	vadd.bf16 v11, v21;
	v14 =	vadd.bf16 v19, v22  }
0x23d: {  	v39 =	vld [tilespmem:$0x1FE20];
	v1 =	vunpack.i.l.bf16.f32 v1;
	v9 =	vadd.bf16 v62, v15;
	v12 =	vadd.bf16 v63, v16  }
0x23e: {  	v40 =	vld [tilespmem:$0x1FE30];
	v62 =	vunpack.i.u.bf16.f32 v0;
	v0 =	vunpack.i.l.bf16.f32 v0;
	v63 =	vunpack.i.u.bf16.f32 v3  }
0x23f: {  	v41 =	vld [tilespmem:$0x1FE40];
	v3 =	vunpack.i.l.bf16.f32 v3;
	v57 =	vmul.bf16 v61, v59;
	v0 =	vadd.f32 v0, v62  }
0x240: {  	v51 =	vld [tilespmem:$0x1FF30];
	v3 =	vadd.f32 v3, v63;
	v14 =	vadd.bf16 v52, v14;
	v35 =	vmul.bf16 v44, v42  }
0x241: {  	v43 =	vld [tilespmem:$0x1FE60];
	[tilespmem:v36+s20+$0x0] =	vst.idx.msk $0xffff, v0;
	v0 =	vadd.f32 v1, v34;
	v1 =	vunpack.i.u.bf16.f32 v6;
	v6 =	vunpack.i.l.bf16.f32 v6  }
0x242: {  	v44 =	vld [tilespmem:$0x1FE80];
	v5 =	vadd.bf16 v57, v5;
	v1 =	vadd.f32 v6, v1  }
0x243: {  	v45 =	vld [tilespmem:$0x1FE90];
	[tilespmem:v37+s20+$0x0] =	vst.idx.msk $0xffff, v3;
	v3 =	vunpack.i.u.bf16.f32 v7;
	v37 =	vunpack.i.l.bf16.f32 v7;
	v55 =	vadd.bf16 v35, v18  }
0x244: {  	v31 =	vld [tilespmem:$0x1FFD0];
	[tilespmem:v38+s20+$0x0] =	vst.idx.msk $0xffff, v0;
	v0 =	vadd.f32 v37, v3;
	v3 =	vunpack.i.u.bf16.f32 v4;
	v4 =	vunpack.i.l.bf16.f32 v4  }
0x245: {  	v29 =	vld [tilespmem:$0x1FFA0];
	[tilespmem:v39+s20+$0x0] =	vst.idx.msk $0xffff, v1;
	v1 =	vadd.f32 v4, v3;
	v3 =	vunpack.i.u.bf16.f32 v8;
	v39 =	vunpack.i.l.bf16.f32 v8  }
0x246: {  	v33 =	vld [tilespmem:$0x1FFF0];
	[tilespmem:v40+s20+$0x0] =	vst.idx.msk $0xffff, v0;
	v0 =	vadd.f32 v39, v3;
	v3 =	vunpack.i.u.bf16.f32 v2;
	v2 =	vunpack.i.l.bf16.f32 v2  }
0x247: {  	v53 =	vld [tilespmem:$0x1FF50];
	[tilespmem:v41+s20+$0x0] =	vst.idx.msk $0xffff, v1;
	v1 =	vadd.f32 v2, v3;
	v2 =	vunpack.i.u.bf16.f32 v10;
	v3 =	vunpack.i.l.bf16.f32 v10  }
0x248: {  	v27 =	vld [tilespmem:$0x1FF90];
	[tilespmem:v50+s20+$0x0] =	vst.idx.msk $0xffff, v0;
	v0 =	vadd.f32 v3, v2;
	v2 =	vunpack.i.u.bf16.f32 v9;
	v3 =	vunpack.i.l.bf16.f32 v9  }
0x249: {  	v36 =	vld [tilespmem:$0x1FEF0];
	[tilespmem:v43+s20+$0x0] =	vst.idx.msk $0xffff, v1;
	v1 =	vadd.f32 v3, v2;
	v2 =	vunpack.i.u.bf16.f32 v12;
	v3 =	vunpack.i.l.bf16.f32 v12  }
0x24a: {  	v61 =	vld [tilespmem:$0x1FF00];
	[tilespmem:v44+s20+$0x0] =	vst.idx.msk $0xffff, v0;
	v0 =	vadd.f32 v3, v2;
	v2 =	vunpack.i.u.bf16.f32 v13;
	v3 =	vunpack.i.l.bf16.f32 v13  }
0x24b: {  	v56 =	vld [tilespmem:$0x1FF10];
	[tilespmem:v45+s20+$0x0] =	vst.idx.msk $0xffff, v1;
	v1 =	vadd.f32 v3, v2;
	v2 =	vunpack.i.u.bf16.f32 v55;
	v3 =	vunpack.i.l.bf16.f32 v55  }
0x24c: {  	v54 =	vld [tilespmem:$0x1FF20];
	[tilespmem:v26+s20+$0x0] =	vst.idx.msk $0xffff, v0;
	v0 =	vadd.f32 v3, v2;
	v2 =	vunpack.i.u.bf16.f32 v11;
	v3 =	vunpack.i.l.bf16.f32 v11  }
0x24d: {  	v32 =	vld [tilespmem:$0x1FFE0];
	[tilespmem:v46+s20+$0x0] =	vst.idx.msk $0xffff, v1;
	v1 =	vadd.f32 v3, v2;
	v2 =	vunpack.i.u.bf16.f32 v14;
	v3 =	vunpack.i.l.bf16.f32 v14  }
0x24e: {  	v60 =	vld [tilespmem:$0x1FF40];
	[tilespmem:v47+s20+$0x0] =	vst.idx.msk $0xffff, v0;
	v0 =	vadd.f32 v3, v2;
	v2 =	vunpack.i.u.bf16.f32 v5;
	v3 =	vunpack.i.l.bf16.f32 v5  }
0x24f: {  	v58 =	vld [tilespmem:$0x1FF80];
	[tilespmem:v48+s20+$0x0] =	vst.idx.msk $0xffff, v1;
	v1 =	vadd.f32 v3, v2  }
0x250: {  	v35 =	vld [tilespmem:$0x1FF60];
	[tilespmem:v49+s20+$0x0] =	vst.idx.msk $0xffff, v0  }
0x251: {  	v59 =	vld [tilespmem:$0x1FF70];
	[tilespmem:v36+s20+$0x0] =	vst.idx.msk $0xffff, v1  }
0x252: {  	v0 =	vld.idx.msk [tilespmem:v61+s20+$0x0], $0xffff  }
0x253: {  	v1 =	vld.idx.msk [tilespmem:v56+s20+$0x0], $0xffff  }
0x254: {  	v2 =	vld.idx.msk [tilespmem:v54+s20+$0x0], $0xffff  }
0x255: {  	v3 =	vld.idx.msk [tilespmem:v51+s20+$0x0], $0xffff  }
0x256: {  	v47 =	vld.idx.msk [tilespmem:v60+s20+$0x0], $0xffff  }
0x257: {  	v48 =	vld.idx.msk [tilespmem:v53+s20+$0x0], $0xffff  }
0x258: {  	v49 =	vld.idx.msk [tilespmem:v35+s20+$0x0], $0xffff  }
0x259: {  	v50 =	vld.idx.msk [tilespmem:v59+s20+$0x0], $0xffff  }
0x25a: {  	v51 =	vld.idx.msk [tilespmem:v58+s20+$0x0], $0xffff  }
0x25b: {  	v52 =	vld.idx.msk [tilespmem:v27+s20+$0x0], $0xffff  }
0x25c: {  	v53 =	vld.idx.msk [tilespmem:v29+s20+$0x0], $0xffff  }
0x25d: {  	v54 =	vld.idx.msk [tilespmem:v28+s20+$0x0], $0xffff  }
0x25e: {  	v55 =	vld.idx.msk [tilespmem:v30+s20+$0x0], $0xffff  }
0x25f: {  	v56 =	vld.idx.msk [tilespmem:v31+s20+$0x0], $0xffff  }
0x260: {  	v57 =	vld.idx.msk [tilespmem:v32+s20+$0x0], $0xffff  }
0x261: {  	v58 =	vld.idx.msk [tilespmem:v33+s20+$0x0], $0xffff;
	_ =	sdelay $0x1  }
0x262: {  	v0 =	vadd.f32 v1, v0;
	v1 =	vadd.f32 v3, v2  }
0x263: {  	v2 =	vadd.f32 v48, v47;
	v3 =	vadd.f32 v50, v49  }
0x264: {  	v59 =	vadd.f32 v52, v51;
	v60 =	vadd.f32 v54, v53  }
0x265: {  	v61 =	vadd.f32 v56, v55;
	v62 =	vadd.f32 v58, v57  }
0x266: {  	v0 =	vadd.f32 v1, v0;
	v1 =	vadd.f32 v3, v2  }
0x267: {  	v2 =	vadd.f32 v60, v59;
	v3 =	vadd.f32 v62, v61  }
0x268: {  	v63 =	vld [tilespmem:$0x1FE70]  }
0x269: {  	v0 =	vadd.f32 v1, v0;
	v1 =	vadd.f32 v3, v2;
	_ =	sdelay $0x1  }
0x26a: {  	v0 =	vadd.f32 v1, v0;
	_ =	sdelay $0x1  }
0x26b: {  	v0 =	vmul.f32 v0, v63;
	_ =	sdelay $0x1  }
0x26c: {  	v1 =	vand.u32 $0x7FFFFFFF, v0  }
0x26d: {  	v1 =	vsub.f32 $0.0e+00, v1;
	_ =	sdelay $0x1  }
0x26e: {  	v1 =	vmul.f32 $1.442695020e+00, v1;
	_ =	sdelay $0x1  }
0x26f: {  	(erf) = vpow2.f32 v1;
	_ =	sdelay $0x8  }
0x270: {  	v1 =	vpop (erf)  }
0x271: {  	v2 =	vadd.f32 $2.000000000e+00, v1;
	_ =	sdelay $0x1  }
0x272: {  	(erf) = vrcp.f32 v2;
	_ =	sdelay $0x8  }
0x273: {  	v2 =	vpop (erf)  }
0x274: {  	v1 =	vmul.f32 v2, v1;
	_ =	sdelay $0x1  }
0x275: {  	v2 =	vmul.f32 v1, v1;
	_ =	sdelay $0x1  }
0x276: {  	v3 =	vmul.f32 $1.111111120e-01, v2;
	_ =	sdelay $0x1  }
0x277: {  	v3 =	vadd.f32 $1.428571490e-01, v3;
	_ =	sdelay $0x1  }
0x278: {  	v3 =	vmul.f32 v3, v2;
	_ =	sdelay $0x1  }
0x279: {  	v3 =	vadd.f32 $2.000000030e-01, v3;
	_ =	sdelay $0x1  }
0x27a: {  	v3 =	vmul.f32 v3, v2;
	_ =	sdelay $0x1  }
0x27b: {  	v3 =	vadd.f32 $3.333333430e-01, v3;
	_ =	sdelay $0x1  }
0x27c: {  	v2 =	vmul.f32 v3, v2;
	_ =	sdelay $0x1  }
0x27d: {  	v1 =	vadd.f32 v1, v1;
	v2 =	vadd.f32 $1.000000000e+00, v2;
	_ =	sdelay $0x1  }
0x27e: {  	v1 =	vmul.f32 v2, v1  }
0x27f: {  	v0 =	vmax.f32 v0, $0.0e+00  }
0x280: {  	v0 =	vadd.f32 v1, v0;
	v1 =	vld [tilespmem:$0x1FDF0];
	_ =	sdelay $0x2  }
0x281: {  	p0 =	sne.s32 s26, $0x4000  }
.Ltmp1:
0x282: {  	_ = 	snop;
	(pc) =	sbr.rel @p0 .LBB2_5-.Ltmp1, $3  }
0x283: {  	v1 =	vadd.f32 v0, v1;
	_ =	sdelay $0x1  }
0x284: {  	[tilespmem:$0x1FDF0] =	vst v1  }
0x285: {  	s26 =	sadd.s32 $0x1000, s26;
	v0 =	vld [tilespmem:$0x1FDF0]  }
0x286: {  	s25 =	sadd.s32 $0x1, s25  }
0x287: {  	p0 =	sne.s32 s25, $0x7D  }
.Ltmp2:
0x288: {  	_ = 	snop;
	(pc) =	sbr.rel @p0 .LBB2_2-.Ltmp2, $1  }
0x289: {  	_ =	sdelay $0x3  }
0x28a: {  	v0 =	vmul.f32 $1.562499960e-06, v0;
	s24 =	sadd.s32 $0x1, s24  }
0x28b: {  	p0 =	sne.s32 s24, s9  }
.Ltmp3:
0x28c: {  	[tilespmem:$0xED40] =	vst v0;
	(pc) =	sbr.rel @p0 .LBB2_1-.Ltmp3, $4  }
0x28d: {  	[hbm4b:s8+s3] =	stream.linear.scatter [tilespmem:s23], [sflag:$0x5], $0x10, $0x38;
	[tilespmem:$0x18990] =	vst v63  }
0x28e: {  	_ =	swait.ge [sflag:s11], $0x10  }
0x28f: {  	[sflag:s11] =	ssyncset.done $0x0  }
0x290: {  	[sflag:s11] =	ssyncadd.s32 $0xFFFFFFF0  }
0x291: {  	_ =	sfence.sel $0x180000  }
0x292: {  	[bflag:$0x0] =	sbarrier.arrive $0xFFFF  }
0x293: {  	p0 =	sne.s32 s0, $0x0;
	_ =	strace $0x90000047  }
0x294: {  	s0 =	sadd.s32 @!p0 $0x100000, s1;
	[bflag:$0x2] =	sbarrier.arrive $0xFFFF  }
0x295: {  	[sflag:s0] =	ssyncadd.tile.s32 @!p0 $0x1;
	_ =	shalt  }
.Lfunc_end2:
_tile_overlayer_lowered:
.L_overlay_start_2:
0x296: {  	(tag) =	ssettag $0x2  }
0x297: {  	s0 =	rddreg [dreg:$0x0];
	s2 =	stileid.u32  }
0x298: {  	s1 =	rddreg [dreg:$0x1];
	p0 =	sne.s32 s2, $0x0  }
0x299: {  	s3 =	rddreg [dreg:$0x2];
	[bflag:$0x3] =	sbarrier.arrive $0xFFFF;
	s2 =	simm.s32 @!p0 $0x1C05  }
0x29a: {  	[timem:s3], [sflag:s2] =	dma.local @!p0 [hbm:s0], s1  }
0x29b: {  	s0 =	simm.s32 @!p0 $0x5  }
0x29c: {  	_ =	swait.ge @!p0 [sflag:s0], s1  }
0x29d: {  	s1 =	ssub.s32 @!p0 $0x0, s1;
	[sflag:s0] =	ssyncset.done @!p0 $0x0  }
0x29e: {  	[sflag:s0] =	ssyncadd.s32 @!p0 s1  }
0x29f: {  	[bflag:$0x3] =	sbarrier.arrive $0xFFFF  }
0x2a0: {  	_ =	shalt  }

</sc_bundles>
